<compile_context>
chip_gen: v7x
topology: tpu7x:2x2x1
jax: 0.10.2.dev20260603
libtpu: 0.0.44.dev20260713+nightly
codegen_flags: <defaults>
</compile_context>

<pallas_src>
import functools

import jax
import jax.numpy as jnp
from jax import lax
from jax.experimental import pallas as pl
from jax.experimental.pallas import tpu as pltpu
from jax.experimental.pallas import tpu_sc as plsc

N = 10000
G = 128
E = 320000

N_PAD = 10240
TRASH = 10200
D = 128
NC, NS, LANES = 2, 16, 16
NW = NC * NS
CHUNK = 128
CPW = 80
EPW = CPW * CHUNK
E_PAD = NW * EPW
ROWS_PER_SUB = N_PAD // NS
RBLK = 2048

_MESH = plsc.VectorSubcoreMesh(core_axis_name="c", subcore_axis_name="s")


def _sc_hist(src_hist, consts):

    @functools.partial(
        pl.kernel,
        out_type=jax.ShapeDtypeStruct((NC, N_PAD, D), jnp.float32),
        mesh=_MESH,
        scratch_types=[
            pltpu.VMEM((CHUNK,), jnp.int32),
            pltpu.VMEM((CHUNK,), jnp.int32),
            pltpu.VMEM((CHUNK, D), jnp.float32),
            pltpu.VMEM_SHARED((N_PAD, D), jnp.float32),
            pltpu.SemaphoreType.DMA,
            pltpu.SemaphoreType.DMA,
        ],
    )
    def k(idx_hbm, const_hbm, out_hbm, idx_c, idx_d, buf, acc, sem0, sem1):
        c = lax.axis_index("c")
        s = lax.axis_index("s")
        w = s * NC + c
        pltpu.sync_copy(const_hbm.at[0], buf)
        base = s * ROWS_PER_SUB

        @pl.loop(0, ROWS_PER_SUB // CHUNK)
        def _(t):
            pltpu.sync_copy(buf, acc.at[pl.ds(base + t * CHUNK, CHUNK)])

        pltpu.sync_copy(const_hbm.at[1], buf)
        plsc.subcore_barrier()

        @pl.loop(0, CPW // 2)
        def _(p):
            j = p * 2
            pltpu.sync_copy(idx_hbm.at[pl.ds(w * EPW + j * CHUNK, CHUNK)], idx_c)
            pltpu.sync_copy(idx_hbm.at[pl.ds(w * EPW + (j + 1) * CHUNK, CHUNK)],
                            idx_d)
            s0 = pltpu.async_copy(buf, acc.at[idx_c], sem0, add=True)
            s1 = pltpu.async_copy(buf, acc.at[idx_d], sem1, add=True)
            s0.wait()
            s1.wait()

        plsc.subcore_barrier()
        pltpu.sync_copy(acc.at[pl.ds(base, ROWS_PER_SUB)],
                        out_hbm.at[c, pl.ds(base, ROWS_PER_SUB)])

    return k(src_hist, consts)


def _sc_prop(table, src_flat, dst_flat, consts):

    @functools.partial(
        pl.kernel,
        out_type=jax.ShapeDtypeStruct((NC, N_PAD, D), jnp.float32),
        mesh=_MESH,
        scratch_types=[
            pltpu.VMEM((CPW, CHUNK), jnp.int32),
            pltpu.VMEM((CHUNK,), jnp.int32),
            pltpu.VMEM((CHUNK,), jnp.int32),
            pltpu.VMEM((CHUNK, D), jnp.float32),
            pltpu.VMEM((CHUNK, D), jnp.float32),
            pltpu.VMEM_SHARED((N_PAD, D), jnp.float32),
            pltpu.SemaphoreType.DMA,
            pltpu.SemaphoreType.DMA,
            pltpu.SemaphoreType.DMA,
            pltpu.SemaphoreType.DMA,
        ],
    )
    def k(table_hbm, src_hbm, dst_hbm, const_hbm, out_hbm,
          sidx_all, didx0, didx1, buf0, buf1, acc, sem0, sem1, sem2, sem3):
        c = lax.axis_index("c")
        s = lax.axis_index("s")
        w = s * NC + c
        pltpu.sync_copy(const_hbm.at[0], buf0)
        base = s * ROWS_PER_SUB

        @pl.loop(0, ROWS_PER_SUB // CHUNK)
        def _(t):
            pltpu.sync_copy(buf0, acc.at[pl.ds(base + t * CHUNK, CHUNK)])

        pltpu.sync_copy(src_hbm.at[w], sidx_all)
        plsc.subcore_barrier()
        ebase = w * EPW

        @pl.loop(0, CPW // 2)
        def _(p):
            j = p * 2
            g0 = pltpu.async_copy(table_hbm.at[sidx_all.at[j]], buf0, sem0)
            g1 = pltpu.async_copy(table_hbm.at[sidx_all.at[j + 1]], buf1, sem1)
            pltpu.sync_copy(dst_hbm.at[pl.ds(ebase + j * CHUNK, CHUNK)], didx0)
            pltpu.sync_copy(dst_hbm.at[pl.ds(ebase + (j + 1) * CHUNK, CHUNK)],
                            didx1)
            g0.wait()
            s0 = pltpu.async_copy(buf0, acc.at[didx0], sem2, add=True)
            g1.wait()
            s1 = pltpu.async_copy(buf1, acc.at[didx1], sem3, add=True)
            s0.wait()
            s1.wait()

        plsc.subcore_barrier()
        pltpu.sync_copy(acc.at[pl.ds(base, ROWS_PER_SUB)],
                        out_hbm.at[c, pl.ds(base, ROWS_PER_SUB)])

    return k(table, src_flat.reshape(NW, CPW, CHUNK), dst_flat, consts)



def _tc_matmul(xp, wcat):
    kdim, m = wcat.shape

    def body(x_ref, w_ref, o_ref):
        o_ref[...] = jnp.dot(x_ref[...], w_ref[...],
                             preferred_element_type=jnp.float32)

    return pl.pallas_call(
        body,
        grid=(N_PAD // RBLK,),
        in_specs=[pl.BlockSpec((RBLK, kdim), lambda i: (i, 0)),
                  pl.BlockSpec((kdim, m), lambda i: (0, 0))],
        out_specs=pl.BlockSpec((RBLK, m), lambda i: (i, 0)),
        out_shape=jax.ShapeDtypeStruct((N_PAD, m), jnp.float32),
    )(xp, wcat)


def _tc_dis_g2(degp, a):
    def body(d_ref, a_ref, dis_ref, g2_ref):
        deg = d_ref[0, :, 0:1] + d_ref[1, :, 0:1]
        dis = jnp.where(deg > 0, lax.rsqrt(jnp.maximum(deg, 1e-12)), 0.0)
        dis_ref[...] = dis
        g2_ref[...] = dis * a_ref[...]

    return pl.pallas_call(
        body,
        grid=(N_PAD // RBLK,),
        in_specs=[pl.BlockSpec((NC, RBLK, D), lambda i: (0, i, 0)),
                  pl.BlockSpec((RBLK, 128), lambda i: (i, 2))],
        out_specs=[pl.BlockSpec((RBLK, 1), lambda i: (i, 0)),
                   pl.BlockSpec((RBLK, 128), lambda i: (i, 0))],
        out_shape=[jax.ShapeDtypeStruct((N_PAD, 1), jnp.float32),
                   jax.ShapeDtypeStruct((N_PAD, 128), jnp.float32)],
    )(degp, a)


def _tc_g1(dis, a, s2):
    def body(dis_ref, a_ref, s_ref, o_ref):
        dis_b = dis_ref[...]
        o_ref[...] = dis_b * (a_ref[...] - dis_b * (s_ref[0] + s_ref[1]))

    return pl.pallas_call(
        body,
        grid=(N_PAD // RBLK,),
        in_specs=[pl.BlockSpec((RBLK, 1), lambda i: (i, 0)),
                  pl.BlockSpec((RBLK, 128), lambda i: (i, 1)),
                  pl.BlockSpec((NC, RBLK, 128), lambda i: (0, i, 0))],
        out_specs=pl.BlockSpec((RBLK, 128), lambda i: (i, 0)),
        out_shape=jax.ShapeDtypeStruct((N_PAD, 128), jnp.float32),
    )(dis, a, s2)


def _tc_h_mm(dis, a, s1, b1t, vcat):
    m = vcat.shape[1]

    def body(dis_ref, a_ref, s_ref, b_ref, w_ref, c_ref, g_ref):
        dis_b = dis_ref[...]
        h = a_ref[...] + b_ref[0:1, :] - dis_b * (s_ref[0] + s_ref[1])
        h = jnp.maximum(h, 0.0)
        cfull = jnp.dot(h, w_ref[...], preferred_element_type=jnp.float32)
        c_ref[...] = cfull
        g_ref[...] = jnp.concatenate(
            [dis_b * cfull[:, 128:], jnp.zeros((RBLK, 64), jnp.float32)],
            axis=1)

    return pl.pallas_call(
        body,
        grid=(N_PAD // RBLK,),
        in_specs=[pl.BlockSpec((RBLK, 1), lambda i: (i, 0)),
                  pl.BlockSpec((RBLK, 128), lambda i: (i, 0)),
                  pl.BlockSpec((NC, RBLK, 128), lambda i: (0, i, 0)),
                  pl.BlockSpec((8, 128), lambda i: (0, 0)),
                  pl.BlockSpec((128, m), lambda i: (0, 0))],
        out_specs=[pl.BlockSpec((RBLK, m), lambda i: (i, 0)),
                   pl.BlockSpec((RBLK, 128), lambda i: (i, 0))],
        out_shape=[jax.ShapeDtypeStruct((N_PAD, m), jnp.float32),
                   jax.ShapeDtypeStruct((N_PAD, 128), jnp.float32)],
    )(dis, a, s1, b1t, vcat)


def _tc_g1p(dis, cmat, s2p):
    def body(dis_ref, c_ref, s_ref, o_ref):
        dis_b = dis_ref[...]
        val = dis_b * (c_ref[:, 64:128]
                       - dis_b * (s_ref[0, :, 0:64] + s_ref[1, :, 0:64]))
        o_ref[...] = jnp.concatenate(
            [val, jnp.zeros((RBLK, 64), jnp.float32)], axis=1)

    return pl.pallas_call(
        body,
        grid=(N_PAD // RBLK,),
        in_specs=[pl.BlockSpec((RBLK, 1), lambda i: (i, 0)),
                  pl.BlockSpec((RBLK, 192), lambda i: (i, 0)),
                  pl.BlockSpec((NC, RBLK, 128), lambda i: (0, i, 0))],
        out_specs=pl.BlockSpec((RBLK, 128), lambda i: (i, 0)),
        out_shape=jax.ShapeDtypeStruct((N_PAD, 128), jnp.float32),
    )(dis, cmat, s2p)


def _tc_pool(dis, cmat, s1p, b2t, batch2d):
    nblk = N_PAD // RBLK

    def body(dis_ref, c_ref, s_ref, b_ref, bt_ref, o_ref, pool_acc, cnt_acc):
        i = pl.program_id(0)
        dis_b = dis_ref[...]
        o_blk = (c_ref[:, 0:64] + b_ref[0:1, :]
                 - dis_b * (s_ref[0, :, 0:64] + s_ref[1, :, 0:64]))
        ids = bt_ref[...]
        iota = lax.broadcasted_iota(jnp.int32, (RBLK, G), 1)
        onehot = (iota == ids).astype(jnp.float32)
        pp = lax.dot_general(onehot, o_blk, (((0,), (0,)), ((), ())),
                             preferred_element_type=jnp.float32)
        cc = jnp.sum(onehot, axis=0)[None, :]

        @pl.when(i == 0)
        def _():
            pool_acc[...] = pp
            cnt_acc[...] = cc

        @pl.when(i > 0)
        def _():
            pool_acc[...] += pp
            cnt_acc[...] += cc

        @pl.when(i == nblk - 1)
        def _():
            cnt = jnp.maximum(cnt_acc[...], 1.0)
            p = pool_acc[...] / cnt.reshape(G, 1)
            m = jnp.max(p, axis=1, keepdims=True)
            z = p - m
            o_ref[...] = z - jnp.log(jnp.sum(jnp.exp(z), axis=1, keepdims=True))

    return pl.pallas_call(
        body,
        grid=(nblk,),
        in_specs=[pl.BlockSpec((RBLK, 1), lambda i: (i, 0)),
                  pl.BlockSpec((RBLK, 192), lambda i: (i, 0)),
                  pl.BlockSpec((NC, RBLK, 128), lambda i: (0, i, 0)),
                  pl.BlockSpec((8, 64), lambda i: (0, 0)),
                  pl.BlockSpec((RBLK, 1), lambda i: (i, 0))],
        out_specs=pl.BlockSpec((G, 64), lambda i: (0, 0)),
        out_shape=jax.ShapeDtypeStruct((G, 64), jnp.float32),
        scratch_shapes=[pltpu.VMEM((G, 64), jnp.float32),
                        pltpu.VMEM((1, G), jnp.float32)],
    )(dis, cmat, s1p, b2t, batch2d)


def kernel(x, edge_index, batch, W1, b1, W2, b2):
    src = edge_index[0].astype(jnp.int32)
    dst = edge_index[1].astype(jnp.int32)
    pad_e = E_PAD - E
    pad_cycle = jnp.arange(pad_e, dtype=jnp.int32)
    pad_gather = pad_cycle % N
    pad_trash = N + (pad_cycle % (N_PAD - N))
    src_gather = jnp.concatenate([src, pad_gather])
    dst_scatter = jnp.concatenate([dst, pad_trash])
    src_hist = jnp.concatenate([src, pad_trash])

    xp = jnp.pad(x, ((0, N_PAD - N), (0, 0)))
    batch2d = jnp.concatenate(
        [batch.astype(jnp.int32), jnp.full((N_PAD - N,), G, jnp.int32)])[:, None]

    ucat = jnp.concatenate([W1[0] - W1[2], W1[1], 2.0 * W1[2]], axis=1)
    vcat = jnp.concatenate([W2[0] - W2[2], W2[1], 2.0 * W2[2]], axis=1)
    b1t = jnp.broadcast_to(b1, (8, 128))
    b2t = jnp.broadcast_to(b2, (8, 64))
    consts = jnp.stack([jnp.zeros((CHUNK, D), jnp.float32),
                        jnp.ones((CHUNK, D), jnp.float32)])

    degp = _sc_hist(src_hist, consts)
    a = _tc_matmul(xp, ucat)
    dis, g2 = _tc_dis_g2(degp, a)
    s2 = _sc_prop(g2, src_gather, dst_scatter, consts)
    g1 = _tc_g1(dis, a, s2)
    s1 = _sc_prop(g1, src_gather, dst_scatter, consts)
    cmat, g2p = _tc_h_mm(dis, a, s1, b1t, vcat)
    s2p = _sc_prop(g2p, src_gather, dst_scatter, consts)
    g1p = _tc_g1p(dis, cmat, s2p)
    s1p = _sc_prop(g1p, src_gather, dst_scatter, consts)
    return _tc_pool(dis, cmat, s1p, b2t, batch2d)

# --- scband reference (transcript-rebuilt; emitter-appended) ---
"""Pipeline reference for scband-cheb-net-54065048322460 (READ-ONLY COPY).

The authoritative reference and input builder live on the scoring server;
editing this copy changes nothing except your own understanding.
"""

import jax, jax.numpy as jnp
import numpy as np

N = 10000
E = 320000
G = 128
K = 3
D_IN = 128
D_HID = 128
D_OUT = 64


def setup_inputs(seed: int = 0) -> dict:
    key = jax.random.key(seed)
    k1, k2, k3, k4, k5 = jax.random.split(key, 5)
    x = jax.random.normal(k1, (N, D_IN), dtype=jnp.float32)
    edge_index = jax.random.randint(k2, (2, E), 0, N)
    batch = jnp.sort(jax.random.randint(k3, (N,), 0, G))
    s1 = 1.0 / np.sqrt(D_IN)
    s2 = 1.0 / np.sqrt(D_HID)
    W1 = jax.random.normal(k4, (K, D_IN, D_HID), dtype=jnp.float32) * s1
    b1 = jnp.zeros((D_HID,), dtype=jnp.float32)
    W2 = jax.random.normal(k5, (K, D_HID, D_OUT), dtype=jnp.float32) * s2
    b2 = jnp.zeros((D_OUT,), dtype=jnp.float32)
    return {"x": x, "edge_index": edge_index, "batch": batch, "W1": W1, "b1": b1, "W2": W2, "b2": b2}


def _cheb_conv(x, edge_index, W, b):
    # Faithful PyG ChebConv with normalization='sym', lambda_max=2.0:
    # L_hat = (2/lambda_max) * L - I = -D^{-1/2} A D^{-1/2}
    src = edge_index[0]
    dst = edge_index[1]
    n = x.shape[0]
    ew = jnp.ones((src.shape[0],), dtype=x.dtype)
    deg = jnp.zeros((n,), dtype=x.dtype).at[src].add(ew)
    dis = jnp.where(deg > 0, 1.0 / jnp.sqrt(jnp.maximum(deg, 1e-12)), 0.0)
    norm = -dis[src] * ew * dis[dst]

    def prop(h):
        msg = norm[:, None] * h[src]
        return jnp.zeros_like(h).at[dst].add(msg)

    Tx0 = x
    out = Tx0 @ W[0]
    Tx1 = prop(Tx0)
    out = out + Tx1 @ W[1]
    for k in range(2, W.shape[0]):
        Tx2 = 2.0 * prop(Tx1) - Tx0
        out = out + Tx2 @ W[k]
        Tx0, Tx1 = Tx1, Tx2
    return out + b


def reference(x, edge_index, batch, W1, b1, W2, b2):
    h = _cheb_conv(x, edge_index, W1, b1)
    h = jax.nn.relu(h)
    h = _cheb_conv(h, edge_index, W2, b2)
    # global_mean_pool over batch ids
    counts = jnp.zeros((G,), dtype=h.dtype).at[batch].add(1.0)
    pooled = jnp.zeros((G, h.shape[1]), dtype=h.dtype).at[batch].add(h)
    pooled = pooled / jnp.maximum(counts, 1.0)[:, None]
    return jax.nn.log_softmax(pooled, axis=1)

if __name__ == "__main__":
    import jax
    _d = setup_inputs()
    print(jax.jit(kernel)(*tuple(_d.values())))

</pallas_src>

<mosaic_0001>
#map = affine_map<(d0, d1) -> (0)>
#map1 = affine_map<(d0, d1) -> (0, 0, 0)>
module attributes {stable_mosaic.version = 14 : i64} {
  func.func @k(%arg0: i32, %arg1: i32, %arg2: memref<327680xi32, #tpu.memory_space<hbm>>, %arg3: memref<2x128x128xf32, #tpu.memory_space<hbm>>, %arg4: memref<2x10240x128xf32, #tpu.memory_space<hbm>>, %arg5: memref<128xi32, #tpu.memory_space<vmem>>, %arg6: memref<128xi32, #tpu.memory_space<vmem>>, %arg7: memref<128x128xf32, #tpu.memory_space<vmem>>, %arg8: memref<10240x128xf32, #tpu.memory_space<vmem_shared>>, %arg9: memref<!tpu.dma_semaphore, #tpu.memory_space<semaphore_mem>>, %arg10: memref<!tpu.dma_semaphore, #tpu.memory_space<semaphore_mem>>) attributes {dimension_semantics = [#tpu.dimension_semantics<core_parallel>, #tpu.dimension_semantics<subcore_parallel>], iteration_bounds = array<i64: 2, 16>, scalar_prefetch = 0 : i64, scratch_operands = 6 : i64, tpu.core_type = #tpu.core_type<sc_vector_subcore>, window_params = [{transform_indices = #map}, {transform_indices = #map1}, {transform_indices = #map1}]} {
    %mul3A = arith.constant 2 : i32
    %mul3A_0 = arith.muli %arg1, %mul3A : i32
    %add3A = arith.addi %mul3A_0, %arg0 : i32
    %run_scoped3A = arith.constant 0 : i32
    "tpu.region"() ({
      %run_scoped3A_14 = tpu.sem_alloc : memref<!tpu.dma_semaphore, #tpu.memory_space<semaphore_mem>>
      %dma_start3A = arith.constant 0 : i32
      %dma_start3A_15 = arith.constant 0 : i32
      %dma_start3A_16 = tpu.memref_slice %arg3[%run_scoped3A, %dma_start3A, %dma_start3A_15] : memref<2x128x128xf32, #tpu.memory_space<hbm>> -> memref<1x128x128xf32, #tpu.memory_space<hbm>>
      %dma_start3A_17 = tpu.memref_squeeze %dma_start3A_16 : memref<1x128x128xf32, #tpu.memory_space<hbm>> -> memref<128x128xf32, #tpu.memory_space<hbm>>
      %dma_start3A_18 = arith.constant 0 : i32
      %dma_start3A_19 = arith.constant 0 : i32
      %dma_start3A_20 = tpu.memref_slice %arg3[%run_scoped3A, %dma_start3A_18, %dma_start3A_19] : memref<2x128x128xf32, #tpu.memory_space<hbm>> -> memref<1x128x128xf32, #tpu.memory_space<hbm>>
      %dma_start3A_21 = tpu.memref_squeeze %dma_start3A_20 : memref<1x128x128xf32, #tpu.memory_space<hbm>> -> memref<128x128xf32, #tpu.memory_space<hbm>>
      tpu.enqueue_dma source(%dma_start3A_21 : memref<128x128xf32, #tpu.memory_space<hbm>>) target(%arg7 : memref<128x128xf32, #tpu.memory_space<vmem>>) target_semaphore(%run_scoped3A_14 : memref<!tpu.dma_semaphore, #tpu.memory_space<semaphore_mem>>)
      %dma_wait3A = arith.constant 0 : i32
      %dma_wait3A_22 = arith.constant 0 : i32
      %dma_wait3A_23 = tpu.memref_slice %arg3[%run_scoped3A, %dma_wait3A, %dma_wait3A_22] : memref<2x128x128xf32, #tpu.memory_space<hbm>> -> memref<1x128x128xf32, #tpu.memory_space<hbm>>
      %dma_wait3A_24 = tpu.memref_squeeze %dma_wait3A_23 : memref<1x128x128xf32, #tpu.memory_space<hbm>> -> memref<128x128xf32, #tpu.memory_space<hbm>>
      %dma_wait3A_25 = arith.constant 0 : i32
      %dma_wait3A_26 = arith.constant 0 : i32
      %dma_wait3A_27 = tpu.memref_slice %arg3[%run_scoped3A, %dma_wait3A_25, %dma_wait3A_26] : memref<2x128x128xf32, #tpu.memory_space<hbm>> -> memref<1x128x128xf32, #tpu.memory_space<hbm>>
      %dma_wait3A_28 = tpu.memref_squeeze %dma_wait3A_27 : memref<1x128x128xf32, #tpu.memory_space<hbm>> -> memref<128x128xf32, #tpu.memory_space<hbm>>
      tpu.wait_dma2 semaphore(%run_scoped3A_14 : memref<!tpu.dma_semaphore, #tpu.memory_space<semaphore_mem>>) src(%dma_wait3A_28 : memref<128x128xf32, #tpu.memory_space<hbm>>) dst(%arg7 : memref<128x128xf32, #tpu.memory_space<vmem>>)
      tpu.yield
    }) : () -> ()
    %mul3A_1 = arith.constant 640 : i32
    %mul3A_2 = arith.muli %arg1, %mul3A_1 : i32
    %scan3A = arith.constant 0 : i32
    %scan3A_3 = arith.constant 5 : i32
    %scan3A_4 = arith.addi %scan3A, %scan3A_3 : i32
    %scan3A_5 = arith.constant 1 : i32
    scf.for %scan3A_14 = %scan3A to %scan3A_4 step %scan3A_5  : i32 {
      %mul3A_15 = arith.constant 1 : i32
      %mul3A_16 = arith.muli %scan3A_14, %mul3A_15 : i32
      %add3A_17 = arith.constant 0 : i32
      %add3A_18 = arith.addi %add3A_17, %mul3A_16 : i32
      %mul3A_19 = arith.constant 128 : i32
      %mul3A_20 = arith.muli %add3A_18, %mul3A_19 : i32
      %add3A_21 = arith.addi %mul3A_2, %mul3A_20 : i32
      "tpu.region"() ({
        %run_scoped3A_22 = tpu.sem_alloc : memref<!tpu.dma_semaphore, #tpu.memory_space<semaphore_mem>>
        %dma_start3A = arith.constant 0 : i32
        %dma_start3A_23 = tpu.memref_slice %arg8[%add3A_21, %dma_start3A] : memref<10240x128xf32, #tpu.memory_space<vmem_shared>> -> memref<128x128xf32, #tpu.memory_space<vmem_shared>>
        %dma_start3A_24 = arith.constant 0 : i32
        %dma_start3A_25 = tpu.memref_slice %arg8[%add3A_21, %dma_start3A_24] : memref<10240x128xf32, #tpu.memory_space<vmem_shared>> -> memref<128x128xf32, #tpu.memory_space<vmem_shared>>
        tpu.enqueue_dma source(%arg7 : memref<128x128xf32, #tpu.memory_space<vmem>>) target(%dma_start3A_25 : memref<128x128xf32, #tpu.memory_space<vmem_shared>>) target_semaphore(%run_scoped3A_22 : memref<!tpu.dma_semaphore, #tpu.memory_space<semaphore_mem>>)
        %dma_wait3A = arith.constant 0 : i32
        %dma_wait3A_26 = tpu.memref_slice %arg8[%add3A_21, %dma_wait3A] : memref<10240x128xf32, #tpu.memory_space<vmem_shared>> -> memref<128x128xf32, #tpu.memory_space<vmem_shared>>
        %dma_wait3A_27 = arith.constant 0 : i32
        %dma_wait3A_28 = tpu.memref_slice %arg8[%add3A_21, %dma_wait3A_27] : memref<10240x128xf32, #tpu.memory_space<vmem_shared>> -> memref<128x128xf32, #tpu.memory_space<vmem_shared>>
        tpu.wait_dma2 semaphore(%run_scoped3A_22 : memref<!tpu.dma_semaphore, #tpu.memory_space<semaphore_mem>>) src(%arg7 : memref<128x128xf32, #tpu.memory_space<vmem>>) dst(%dma_wait3A_28 : memref<128x128xf32, #tpu.memory_space<vmem_shared>>)
        tpu.yield
      }) : () -> ()
    }
    %scan3A_6 = arith.constant 5 : i32
    %run_scoped3A_7 = arith.constant 1 : i32
    "tpu.region"() ({
      %run_scoped3A_14 = tpu.sem_alloc : memref<!tpu.dma_semaphore, #tpu.memory_space<semaphore_mem>>
      %dma_start3A = arith.constant 0 : i32
      %dma_start3A_15 = arith.constant 0 : i32
      %dma_start3A_16 = tpu.memref_slice %arg3[%run_scoped3A_7, %dma_start3A, %dma_start3A_15] : memref<2x128x128xf32, #tpu.memory_space<hbm>> -> memref<1x128x128xf32, #tpu.memory_space<hbm>>
      %dma_start3A_17 = tpu.memref_squeeze %dma_start3A_16 : memref<1x128x128xf32, #tpu.memory_space<hbm>> -> memref<128x128xf32, #tpu.memory_space<hbm>>
      %dma_start3A_18 = arith.constant 0 : i32
      %dma_start3A_19 = arith.constant 0 : i32
      %dma_start3A_20 = tpu.memref_slice %arg3[%run_scoped3A_7, %dma_start3A_18, %dma_start3A_19] : memref<2x128x128xf32, #tpu.memory_space<hbm>> -> memref<1x128x128xf32, #tpu.memory_space<hbm>>
      %dma_start3A_21 = tpu.memref_squeeze %dma_start3A_20 : memref<1x128x128xf32, #tpu.memory_space<hbm>> -> memref<128x128xf32, #tpu.memory_space<hbm>>
      tpu.enqueue_dma source(%dma_start3A_21 : memref<128x128xf32, #tpu.memory_space<hbm>>) target(%arg7 : memref<128x128xf32, #tpu.memory_space<vmem>>) target_semaphore(%run_scoped3A_14 : memref<!tpu.dma_semaphore, #tpu.memory_space<semaphore_mem>>)
      %dma_wait3A = arith.constant 0 : i32
      %dma_wait3A_22 = arith.constant 0 : i32
      %dma_wait3A_23 = tpu.memref_slice %arg3[%run_scoped3A_7, %dma_wait3A, %dma_wait3A_22] : memref<2x128x128xf32, #tpu.memory_space<hbm>> -> memref<1x128x128xf32, #tpu.memory_space<hbm>>
      %dma_wait3A_24 = tpu.memref_squeeze %dma_wait3A_23 : memref<1x128x128xf32, #tpu.memory_space<hbm>> -> memref<128x128xf32, #tpu.memory_space<hbm>>
      %dma_wait3A_25 = arith.constant 0 : i32
      %dma_wait3A_26 = arith.constant 0 : i32
      %dma_wait3A_27 = tpu.memref_slice %arg3[%run_scoped3A_7, %dma_wait3A_25, %dma_wait3A_26] : memref<2x128x128xf32, #tpu.memory_space<hbm>> -> memref<1x128x128xf32, #tpu.memory_space<hbm>>
      %dma_wait3A_28 = tpu.memref_squeeze %dma_wait3A_27 : memref<1x128x128xf32, #tpu.memory_space<hbm>> -> memref<128x128xf32, #tpu.memory_space<hbm>>
      tpu.wait_dma2 semaphore(%run_scoped3A_14 : memref<!tpu.dma_semaphore, #tpu.memory_space<semaphore_mem>>) src(%dma_wait3A_28 : memref<128x128xf32, #tpu.memory_space<hbm>>) dst(%arg7 : memref<128x128xf32, #tpu.memory_space<vmem>>)
      tpu.yield
    }) : () -> ()
    %barrier3A = arith.constant 0 : index
    tpu.barrier barrier_id(%barrier3A)
    %scan3A_8 = arith.constant 0 : i32
    %scan3A_9 = arith.constant 40 : i32
    %scan3A_10 = arith.addi %scan3A_8, %scan3A_9 : i32
    %scan3A_11 = arith.constant 1 : i32
    scf.for %scan3A_14 = %scan3A_8 to %scan3A_10 step %scan3A_11  : i32 {
      %mul3A_15 = arith.constant 1 : i32
      %mul3A_16 = arith.muli %scan3A_14, %mul3A_15 : i32
      %add3A_17 = arith.constant 0 : i32
      %add3A_18 = arith.addi %add3A_17, %mul3A_16 : i32
      %mul3A_19 = arith.constant 2 : i32
      %mul3A_20 = arith.muli %add3A_18, %mul3A_19 : i32
      %mul3A_21 = arith.constant 10240 : i32
      %mul3A_22 = arith.muli %add3A, %mul3A_21 : i32
      %mul3A_23 = arith.constant 128 : i32
      %mul3A_24 = arith.muli %mul3A_20, %mul3A_23 : i32
      %add3A_25 = arith.addi %mul3A_22, %mul3A_24 : i32
      "tpu.region"() ({
        %run_scoped3A_43 = tpu.sem_alloc : memref<!tpu.dma_semaphore, #tpu.memory_space<semaphore_mem>>
        %dma_start3A_44 = tpu.memref_slice %arg2[%add3A_25] : memref<327680xi32, #tpu.memory_space<hbm>> -> memref<128xi32, #tpu.memory_space<hbm>>
        %dma_start3A_45 = tpu.memref_slice %arg2[%add3A_25] : memref<327680xi32, #tpu.memory_space<hbm>> -> memref<128xi32, #tpu.memory_space<hbm>>
        tpu.enqueue_dma source(%dma_start3A_45 : memref<128xi32, #tpu.memory_space<hbm>>) target(%arg5 : memref<128xi32, #tpu.memory_space<vmem>>) target_semaphore(%run_scoped3A_43 : memref<!tpu.dma_semaphore, #tpu.memory_space<semaphore_mem>>)
        %dma_wait3A_46 = tpu.memref_slice %arg2[%add3A_25] : memref<327680xi32, #tpu.memory_space<hbm>> -> memref<128xi32, #tpu.memory_space<hbm>>
        %dma_wait3A_47 = tpu.memref_slice %arg2[%add3A_25] : memref<327680xi32, #tpu.memory_space<hbm>> -> memref<128xi32, #tpu.memory_space<hbm>>
        tpu.wait_dma2 semaphore(%run_scoped3A_43 : memref<!tpu.dma_semaphore, #tpu.memory_space<semaphore_mem>>) src(%dma_wait3A_47 : memref<128xi32, #tpu.memory_space<hbm>>) dst(%arg5 : memref<128xi32, #tpu.memory_space<vmem>>)
        tpu.yield
      }) : () -> ()
      %mul3A_26 = arith.constant 10240 : i32
      %mul3A_27 = arith.muli %add3A, %mul3A_26 : i32
      %add3A_28 = arith.constant 1 : i32
      %add3A_29 = arith.addi %mul3A_20, %add3A_28 : i32
      %mul3A_30 = arith.constant 128 : i32
      %mul3A_31 = arith.muli %add3A_29, %mul3A_30 : i32
      %add3A_32 = arith.addi %mul3A_27, %mul3A_31 : i32
      "tpu.region"() ({
        %run_scoped3A_43 = tpu.sem_alloc : memref<!tpu.dma_semaphore, #tpu.memory_space<semaphore_mem>>
        %dma_start3A_44 = tpu.memref_slice %arg2[%add3A_32] : memref<327680xi32, #tpu.memory_space<hbm>> -> memref<128xi32, #tpu.memory_space<hbm>>
        %dma_start3A_45 = tpu.memref_slice %arg2[%add3A_32] : memref<327680xi32, #tpu.memory_space<hbm>> -> memref<128xi32, #tpu.memory_space<hbm>>
        tpu.enqueue_dma source(%dma_start3A_45 : memref<128xi32, #tpu.memory_space<hbm>>) target(%arg6 : memref<128xi32, #tpu.memory_space<vmem>>) target_semaphore(%run_scoped3A_43 : memref<!tpu.dma_semaphore, #tpu.memory_space<semaphore_mem>>)
        %dma_wait3A_46 = tpu.memref_slice %arg2[%add3A_32] : memref<327680xi32, #tpu.memory_space<hbm>> -> memref<128xi32, #tpu.memory_space<hbm>>
        %dma_wait3A_47 = tpu.memref_slice %arg2[%add3A_32] : memref<327680xi32, #tpu.memory_space<hbm>> -> memref<128xi32, #tpu.memory_space<hbm>>
        tpu.wait_dma2 semaphore(%run_scoped3A_43 : memref<!tpu.dma_semaphore, #tpu.memory_space<semaphore_mem>>) src(%dma_wait3A_47 : memref<128xi32, #tpu.memory_space<hbm>>) dst(%arg6 : memref<128xi32, #tpu.memory_space<vmem>>)
        tpu.yield
      }) : () -> ()
      %dma_start3A = arith.constant 0 : i32
      %dma_start3A_33 = arith.constant 0 : i32
      %dma_start3A_34 = tpu.memref_slice %arg8[%dma_start3A, %dma_start3A_33] : memref<10240x128xf32, #tpu.memory_space<vmem_shared>> -> memref<10240x128xf32, #tpu.memory_space<vmem_shared>>
      tpu.enqueue_indirect_dma source(%arg7 : memref<128x128xf32, #tpu.memory_space<vmem>>) target(%dma_start3A_34 : memref<10240x128xf32, #tpu.memory_space<vmem_shared>>) offsets(%arg5 : memref<128xi32, #tpu.memory_space<vmem>>) semaphore(%arg9 : memref<!tpu.dma_semaphore, #tpu.memory_space<semaphore_mem>>) {add = true}
      %dma_start3A_35 = arith.constant 0 : i32
      %dma_start3A_36 = arith.constant 0 : i32
      %dma_start3A_37 = tpu.memref_slice %arg8[%dma_start3A_35, %dma_start3A_36] : memref<10240x128xf32, #tpu.memory_space<vmem_shared>> -> memref<10240x128xf32, #tpu.memory_space<vmem_shared>>
      tpu.enqueue_indirect_dma source(%arg7 : memref<128x128xf32, #tpu.memory_space<vmem>>) target(%dma_start3A_37 : memref<10240x128xf32, #tpu.memory_space<vmem_shared>>) offsets(%arg6 : memref<128xi32, #tpu.memory_space<vmem>>) semaphore(%arg10 : memref<!tpu.dma_semaphore, #tpu.memory_space<semaphore_mem>>) {add = true}
      %dma_wait3A = arith.constant 0 : i32
      %dma_wait3A_38 = arith.constant 0 : i32
      %dma_wait3A_39 = tpu.memref_slice %arg8[%dma_wait3A, %dma_wait3A_38] : memref<10240x128xf32, #tpu.memory_space<vmem_shared>> -> memref<10240x128xf32, #tpu.memory_space<vmem_shared>>
      tpu.wait_indirect_dma semaphore(%arg9 : memref<!tpu.dma_semaphore, #tpu.memory_space<semaphore_mem>>) src(%arg7 : memref<128x128xf32, #tpu.memory_space<vmem>>) dst(%dma_wait3A_39 : memref<10240x128xf32, #tpu.memory_space<vmem_shared>>)
      %dma_wait3A_40 = arith.constant 0 : i32
      %dma_wait3A_41 = arith.constant 0 : i32
      %dma_wait3A_42 = tpu.memref_slice %arg8[%dma_wait3A_40, %dma_wait3A_41] : memref<10240x128xf32, #tpu.memory_space<vmem_shared>> -> memref<10240x128xf32, #tpu.memory_space<vmem_shared>>
      tpu.wait_indirect_dma semaphore(%arg10 : memref<!tpu.dma_semaphore, #tpu.memory_space<semaphore_mem>>) src(%arg7 : memref<128x128xf32, #tpu.memory_space<vmem>>) dst(%dma_wait3A_42 : memref<10240x128xf32, #tpu.memory_space<vmem_shared>>)
    }
    %scan3A_12 = arith.constant 40 : i32
    %barrier3A_13 = arith.constant 0 : index
    tpu.barrier barrier_id(%barrier3A_13)
    "tpu.region"() ({
      %run_scoped3A_14 = tpu.sem_alloc : memref<!tpu.dma_semaphore, #tpu.memory_space<semaphore_mem>>
      %dma_start3A = arith.constant 0 : i32
      %dma_start3A_15 = tpu.memref_slice %arg4[%arg0, %mul3A_2, %dma_start3A] : memref<2x10240x128xf32, #tpu.memory_space<hbm>> -> memref<1x640x128xf32, #tpu.memory_space<hbm>>
      %dma_start3A_16 = tpu.memref_squeeze %dma_start3A_15 : memref<1x640x128xf32, #tpu.memory_space<hbm>> -> memref<640x128xf32, #tpu.memory_space<hbm>>
      %dma_start3A_17 = arith.constant 0 : i32
      %dma_start3A_18 = tpu.memref_slice %arg8[%mul3A_2, %dma_start3A_17] : memref<10240x128xf32, #tpu.memory_space<vmem_shared>> -> memref<640x128xf32, #tpu.memory_space<vmem_shared>>
      tpu.enqueue_dma source(%dma_start3A_18 : memref<640x128xf32, #tpu.memory_space<vmem_shared>>) target(%dma_start3A_16 : memref<640x128xf32, #tpu.memory_space<hbm>>) target_semaphore(%run_scoped3A_14 : memref<!tpu.dma_semaphore, #tpu.memory_space<semaphore_mem>>)
      %dma_wait3A = arith.constant 0 : i32
      %dma_wait3A_19 = tpu.memref_slice %arg4[%arg0, %mul3A_2, %dma_wait3A] : memref<2x10240x128xf32, #tpu.memory_space<hbm>> -> memref<1x640x128xf32, #tpu.memory_space<hbm>>
      %dma_wait3A_20 = tpu.memref_squeeze %dma_wait3A_19 : memref<1x640x128xf32, #tpu.memory_space<hbm>> -> memref<640x128xf32, #tpu.memory_space<hbm>>
      %dma_wait3A_21 = arith.constant 0 : i32
      %dma_wait3A_22 = tpu.memref_slice %arg8[%mul3A_2, %dma_wait3A_21] : memref<10240x128xf32, #tpu.memory_space<vmem_shared>> -> memref<640x128xf32, #tpu.memory_space<vmem_shared>>
      tpu.wait_dma2 semaphore(%run_scoped3A_14 : memref<!tpu.dma_semaphore, #tpu.memory_space<semaphore_mem>>) src(%dma_wait3A_22 : memref<640x128xf32, #tpu.memory_space<vmem_shared>>) dst(%dma_wait3A_20 : memref<640x128xf32, #tpu.memory_space<hbm>>)
      tpu.yield
    }) : () -> ()
    return
  }
}

#map = affine_map<(d0, d1) -> (0, 0)>
#map1 = affine_map<(d0, d1) -> (0, 0, 0)>
#map2 = affine_map<(d0, d1) -> (0)>
module attributes {stable_mosaic.version = 14 : i64} {
  func.func @k(%arg0: i32, %arg1: i32, %arg2: memref<10240x128xf32, #tpu.memory_space<hbm>>, %arg3: memref<32x80x128xi32, #tpu.memory_space<hbm>>, %arg4: memref<327680xi32, #tpu.memory_space<hbm>>, %arg5: memref<2x128x128xf32, #tpu.memory_space<hbm>>, %arg6: memref<2x10240x128xf32, #tpu.memory_space<hbm>>, %arg7: memref<80x128xi32, #tpu.memory_space<vmem>>, %arg8: memref<128xi32, #tpu.memory_space<vmem>>, %arg9: memref<128xi32, #tpu.memory_space<vmem>>, %arg10: memref<128x128xf32, #tpu.memory_space<vmem>>, %arg11: memref<128x128xf32, #tpu.memory_space<vmem>>, %arg12: memref<10240x128xf32, #tpu.memory_space<vmem_shared>>, %arg13: memref<!tpu.dma_semaphore, #tpu.memory_space<semaphore_mem>>, %arg14: memref<!tpu.dma_semaphore, #tpu.memory_space<semaphore_mem>>, %arg15: memref<!tpu.dma_semaphore, #tpu.memory_space<semaphore_mem>>, %arg16: memref<!tpu.dma_semaphore, #tpu.memory_space<semaphore_mem>>) attributes {dimension_semantics = [#tpu.dimension_semantics<core_parallel>, #tpu.dimension_semantics<subcore_parallel>], iteration_bounds = array<i64: 2, 16>, scalar_prefetch = 0 : i64, scratch_operands = 10 : i64, tpu.core_type = #tpu.core_type<sc_vector_subcore>, window_params = [{transform_indices = #map}, {transform_indices = #map1}, {transform_indices = #map2}, {transform_indices = #map1}, {transform_indices = #map1}]} {
    %mul3A = arith.constant 2 : i32
    %mul3A_0 = arith.muli %arg1, %mul3A : i32
    %add3A = arith.addi %mul3A_0, %arg0 : i32
    %run_scoped3A = arith.constant 0 : i32
    "tpu.region"() ({
      %run_scoped3A_15 = tpu.sem_alloc : memref<!tpu.dma_semaphore, #tpu.memory_space<semaphore_mem>>
      %dma_start3A = arith.constant 0 : i32
      %dma_start3A_16 = arith.constant 0 : i32
      %dma_start3A_17 = tpu.memref_slice %arg5[%run_scoped3A, %dma_start3A, %dma_start3A_16] : memref<2x128x128xf32, #tpu.memory_space<hbm>> -> memref<1x128x128xf32, #tpu.memory_space<hbm>>
      %dma_start3A_18 = tpu.memref_squeeze %dma_start3A_17 : memref<1x128x128xf32, #tpu.memory_space<hbm>> -> memref<128x128xf32, #tpu.memory_space<hbm>>
      %dma_start3A_19 = arith.constant 0 : i32
      %dma_start3A_20 = arith.constant 0 : i32
      %dma_start3A_21 = tpu.memref_slice %arg5[%run_scoped3A, %dma_start3A_19, %dma_start3A_20] : memref<2x128x128xf32, #tpu.memory_space<hbm>> -> memref<1x128x128xf32, #tpu.memory_space<hbm>>
      %dma_start3A_22 = tpu.memref_squeeze %dma_start3A_21 : memref<1x128x128xf32, #tpu.memory_space<hbm>> -> memref<128x128xf32, #tpu.memory_space<hbm>>
      tpu.enqueue_dma source(%dma_start3A_22 : memref<128x128xf32, #tpu.memory_space<hbm>>) target(%arg10 : memref<128x128xf32, #tpu.memory_space<vmem>>) target_semaphore(%run_scoped3A_15 : memref<!tpu.dma_semaphore, #tpu.memory_space<semaphore_mem>>)
      %dma_wait3A = arith.constant 0 : i32
      %dma_wait3A_23 = arith.constant 0 : i32
      %dma_wait3A_24 = tpu.memref_slice %arg5[%run_scoped3A, %dma_wait3A, %dma_wait3A_23] : memref<2x128x128xf32, #tpu.memory_space<hbm>> -> memref<1x128x128xf32, #tpu.memory_space<hbm>>
      %dma_wait3A_25 = tpu.memref_squeeze %dma_wait3A_24 : memref<1x128x128xf32, #tpu.memory_space<hbm>> -> memref<128x128xf32, #tpu.memory_space<hbm>>
      %dma_wait3A_26 = arith.constant 0 : i32
      %dma_wait3A_27 = arith.constant 0 : i32
      %dma_wait3A_28 = tpu.memref_slice %arg5[%run_scoped3A, %dma_wait3A_26, %dma_wait3A_27] : memref<2x128x128xf32, #tpu.memory_space<hbm>> -> memref<1x128x128xf32, #tpu.memory_space<hbm>>
      %dma_wait3A_29 = tpu.memref_squeeze %dma_wait3A_28 : memref<1x128x128xf32, #tpu.memory_space<hbm>> -> memref<128x128xf32, #tpu.memory_space<hbm>>
      tpu.wait_dma2 semaphore(%run_scoped3A_15 : memref<!tpu.dma_semaphore, #tpu.memory_space<semaphore_mem>>) src(%dma_wait3A_29 : memref<128x128xf32, #tpu.memory_space<hbm>>) dst(%arg10 : memref<128x128xf32, #tpu.memory_space<vmem>>)
      tpu.yield
    }) : () -> ()
    %mul3A_1 = arith.constant 640 : i32
    %mul3A_2 = arith.muli %arg1, %mul3A_1 : i32
    %scan3A = arith.constant 0 : i32
    %scan3A_3 = arith.constant 5 : i32
    %scan3A_4 = arith.addi %scan3A, %scan3A_3 : i32
    %scan3A_5 = arith.constant 1 : i32
    scf.for %scan3A_15 = %scan3A to %scan3A_4 step %scan3A_5  : i32 {
      %mul3A_16 = arith.constant 1 : i32
      %mul3A_17 = arith.muli %scan3A_15, %mul3A_16 : i32
      %add3A_18 = arith.constant 0 : i32
      %add3A_19 = arith.addi %add3A_18, %mul3A_17 : i32
      %mul3A_20 = arith.constant 128 : i32
      %mul3A_21 = arith.muli %add3A_19, %mul3A_20 : i32
      %add3A_22 = arith.addi %mul3A_2, %mul3A_21 : i32
      "tpu.region"() ({
        %run_scoped3A_23 = tpu.sem_alloc : memref<!tpu.dma_semaphore, #tpu.memory_space<semaphore_mem>>
        %dma_start3A = arith.constant 0 : i32
        %dma_start3A_24 = tpu.memref_slice %arg12[%add3A_22, %dma_start3A] : memref<10240x128xf32, #tpu.memory_space<vmem_shared>> -> memref<128x128xf32, #tpu.memory_space<vmem_shared>>
        %dma_start3A_25 = arith.constant 0 : i32
        %dma_start3A_26 = tpu.memref_slice %arg12[%add3A_22, %dma_start3A_25] : memref<10240x128xf32, #tpu.memory_space<vmem_shared>> -> memref<128x128xf32, #tpu.memory_space<vmem_shared>>
        tpu.enqueue_dma source(%arg10 : memref<128x128xf32, #tpu.memory_space<vmem>>) target(%dma_start3A_26 : memref<128x128xf32, #tpu.memory_space<vmem_shared>>) target_semaphore(%run_scoped3A_23 : memref<!tpu.dma_semaphore, #tpu.memory_space<semaphore_mem>>)
        %dma_wait3A = arith.constant 0 : i32
        %dma_wait3A_27 = tpu.memref_slice %arg12[%add3A_22, %dma_wait3A] : memref<10240x128xf32, #tpu.memory_space<vmem_shared>> -> memref<128x128xf32, #tpu.memory_space<vmem_shared>>
        %dma_wait3A_28 = arith.constant 0 : i32
        %dma_wait3A_29 = tpu.memref_slice %arg12[%add3A_22, %dma_wait3A_28] : memref<10240x128xf32, #tpu.memory_space<vmem_shared>> -> memref<128x128xf32, #tpu.memory_space<vmem_shared>>
        tpu.wait_dma2 semaphore(%run_scoped3A_23 : memref<!tpu.dma_semaphore, #tpu.memory_space<semaphore_mem>>) src(%arg10 : memref<128x128xf32, #tpu.memory_space<vmem>>) dst(%dma_wait3A_29 : memref<128x128xf32, #tpu.memory_space<vmem_shared>>)
        tpu.yield
      }) : () -> ()
    }
    %scan3A_6 = arith.constant 5 : i32
    "tpu.region"() ({
      %run_scoped3A_15 = tpu.sem_alloc : memref<!tpu.dma_semaphore, #tpu.memory_space<semaphore_mem>>
      %dma_start3A = arith.constant 0 : i32
      %dma_start3A_16 = arith.constant 0 : i32
      %dma_start3A_17 = tpu.memref_slice %arg3[%add3A, %dma_start3A, %dma_start3A_16] : memref<32x80x128xi32, #tpu.memory_space<hbm>> -> memref<1x80x128xi32, #tpu.memory_space<hbm>>
      %dma_start3A_18 = tpu.memref_squeeze %dma_start3A_17 : memref<1x80x128xi32, #tpu.memory_space<hbm>> -> memref<80x128xi32, #tpu.memory_space<hbm>>
      %dma_start3A_19 = arith.constant 0 : i32
      %dma_start3A_20 = arith.constant 0 : i32
      %dma_start3A_21 = tpu.memref_slice %arg3[%add3A, %dma_start3A_19, %dma_start3A_20] : memref<32x80x128xi32, #tpu.memory_space<hbm>> -> memref<1x80x128xi32, #tpu.memory_space<hbm>>
      %dma_start3A_22 = tpu.memref_squeeze %dma_start3A_21 : memref<1x80x128xi32, #tpu.memory_space<hbm>> -> memref<80x128xi32, #tpu.memory_space<hbm>>
      tpu.enqueue_dma source(%dma_start3A_22 : memref<80x128xi32, #tpu.memory_space<hbm>>) target(%arg7 : memref<80x128xi32, #tpu.memory_space<vmem>>) target_semaphore(%run_scoped3A_15 : memref<!tpu.dma_semaphore, #tpu.memory_space<semaphore_mem>>)
      %dma_wait3A = arith.constant 0 : i32
      %dma_wait3A_23 = arith.constant 0 : i32
      %dma_wait3A_24 = tpu.memref_slice %arg3[%add3A, %dma_wait3A, %dma_wait3A_23] : memref<32x80x128xi32, #tpu.memory_space<hbm>> -> memref<1x80x128xi32, #tpu.memory_space<hbm>>
      %dma_wait3A_25 = tpu.memref_squeeze %dma_wait3A_24 : memref<1x80x128xi32, #tpu.memory_space<hbm>> -> memref<80x128xi32, #tpu.memory_space<hbm>>
      %dma_wait3A_26 = arith.constant 0 : i32
      %dma_wait3A_27 = arith.constant 0 : i32
      %dma_wait3A_28 = tpu.memref_slice %arg3[%add3A, %dma_wait3A_26, %dma_wait3A_27] : memref<32x80x128xi32, #tpu.memory_space<hbm>> -> memref<1x80x128xi32, #tpu.memory_space<hbm>>
      %dma_wait3A_29 = tpu.memref_squeeze %dma_wait3A_28 : memref<1x80x128xi32, #tpu.memory_space<hbm>> -> memref<80x128xi32, #tpu.memory_space<hbm>>
      tpu.wait_dma2 semaphore(%run_scoped3A_15 : memref<!tpu.dma_semaphore, #tpu.memory_space<semaphore_mem>>) src(%dma_wait3A_29 : memref<80x128xi32, #tpu.memory_space<hbm>>) dst(%arg7 : memref<80x128xi32, #tpu.memory_space<vmem>>)
      tpu.yield
    }) : () -> ()
    %barrier3A = arith.constant 0 : index
    tpu.barrier barrier_id(%barrier3A)
    %mul3A_7 = arith.constant 10240 : i32
    %mul3A_8 = arith.muli %add3A, %mul3A_7 : i32
    %scan3A_9 = arith.constant 0 : i32
    %scan3A_10 = arith.constant 40 : i32
    %scan3A_11 = arith.addi %scan3A_9, %scan3A_10 : i32
    %scan3A_12 = arith.constant 1 : i32
    scf.for %scan3A_15 = %scan3A_9 to %scan3A_11 step %scan3A_12  : i32 {
      %mul3A_16 = arith.constant 1 : i32
      %mul3A_17 = arith.muli %scan3A_15, %mul3A_16 : i32
      %add3A_18 = arith.constant 0 : i32
      %add3A_19 = arith.addi %add3A_18, %mul3A_17 : i32
      %mul3A_20 = arith.constant 2 : i32
      %mul3A_21 = arith.muli %add3A_19, %mul3A_20 : i32
      %dma_start3A = arith.constant 0 : i32
      %dma_start3A_22 = tpu.memref_slice %arg7[%mul3A_21, %dma_start3A] : memref<80x128xi32, #tpu.memory_space<vmem>> -> memref<1x128xi32, #tpu.memory_space<vmem>>
      %dma_start3A_23 = tpu.memref_squeeze %dma_start3A_22 : memref<1x128xi32, #tpu.memory_space<vmem>> -> memref<128xi32, #tpu.memory_space<vmem>>
      %dma_start3A_24 = arith.constant 0 : i32
      %dma_start3A_25 = arith.constant 0 : i32
      %dma_start3A_26 = tpu.memref_slice %arg2[%dma_start3A_24, %dma_start3A_25] : memref<10240x128xf32, #tpu.memory_space<hbm>> -> memref<10240x128xf32, #tpu.memory_space<hbm>>
      tpu.enqueue_indirect_dma source(%dma_start3A_26 : memref<10240x128xf32, #tpu.memory_space<hbm>>) target(%arg10 : memref<128x128xf32, #tpu.memory_space<vmem>>) offsets(%dma_start3A_23 : memref<128xi32, #tpu.memory_space<vmem>>) semaphore(%arg13 : memref<!tpu.dma_semaphore, #tpu.memory_space<semaphore_mem>>)
      %add3A_27 = arith.constant 1 : i32
      %add3A_28 = arith.addi %mul3A_21, %add3A_27 : i32
      %dma_start3A_29 = arith.constant 0 : i32
      %dma_start3A_30 = tpu.memref_slice %arg7[%add3A_28, %dma_start3A_29] : memref<80x128xi32, #tpu.memory_space<vmem>> -> memref<1x128xi32, #tpu.memory_space<vmem>>
      %dma_start3A_31 = tpu.memref_squeeze %dma_start3A_30 : memref<1x128xi32, #tpu.memory_space<vmem>> -> memref<128xi32, #tpu.memory_space<vmem>>
      %dma_start3A_32 = arith.constant 0 : i32
      %dma_start3A_33 = arith.constant 0 : i32
      %dma_start3A_34 = tpu.memref_slice %arg2[%dma_start3A_32, %dma_start3A_33] : memref<10240x128xf32, #tpu.memory_space<hbm>> -> memref<10240x128xf32, #tpu.memory_space<hbm>>
      tpu.enqueue_indirect_dma source(%dma_start3A_34 : memref<10240x128xf32, #tpu.memory_space<hbm>>) target(%arg11 : memref<128x128xf32, #tpu.memory_space<vmem>>) offsets(%dma_start3A_31 : memref<128xi32, #tpu.memory_space<vmem>>) semaphore(%arg14 : memref<!tpu.dma_semaphore, #tpu.memory_space<semaphore_mem>>)
      %mul3A_35 = arith.constant 128 : i32
      %mul3A_36 = arith.muli %mul3A_21, %mul3A_35 : i32
      %add3A_37 = arith.addi %mul3A_8, %mul3A_36 : i32
      "tpu.region"() ({
        %run_scoped3A_66 = tpu.sem_alloc : memref<!tpu.dma_semaphore, #tpu.memory_space<semaphore_mem>>
        %dma_start3A_67 = tpu.memref_slice %arg4[%add3A_37] : memref<327680xi32, #tpu.memory_space<hbm>> -> memref<128xi32, #tpu.memory_space<hbm>>
        %dma_start3A_68 = tpu.memref_slice %arg4[%add3A_37] : memref<327680xi32, #tpu.memory_space<hbm>> -> memref<128xi32, #tpu.memory_space<hbm>>
        tpu.enqueue_dma source(%dma_start3A_68 : memref<128xi32, #tpu.memory_space<hbm>>) target(%arg8 : memref<128xi32, #tpu.memory_space<vmem>>) target_semaphore(%run_scoped3A_66 : memref<!tpu.dma_semaphore, #tpu.memory_space<semaphore_mem>>)
        %dma_wait3A_69 = tpu.memref_slice %arg4[%add3A_37] : memref<327680xi32, #tpu.memory_space<hbm>> -> memref<128xi32, #tpu.memory_space<hbm>>
        %dma_wait3A_70 = tpu.memref_slice %arg4[%add3A_37] : memref<327680xi32, #tpu.memory_space<hbm>> -> memref<128xi32, #tpu.memory_space<hbm>>
        tpu.wait_dma2 semaphore(%run_scoped3A_66 : memref<!tpu.dma_semaphore, #tpu.memory_space<semaphore_mem>>) src(%dma_wait3A_70 : memref<128xi32, #tpu.memory_space<hbm>>) dst(%arg8 : memref<128xi32, #tpu.memory_space<vmem>>)
        tpu.yield
      }) : () -> ()
      %add3A_38 = arith.constant 1 : i32
      %add3A_39 = arith.addi %mul3A_21, %add3A_38 : i32
      %mul3A_40 = arith.constant 128 : i32
      %mul3A_41 = arith.muli %add3A_39, %mul3A_40 : i32
      %add3A_42 = arith.addi %mul3A_8, %mul3A_41 : i32
      "tpu.region"() ({
        %run_scoped3A_66 = tpu.sem_alloc : memref<!tpu.dma_semaphore, #tpu.memory_space<semaphore_mem>>
        %dma_start3A_67 = tpu.memref_slice %arg4[%add3A_42] : memref<327680xi32, #tpu.memory_space<hbm>> -> memref<128xi32, #tpu.memory_space<hbm>>
        %dma_start3A_68 = tpu.memref_slice %arg4[%add3A_42] : memref<327680xi32, #tpu.memory_space<hbm>> -> memref<128xi32, #tpu.memory_space<hbm>>
        tpu.enqueue_dma source(%dma_start3A_68 : memref<128xi32, #tpu.memory_space<hbm>>) target(%arg9 : memref<128xi32, #tpu.memory_space<vmem>>) target_semaphore(%run_scoped3A_66 : memref<!tpu.dma_semaphore, #tpu.memory_space<semaphore_mem>>)
        %dma_wait3A_69 = tpu.memref_slice %arg4[%add3A_42] : memref<327680xi32, #tpu.memory_space<hbm>> -> memref<128xi32, #tpu.memory_space<hbm>>
        %dma_wait3A_70 = tpu.memref_slice %arg4[%add3A_42] : memref<327680xi32, #tpu.memory_space<hbm>> -> memref<128xi32, #tpu.memory_space<hbm>>
        tpu.wait_dma2 semaphore(%run_scoped3A_66 : memref<!tpu.dma_semaphore, #tpu.memory_space<semaphore_mem>>) src(%dma_wait3A_70 : memref<128xi32, #tpu.memory_space<hbm>>) dst(%arg9 : memref<128xi32, #tpu.memory_space<vmem>>)
        tpu.yield
      }) : () -> ()
      %dma_wait3A = arith.constant 0 : i32
      %dma_wait3A_43 = tpu.memref_slice %arg7[%mul3A_21, %dma_wait3A] : memref<80x128xi32, #tpu.memory_space<vmem>> -> memref<1x128xi32, #tpu.memory_space<vmem>>
      %dma_wait3A_44 = tpu.memref_squeeze %dma_wait3A_43 : memref<1x128xi32, #tpu.memory_space<vmem>> -> memref<128xi32, #tpu.memory_space<vmem>>
      %dma_wait3A_45 = arith.constant 0 : i32
      %dma_wait3A_46 = arith.constant 0 : i32
      %dma_wait3A_47 = tpu.memref_slice %arg2[%dma_wait3A_45, %dma_wait3A_46] : memref<10240x128xf32, #tpu.memory_space<hbm>> -> memref<10240x128xf32, #tpu.memory_space<hbm>>
      tpu.wait_indirect_dma semaphore(%arg13 : memref<!tpu.dma_semaphore, #tpu.memory_space<semaphore_mem>>) src(%dma_wait3A_47 : memref<10240x128xf32, #tpu.memory_space<hbm>>) dst(%arg10 : memref<128x128xf32, #tpu.memory_space<vmem>>)
      %dma_start3A_48 = arith.constant 0 : i32
      %dma_start3A_49 = arith.constant 0 : i32
      %dma_start3A_50 = tpu.memref_slice %arg12[%dma_start3A_48, %dma_start3A_49] : memref<10240x128xf32, #tpu.memory_space<vmem_shared>> -> memref<10240x128xf32, #tpu.memory_space<vmem_shared>>
      tpu.enqueue_indirect_dma source(%arg10 : memref<128x128xf32, #tpu.memory_space<vmem>>) target(%dma_start3A_50 : memref<10240x128xf32, #tpu.memory_space<vmem_shared>>) offsets(%arg8 : memref<128xi32, #tpu.memory_space<vmem>>) semaphore(%arg15 : memref<!tpu.dma_semaphore, #tpu.memory_space<semaphore_mem>>) {add = true}
      %dma_wait3A_51 = arith.constant 0 : i32
      %dma_wait3A_52 = tpu.memref_slice %arg7[%add3A_28, %dma_wait3A_51] : memref<80x128xi32, #tpu.memory_space<vmem>> -> memref<1x128xi32, #tpu.memory_space<vmem>>
      %dma_wait3A_53 = tpu.memref_squeeze %dma_wait3A_52 : memref<1x128xi32, #tpu.memory_space<vmem>> -> memref<128xi32, #tpu.memory_space<vmem>>
      %dma_wait3A_54 = arith.constant 0 : i32
      %dma_wait3A_55 = arith.constant 0 : i32
      %dma_wait3A_56 = tpu.memref_slice %arg2[%dma_wait3A_54, %dma_wait3A_55] : memref<10240x128xf32, #tpu.memory_space<hbm>> -> memref<10240x128xf32, #tpu.memory_space<hbm>>
      tpu.wait_indirect_dma semaphore(%arg14 : memref<!tpu.dma_semaphore, #tpu.memory_space<semaphore_mem>>) src(%dma_wait3A_56 : memref<10240x128xf32, #tpu.memory_space<hbm>>) dst(%arg11 : memref<128x128xf32, #tpu.memory_space<vmem>>)
      %dma_start3A_57 = arith.constant 0 : i32
      %dma_start3A_58 = arith.constant 0 : i32
      %dma_start3A_59 = tpu.memref_slice %arg12[%dma_start3A_57, %dma_start3A_58] : memref<10240x128xf32, #tpu.memory_space<vmem_shared>> -> memref<10240x128xf32, #tpu.memory_space<vmem_shared>>
      tpu.enqueue_indirect_dma source(%arg11 : memref<128x128xf32, #tpu.memory_space<vmem>>) target(%dma_start3A_59 : memref<10240x128xf32, #tpu.memory_space<vmem_shared>>) offsets(%arg9 : memref<128xi32, #tpu.memory_space<vmem>>) semaphore(%arg16 : memref<!tpu.dma_semaphore, #tpu.memory_space<semaphore_mem>>) {add = true}
      %dma_wait3A_60 = arith.constant 0 : i32
      %dma_wait3A_61 = arith.constant 0 : i32
      %dma_wait3A_62 = tpu.memref_slice %arg12[%dma_wait3A_60, %dma_wait3A_61] : memref<10240x128xf32, #tpu.memory_space<vmem_shared>> -> memref<10240x128xf32, #tpu.memory_space<vmem_shared>>
      tpu.wait_indirect_dma semaphore(%arg15 : memref<!tpu.dma_semaphore, #tpu.memory_space<semaphore_mem>>) src(%arg10 : memref<128x128xf32, #tpu.memory_space<vmem>>) dst(%dma_wait3A_62 : memref<10240x128xf32, #tpu.memory_space<vmem_shared>>)
      %dma_wait3A_63 = arith.constant 0 : i32
      %dma_wait3A_64 = arith.constant 0 : i32
      %dma_wait3A_65 = tpu.memref_slice %arg12[%dma_wait3A_63, %dma_wait3A_64] : memref<10240x128xf32, #tpu.memory_space<vmem_shared>> -> memref<10240x128xf32, #tpu.memory_space<vmem_shared>>
      tpu.wait_indirect_dma semaphore(%arg16 : memref<!tpu.dma_semaphore, #tpu.memory_space<semaphore_mem>>) src(%arg11 : memref<128x128xf32, #tpu.memory_space<vmem>>) dst(%dma_wait3A_65 : memref<10240x128xf32, #tpu.memory_space<vmem_shared>>)
    }
    %scan3A_13 = arith.constant 40 : i32
    %barrier3A_14 = arith.constant 0 : index
    tpu.barrier barrier_id(%barrier3A_14)
    "tpu.region"() ({
      %run_scoped3A_15 = tpu.sem_alloc : memref<!tpu.dma_semaphore, #tpu.memory_space<semaphore_mem>>
      %dma_start3A = arith.constant 0 : i32
      %dma_start3A_16 = tpu.memref_slice %arg6[%arg0, %mul3A_2, %dma_start3A] : memref<2x10240x128xf32, #tpu.memory_space<hbm>> -> memref<1x640x128xf32, #tpu.memory_space<hbm>>
      %dma_start3A_17 = tpu.memref_squeeze %dma_start3A_16 : memref<1x640x128xf32, #tpu.memory_space<hbm>> -> memref<640x128xf32, #tpu.memory_space<hbm>>
      %dma_start3A_18 = arith.constant 0 : i32
      %dma_start3A_19 = tpu.memref_slice %arg12[%mul3A_2, %dma_start3A_18] : memref<10240x128xf32, #tpu.memory_space<vmem_shared>> -> memref<640x128xf32, #tpu.memory_space<vmem_shared>>
      tpu.enqueue_dma source(%dma_start3A_19 : memref<640x128xf32, #tpu.memory_space<vmem_shared>>) target(%dma_start3A_17 : memref<640x128xf32, #tpu.memory_space<hbm>>) target_semaphore(%run_scoped3A_15 : memref<!tpu.dma_semaphore, #tpu.memory_space<semaphore_mem>>)
      %dma_wait3A = arith.constant 0 : i32
      %dma_wait3A_20 = tpu.memref_slice %arg6[%arg0, %mul3A_2, %dma_wait3A] : memref<2x10240x128xf32, #tpu.memory_space<hbm>> -> memref<1x640x128xf32, #tpu.memory_space<hbm>>
      %dma_wait3A_21 = tpu.memref_squeeze %dma_wait3A_20 : memref<1x640x128xf32, #tpu.memory_space<hbm>> -> memref<640x128xf32, #tpu.memory_space<hbm>>
      %dma_wait3A_22 = arith.constant 0 : i32
      %dma_wait3A_23 = tpu.memref_slice %arg12[%mul3A_2, %dma_wait3A_22] : memref<10240x128xf32, #tpu.memory_space<vmem_shared>> -> memref<640x128xf32, #tpu.memory_space<vmem_shared>>
      tpu.wait_dma2 semaphore(%run_scoped3A_15 : memref<!tpu.dma_semaphore, #tpu.memory_space<semaphore_mem>>) src(%dma_wait3A_23 : memref<640x128xf32, #tpu.memory_space<vmem_shared>>) dst(%dma_wait3A_21 : memref<640x128xf32, #tpu.memory_space<hbm>>)
      tpu.yield
    }) : () -> ()
    return
  }
}

#map = affine_map<(d0, d1) -> (0, 0)>
#map1 = affine_map<(d0, d1) -> (0, 0, 0)>
#map2 = affine_map<(d0, d1) -> (0)>
module attributes {stable_mosaic.version = 14 : i64} {
  func.func @k(%arg0: i32, %arg1: i32, %arg2: memref<10240x128xf32, #tpu.memory_space<hbm>>, %arg3: memref<32x80x128xi32, #tpu.memory_space<hbm>>, %arg4: memref<327680xi32, #tpu.memory_space<hbm>>, %arg5: memref<2x128x128xf32, #tpu.memory_space<hbm>>, %arg6: memref<2x10240x128xf32, #tpu.memory_space<hbm>>, %arg7: memref<80x128xi32, #tpu.memory_space<vmem>>, %arg8: memref<128xi32, #tpu.memory_space<vmem>>, %arg9: memref<128xi32, #tpu.memory_space<vmem>>, %arg10: memref<128x128xf32, #tpu.memory_space<vmem>>, %arg11: memref<128x128xf32, #tpu.memory_space<vmem>>, %arg12: memref<10240x128xf32, #tpu.memory_space<vmem_shared>>, %arg13: memref<!tpu.dma_semaphore, #tpu.memory_space<semaphore_mem>>, %arg14: memref<!tpu.dma_semaphore, #tpu.memory_space<semaphore_mem>>, %arg15: memref<!tpu.dma_semaphore, #tpu.memory_space<semaphore_mem>>, %arg16: memref<!tpu.dma_semaphore, #tpu.memory_space<semaphore_mem>>) attributes {dimension_semantics = [#tpu.dimension_semantics<core_parallel>, #tpu.dimension_semantics<subcore_parallel>], iteration_bounds = array<i64: 2, 16>, scalar_prefetch = 0 : i64, scratch_operands = 10 : i64, tpu.core_type = #tpu.core_type<sc_vector_subcore>, window_params = [{transform_indices = #map}, {transform_indices = #map1}, {transform_indices = #map2}, {transform_indices = #map1}, {transform_indices = #map1}]} {
    %mul3A = arith.constant 2 : i32
    %mul3A_0 = arith.muli %arg1, %mul3A : i32
    %add3A = arith.addi %mul3A_0, %arg0 : i32
    %run_scoped3A = arith.constant 0 : i32
    "tpu.region"() ({
      %run_scoped3A_15 = tpu.sem_alloc : memref<!tpu.dma_semaphore, #tpu.memory_space<semaphore_mem>>
      %dma_start3A = arith.constant 0 : i32
      %dma_start3A_16 = arith.constant 0 : i32
      %dma_start3A_17 = tpu.memref_slice %arg5[%run_scoped3A, %dma_start3A, %dma_start3A_16] : memref<2x128x128xf32, #tpu.memory_space<hbm>> -> memref<1x128x128xf32, #tpu.memory_space<hbm>>
      %dma_start3A_18 = tpu.memref_squeeze %dma_start3A_17 : memref<1x128x128xf32, #tpu.memory_space<hbm>> -> memref<128x128xf32, #tpu.memory_space<hbm>>
      %dma_start3A_19 = arith.constant 0 : i32
      %dma_start3A_20 = arith.constant 0 : i32
      %dma_start3A_21 = tpu.memref_slice %arg5[%run_scoped3A, %dma_start3A_19, %dma_start3A_20] : memref<2x128x128xf32, #tpu.memory_space<hbm>> -> memref<1x128x128xf32, #tpu.memory_space<hbm>>
      %dma_start3A_22 = tpu.memref_squeeze %dma_start3A_21 : memref<1x128x128xf32, #tpu.memory_space<hbm>> -> memref<128x128xf32, #tpu.memory_space<hbm>>
      tpu.enqueue_dma source(%dma_start3A_22 : memref<128x128xf32, #tpu.memory_space<hbm>>) target(%arg10 : memref<128x128xf32, #tpu.memory_space<vmem>>) target_semaphore(%run_scoped3A_15 : memref<!tpu.dma_semaphore, #tpu.memory_space<semaphore_mem>>)
      %dma_wait3A = arith.constant 0 : i32
      %dma_wait3A_23 = arith.constant 0 : i32
      %dma_wait3A_24 = tpu.memref_slice %arg5[%run_scoped3A, %dma_wait3A, %dma_wait3A_23] : memref<2x128x128xf32, #tpu.memory_space<hbm>> -> memref<1x128x128xf32, #tpu.memory_space<hbm>>
      %dma_wait3A_25 = tpu.memref_squeeze %dma_wait3A_24 : memref<1x128x128xf32, #tpu.memory_space<hbm>> -> memref<128x128xf32, #tpu.memory_space<hbm>>
      %dma_wait3A_26 = arith.constant 0 : i32
      %dma_wait3A_27 = arith.constant 0 : i32
      %dma_wait3A_28 = tpu.memref_slice %arg5[%run_scoped3A, %dma_wait3A_26, %dma_wait3A_27] : memref<2x128x128xf32, #tpu.memory_space<hbm>> -> memref<1x128x128xf32, #tpu.memory_space<hbm>>
      %dma_wait3A_29 = tpu.memref_squeeze %dma_wait3A_28 : memref<1x128x128xf32, #tpu.memory_space<hbm>> -> memref<128x128xf32, #tpu.memory_space<hbm>>
      tpu.wait_dma2 semaphore(%run_scoped3A_15 : memref<!tpu.dma_semaphore, #tpu.memory_space<semaphore_mem>>) src(%dma_wait3A_29 : memref<128x128xf32, #tpu.memory_space<hbm>>) dst(%arg10 : memref<128x128xf32, #tpu.memory_space<vmem>>)
      tpu.yield
    }) : () -> ()
    %mul3A_1 = arith.constant 640 : i32
    %mul3A_2 = arith.muli %arg1, %mul3A_1 : i32
    %scan3A = arith.constant 0 : i32
    %scan3A_3 = arith.constant 5 : i32
    %scan3A_4 = arith.addi %scan3A, %scan3A_3 : i32
    %scan3A_5 = arith.constant 1 : i32
    scf.for %scan3A_15 = %scan3A to %scan3A_4 step %scan3A_5  : i32 {
      %mul3A_16 = arith.constant 1 : i32
      %mul3A_17 = arith.muli %scan3A_15, %mul3A_16 : i32
      %add3A_18 = arith.constant 0 : i32
      %add3A_19 = arith.addi %add3A_18, %mul3A_17 : i32
      %mul3A_20 = arith.constant 128 : i32
      %mul3A_21 = arith.muli %add3A_19, %mul3A_20 : i32
      %add3A_22 = arith.addi %mul3A_2, %mul3A_21 : i32
      "tpu.region"() ({
        %run_scoped3A_23 = tpu.sem_alloc : memref<!tpu.dma_semaphore, #tpu.memory_space<semaphore_mem>>
        %dma_start3A = arith.constant 0 : i32
        %dma_start3A_24 = tpu.memref_slice %arg12[%add3A_22, %dma_start3A] : memref<10240x128xf32, #tpu.memory_space<vmem_shared>> -> memref<128x128xf32, #tpu.memory_space<vmem_shared>>
        %dma_start3A_25 = arith.constant 0 : i32
        %dma_start3A_26 = tpu.memref_slice %arg12[%add3A_22, %dma_start3A_25] : memref<10240x128xf32, #tpu.memory_space<vmem_shared>> -> memref<128x128xf32, #tpu.memory_space<vmem_shared>>
        tpu.enqueue_dma source(%arg10 : memref<128x128xf32, #tpu.memory_space<vmem>>) target(%dma_start3A_26 : memref<128x128xf32, #tpu.memory_space<vmem_shared>>) target_semaphore(%run_scoped3A_23 : memref<!tpu.dma_semaphore, #tpu.memory_space<semaphore_mem>>)
        %dma_wait3A = arith.constant 0 : i32
        %dma_wait3A_27 = tpu.memref_slice %arg12[%add3A_22, %dma_wait3A] : memref<10240x128xf32, #tpu.memory_space<vmem_shared>> -> memref<128x128xf32, #tpu.memory_space<vmem_shared>>
        %dma_wait3A_28 = arith.constant 0 : i32
        %dma_wait3A_29 = tpu.memref_slice %arg12[%add3A_22, %dma_wait3A_28] : memref<10240x128xf32, #tpu.memory_space<vmem_shared>> -> memref<128x128xf32, #tpu.memory_space<vmem_shared>>
        tpu.wait_dma2 semaphore(%run_scoped3A_23 : memref<!tpu.dma_semaphore, #tpu.memory_space<semaphore_mem>>) src(%arg10 : memref<128x128xf32, #tpu.memory_space<vmem>>) dst(%dma_wait3A_29 : memref<128x128xf32, #tpu.memory_space<vmem_shared>>)
        tpu.yield
      }) : () -> ()
    }
    %scan3A_6 = arith.constant 5 : i32
    "tpu.region"() ({
      %run_scoped3A_15 = tpu.sem_alloc : memref<!tpu.dma_semaphore, #tpu.memory_space<semaphore_mem>>
      %dma_start3A = arith.constant 0 : i32
      %dma_start3A_16 = arith.constant 0 : i32
      %dma_start3A_17 = tpu.memref_slice %arg3[%add3A, %dma_start3A, %dma_start3A_16] : memref<32x80x128xi32, #tpu.memory_space<hbm>> -> memref<1x80x128xi32, #tpu.memory_space<hbm>>
      %dma_start3A_18 = tpu.memref_squeeze %dma_start3A_17 : memref<1x80x128xi32, #tpu.memory_space<hbm>> -> memref<80x128xi32, #tpu.memory_space<hbm>>
      %dma_start3A_19 = arith.constant 0 : i32
      %dma_start3A_20 = arith.constant 0 : i32
      %dma_start3A_21 = tpu.memref_slice %arg3[%add3A, %dma_start3A_19, %dma_start3A_20] : memref<32x80x128xi32, #tpu.memory_space<hbm>> -> memref<1x80x128xi32, #tpu.memory_space<hbm>>
      %dma_start3A_22 = tpu.memref_squeeze %dma_start3A_21 : memref<1x80x128xi32, #tpu.memory_space<hbm>> -> memref<80x128xi32, #tpu.memory_space<hbm>>
      tpu.enqueue_dma source(%dma_start3A_22 : memref<80x128xi32, #tpu.memory_space<hbm>>) target(%arg7 : memref<80x128xi32, #tpu.memory_space<vmem>>) target_semaphore(%run_scoped3A_15 : memref<!tpu.dma_semaphore, #tpu.memory_space<semaphore_mem>>)
      %dma_wait3A = arith.constant 0 : i32
      %dma_wait3A_23 = arith.constant 0 : i32
      %dma_wait3A_24 = tpu.memref_slice %arg3[%add3A, %dma_wait3A, %dma_wait3A_23] : memref<32x80x128xi32, #tpu.memory_space<hbm>> -> memref<1x80x128xi32, #tpu.memory_space<hbm>>
      %dma_wait3A_25 = tpu.memref_squeeze %dma_wait3A_24 : memref<1x80x128xi32, #tpu.memory_space<hbm>> -> memref<80x128xi32, #tpu.memory_space<hbm>>
      %dma_wait3A_26 = arith.constant 0 : i32
      %dma_wait3A_27 = arith.constant 0 : i32
      %dma_wait3A_28 = tpu.memref_slice %arg3[%add3A, %dma_wait3A_26, %dma_wait3A_27] : memref<32x80x128xi32, #tpu.memory_space<hbm>> -> memref<1x80x128xi32, #tpu.memory_space<hbm>>
      %dma_wait3A_29 = tpu.memref_squeeze %dma_wait3A_28 : memref<1x80x128xi32, #tpu.memory_space<hbm>> -> memref<80x128xi32, #tpu.memory_space<hbm>>
      tpu.wait_dma2 semaphore(%run_scoped3A_15 : memref<!tpu.dma_semaphore, #tpu.memory_space<semaphore_mem>>) src(%dma_wait3A_29 : memref<80x128xi32, #tpu.memory_space<hbm>>) dst(%arg7 : memref<80x128xi32, #tpu.memory_space<vmem>>)
      tpu.yield
    }) : () -> ()
    %barrier3A = arith.constant 0 : index
    tpu.barrier barrier_id(%barrier3A)
    %mul3A_7 = arith.constant 10240 : i32
    %mul3A_8 = arith.muli %add3A, %mul3A_7 : i32
    %scan3A_9 = arith.constant 0 : i32
    %scan3A_10 = arith.constant 40 : i32
    %scan3A_11 = arith.addi %scan3A_9, %scan3A_10 : i32
    %scan3A_12 = arith.constant 1 : i32
    scf.for %scan3A_15 = %scan3A_9 to %scan3A_11 step %scan3A_12  : i32 {
      %mul3A_16 = arith.constant 1 : i32
      %mul3A_17 = arith.muli %scan3A_15, %mul3A_16 : i32
      %add3A_18 = arith.constant 0 : i32
      %add3A_19 = arith.addi %add3A_18, %mul3A_17 : i32
      %mul3A_20 = arith.constant 2 : i32
      %mul3A_21 = arith.muli %add3A_19, %mul3A_20 : i32
      %dma_start3A = arith.constant 0 : i32
      %dma_start3A_22 = tpu.memref_slice %arg7[%mul3A_21, %dma_start3A] : memref<80x128xi32, #tpu.memory_space<vmem>> -> memref<1x128xi32, #tpu.memory_space<vmem>>
      %dma_start3A_23 = tpu.memref_squeeze %dma_start3A_22 : memref<1x128xi32, #tpu.memory_space<vmem>> -> memref<128xi32, #tpu.memory_space<vmem>>
      %dma_start3A_24 = arith.constant 0 : i32
      %dma_start3A_25 = arith.constant 0 : i32
      %dma_start3A_26 = tpu.memref_slice %arg2[%dma_start3A_24, %dma_start3A_25] : memref<10240x128xf32, #tpu.memory_space<hbm>> -> memref<10240x128xf32, #tpu.memory_space<hbm>>
      tpu.enqueue_indirect_dma source(%dma_start3A_26 : memref<10240x128xf32, #tpu.memory_space<hbm>>) target(%arg10 : memref<128x128xf32, #tpu.memory_space<vmem>>) offsets(%dma_start3A_23 : memref<128xi32, #tpu.memory_space<vmem>>) semaphore(%arg13 : memref<!tpu.dma_semaphore, #tpu.memory_space<semaphore_mem>>)
      %add3A_27 = arith.constant 1 : i32
      %add3A_28 = arith.addi %mul3A_21, %add3A_27 : i32
      %dma_start3A_29 = arith.constant 0 : i32
      %dma_start3A_30 = tpu.memref_slice %arg7[%add3A_28, %dma_start3A_29] : memref<80x128xi32, #tpu.memory_space<vmem>> -> memref<1x128xi32, #tpu.memory_space<vmem>>
      %dma_start3A_31 = tpu.memref_squeeze %dma_start3A_30 : memref<1x128xi32, #tpu.memory_space<vmem>> -> memref<128xi32, #tpu.memory_space<vmem>>
      %dma_start3A_32 = arith.constant 0 : i32
      %dma_start3A_33 = arith.constant 0 : i32
      %dma_start3A_34 = tpu.memref_slice %arg2[%dma_start3A_32, %dma_start3A_33] : memref<10240x128xf32, #tpu.memory_space<hbm>> -> memref<10240x128xf32, #tpu.memory_space<hbm>>
      tpu.enqueue_indirect_dma source(%dma_start3A_34 : memref<10240x128xf32, #tpu.memory_space<hbm>>) target(%arg11 : memref<128x128xf32, #tpu.memory_space<vmem>>) offsets(%dma_start3A_31 : memref<128xi32, #tpu.memory_space<vmem>>) semaphore(%arg14 : memref<!tpu.dma_semaphore, #tpu.memory_space<semaphore_mem>>)
      %mul3A_35 = arith.constant 128 : i32
      %mul3A_36 = arith.muli %mul3A_21, %mul3A_35 : i32
      %add3A_37 = arith.addi %mul3A_8, %mul3A_36 : i32
      "tpu.region"() ({
        %run_scoped3A_66 = tpu.sem_alloc : memref<!tpu.dma_semaphore, #tpu.memory_space<semaphore_mem>>
        %dma_start3A_67 = tpu.memref_slice %arg4[%add3A_37] : memref<327680xi32, #tpu.memory_space<hbm>> -> memref<128xi32, #tpu.memory_space<hbm>>
        %dma_start3A_68 = tpu.memref_slice %arg4[%add3A_37] : memref<327680xi32, #tpu.memory_space<hbm>> -> memref<128xi32, #tpu.memory_space<hbm>>
        tpu.enqueue_dma source(%dma_start3A_68 : memref<128xi32, #tpu.memory_space<hbm>>) target(%arg8 : memref<128xi32, #tpu.memory_space<vmem>>) target_semaphore(%run_scoped3A_66 : memref<!tpu.dma_semaphore, #tpu.memory_space<semaphore_mem>>)
        %dma_wait3A_69 = tpu.memref_slice %arg4[%add3A_37] : memref<327680xi32, #tpu.memory_space<hbm>> -> memref<128xi32, #tpu.memory_space<hbm>>
        %dma_wait3A_70 = tpu.memref_slice %arg4[%add3A_37] : memref<327680xi32, #tpu.memory_space<hbm>> -> memref<128xi32, #tpu.memory_space<hbm>>
        tpu.wait_dma2 semaphore(%run_scoped3A_66 : memref<!tpu.dma_semaphore, #tpu.memory_space<semaphore_mem>>) src(%dma_wait3A_70 : memref<128xi32, #tpu.memory_space<hbm>>) dst(%arg8 : memref<128xi32, #tpu.memory_space<vmem>>)
        tpu.yield
      }) : () -> ()
      %add3A_38 = arith.constant 1 : i32
      %add3A_39 = arith.addi %mul3A_21, %add3A_38 : i32
      %mul3A_40 = arith.constant 128 : i32
      %mul3A_41 = arith.muli %add3A_39, %mul3A_40 : i32
      %add3A_42 = arith.addi %mul3A_8, %mul3A_41 : i32
      "tpu.region"() ({
        %run_scoped3A_66 = tpu.sem_alloc : memref<!tpu.dma_semaphore, #tpu.memory_space<semaphore_mem>>
        %dma_start3A_67 = tpu.memref_slice %arg4[%add3A_42] : memref<327680xi32, #tpu.memory_space<hbm>> -> memref<128xi32, #tpu.memory_space<hbm>>
        %dma_start3A_68 = tpu.memref_slice %arg4[%add3A_42] : memref<327680xi32, #tpu.memory_space<hbm>> -> memref<128xi32, #tpu.memory_space<hbm>>
        tpu.enqueue_dma source(%dma_start3A_68 : memref<128xi32, #tpu.memory_space<hbm>>) target(%arg9 : memref<128xi32, #tpu.memory_space<vmem>>) target_semaphore(%run_scoped3A_66 : memref<!tpu.dma_semaphore, #tpu.memory_space<semaphore_mem>>)
        %dma_wait3A_69 = tpu.memref_slice %arg4[%add3A_42] : memref<327680xi32, #tpu.memory_space<hbm>> -> memref<128xi32, #tpu.memory_space<hbm>>
        %dma_wait3A_70 = tpu.memref_slice %arg4[%add3A_42] : memref<327680xi32, #tpu.memory_space<hbm>> -> memref<128xi32, #tpu.memory_space<hbm>>
        tpu.wait_dma2 semaphore(%run_scoped3A_66 : memref<!tpu.dma_semaphore, #tpu.memory_space<semaphore_mem>>) src(%dma_wait3A_70 : memref<128xi32, #tpu.memory_space<hbm>>) dst(%arg9 : memref<128xi32, #tpu.memory_space<vmem>>)
        tpu.yield
      }) : () -> ()
      %dma_wait3A = arith.constant 0 : i32
      %dma_wait3A_43 = tpu.memref_slice %arg7[%mul3A_21, %dma_wait3A] : memref<80x128xi32, #tpu.memory_space<vmem>> -> memref<1x128xi32, #tpu.memory_space<vmem>>
      %dma_wait3A_44 = tpu.memref_squeeze %dma_wait3A_43 : memref<1x128xi32, #tpu.memory_space<vmem>> -> memref<128xi32, #tpu.memory_space<vmem>>
      %dma_wait3A_45 = arith.constant 0 : i32
      %dma_wait3A_46 = arith.constant 0 : i32
      %dma_wait3A_47 = tpu.memref_slice %arg2[%dma_wait3A_45, %dma_wait3A_46] : memref<10240x128xf32, #tpu.memory_space<hbm>> -> memref<10240x128xf32, #tpu.memory_space<hbm>>
      tpu.wait_indirect_dma semaphore(%arg13 : memref<!tpu.dma_semaphore, #tpu.memory_space<semaphore_mem>>) src(%dma_wait3A_47 : memref<10240x128xf32, #tpu.memory_space<hbm>>) dst(%arg10 : memref<128x128xf32, #tpu.memory_space<vmem>>)
      %dma_start3A_48 = arith.constant 0 : i32
      %dma_start3A_49 = arith.constant 0 : i32
      %dma_start3A_50 = tpu.memref_slice %arg12[%dma_start3A_48, %dma_start3A_49] : memref<10240x128xf32, #tpu.memory_space<vmem_shared>> -> memref<10240x128xf32, #tpu.memory_space<vmem_shared>>
      tpu.enqueue_indirect_dma source(%arg10 : memref<128x128xf32, #tpu.memory_space<vmem>>) target(%dma_start3A_50 : memref<10240x128xf32, #tpu.memory_space<vmem_shared>>) offsets(%arg8 : memref<128xi32, #tpu.memory_space<vmem>>) semaphore(%arg15 : memref<!tpu.dma_semaphore, #tpu.memory_space<semaphore_mem>>) {add = true}
      %dma_wait3A_51 = arith.constant 0 : i32
      %dma_wait3A_52 = tpu.memref_slice %arg7[%add3A_28, %dma_wait3A_51] : memref<80x128xi32, #tpu.memory_space<vmem>> -> memref<1x128xi32, #tpu.memory_space<vmem>>
      %dma_wait3A_53 = tpu.memref_squeeze %dma_wait3A_52 : memref<1x128xi32, #tpu.memory_space<vmem>> -> memref<128xi32, #tpu.memory_space<vmem>>
      %dma_wait3A_54 = arith.constant 0 : i32
      %dma_wait3A_55 = arith.constant 0 : i32
      %dma_wait3A_56 = tpu.memref_slice %arg2[%dma_wait3A_54, %dma_wait3A_55] : memref<10240x128xf32, #tpu.memory_space<hbm>> -> memref<10240x128xf32, #tpu.memory_space<hbm>>
      tpu.wait_indirect_dma semaphore(%arg14 : memref<!tpu.dma_semaphore, #tpu.memory_space<semaphore_mem>>) src(%dma_wait3A_56 : memref<10240x128xf32, #tpu.memory_space<hbm>>) dst(%arg11 : memref<128x128xf32, #tpu.memory_space<vmem>>)
      %dma_start3A_57 = arith.constant 0 : i32
      %dma_start3A_58 = arith.constant 0 : i32
      %dma_start3A_59 = tpu.memref_slice %arg12[%dma_start3A_57, %dma_start3A_58] : memref<10240x128xf32, #tpu.memory_space<vmem_shared>> -> memref<10240x128xf32, #tpu.memory_space<vmem_shared>>
      tpu.enqueue_indirect_dma source(%arg11 : memref<128x128xf32, #tpu.memory_space<vmem>>) target(%dma_start3A_59 : memref<10240x128xf32, #tpu.memory_space<vmem_shared>>) offsets(%arg9 : memref<128xi32, #tpu.memory_space<vmem>>) semaphore(%arg16 : memref<!tpu.dma_semaphore, #tpu.memory_space<semaphore_mem>>) {add = true}
      %dma_wait3A_60 = arith.constant 0 : i32
      %dma_wait3A_61 = arith.constant 0 : i32
      %dma_wait3A_62 = tpu.memref_slice %arg12[%dma_wait3A_60, %dma_wait3A_61] : memref<10240x128xf32, #tpu.memory_space<vmem_shared>> -> memref<10240x128xf32, #tpu.memory_space<vmem_shared>>
      tpu.wait_indirect_dma semaphore(%arg15 : memref<!tpu.dma_semaphore, #tpu.memory_space<semaphore_mem>>) src(%arg10 : memref<128x128xf32, #tpu.memory_space<vmem>>) dst(%dma_wait3A_62 : memref<10240x128xf32, #tpu.memory_space<vmem_shared>>)
      %dma_wait3A_63 = arith.constant 0 : i32
      %dma_wait3A_64 = arith.constant 0 : i32
      %dma_wait3A_65 = tpu.memref_slice %arg12[%dma_wait3A_63, %dma_wait3A_64] : memref<10240x128xf32, #tpu.memory_space<vmem_shared>> -> memref<10240x128xf32, #tpu.memory_space<vmem_shared>>
      tpu.wait_indirect_dma semaphore(%arg16 : memref<!tpu.dma_semaphore, #tpu.memory_space<semaphore_mem>>) src(%arg11 : memref<128x128xf32, #tpu.memory_space<vmem>>) dst(%dma_wait3A_65 : memref<10240x128xf32, #tpu.memory_space<vmem_shared>>)
    }
    %scan3A_13 = arith.constant 40 : i32
    %barrier3A_14 = arith.constant 0 : index
    tpu.barrier barrier_id(%barrier3A_14)
    "tpu.region"() ({
      %run_scoped3A_15 = tpu.sem_alloc : memref<!tpu.dma_semaphore, #tpu.memory_space<semaphore_mem>>
      %dma_start3A = arith.constant 0 : i32
      %dma_start3A_16 = tpu.memref_slice %arg6[%arg0, %mul3A_2, %dma_start3A] : memref<2x10240x128xf32, #tpu.memory_space<hbm>> -> memref<1x640x128xf32, #tpu.memory_space<hbm>>
      %dma_start3A_17 = tpu.memref_squeeze %dma_start3A_16 : memref<1x640x128xf32, #tpu.memory_space<hbm>> -> memref<640x128xf32, #tpu.memory_space<hbm>>
      %dma_start3A_18 = arith.constant 0 : i32
      %dma_start3A_19 = tpu.memref_slice %arg12[%mul3A_2, %dma_start3A_18] : memref<10240x128xf32, #tpu.memory_space<vmem_shared>> -> memref<640x128xf32, #tpu.memory_space<vmem_shared>>
      tpu.enqueue_dma source(%dma_start3A_19 : memref<640x128xf32, #tpu.memory_space<vmem_shared>>) target(%dma_start3A_17 : memref<640x128xf32, #tpu.memory_space<hbm>>) target_semaphore(%run_scoped3A_15 : memref<!tpu.dma_semaphore, #tpu.memory_space<semaphore_mem>>)
      %dma_wait3A = arith.constant 0 : i32
      %dma_wait3A_20 = tpu.memref_slice %arg6[%arg0, %mul3A_2, %dma_wait3A] : memref<2x10240x128xf32, #tpu.memory_space<hbm>> -> memref<1x640x128xf32, #tpu.memory_space<hbm>>
      %dma_wait3A_21 = tpu.memref_squeeze %dma_wait3A_20 : memref<1x640x128xf32, #tpu.memory_space<hbm>> -> memref<640x128xf32, #tpu.memory_space<hbm>>
      %dma_wait3A_22 = arith.constant 0 : i32
      %dma_wait3A_23 = tpu.memref_slice %arg12[%mul3A_2, %dma_wait3A_22] : memref<10240x128xf32, #tpu.memory_space<vmem_shared>> -> memref<640x128xf32, #tpu.memory_space<vmem_shared>>
      tpu.wait_dma2 semaphore(%run_scoped3A_15 : memref<!tpu.dma_semaphore, #tpu.memory_space<semaphore_mem>>) src(%dma_wait3A_23 : memref<640x128xf32, #tpu.memory_space<vmem_shared>>) dst(%dma_wait3A_21 : memref<640x128xf32, #tpu.memory_space<hbm>>)
      tpu.yield
    }) : () -> ()
    return
  }
}

#map = affine_map<(d0, d1) -> (0, 0)>
#map1 = affine_map<(d0, d1) -> (0, 0, 0)>
#map2 = affine_map<(d0, d1) -> (0)>
module attributes {stable_mosaic.version = 14 : i64} {
  func.func @k(%arg0: i32, %arg1: i32, %arg2: memref<10240x128xf32, #tpu.memory_space<hbm>>, %arg3: memref<32x80x128xi32, #tpu.memory_space<hbm>>, %arg4: memref<327680xi32, #tpu.memory_space<hbm>>, %arg5: memref<2x128x128xf32, #tpu.memory_space<hbm>>, %arg6: memref<2x10240x128xf32, #tpu.memory_space<hbm>>, %arg7: memref<80x128xi32, #tpu.memory_space<vmem>>, %arg8: memref<128xi32, #tpu.memory_space<vmem>>, %arg9: memref<128xi32, #tpu.memory_space<vmem>>, %arg10: memref<128x128xf32, #tpu.memory_space<vmem>>, %arg11: memref<128x128xf32, #tpu.memory_space<vmem>>, %arg12: memref<10240x128xf32, #tpu.memory_space<vmem_shared>>, %arg13: memref<!tpu.dma_semaphore, #tpu.memory_space<semaphore_mem>>, %arg14: memref<!tpu.dma_semaphore, #tpu.memory_space<semaphore_mem>>, %arg15: memref<!tpu.dma_semaphore, #tpu.memory_space<semaphore_mem>>, %arg16: memref<!tpu.dma_semaphore, #tpu.memory_space<semaphore_mem>>) attributes {dimension_semantics = [#tpu.dimension_semantics<core_parallel>, #tpu.dimension_semantics<subcore_parallel>], iteration_bounds = array<i64: 2, 16>, scalar_prefetch = 0 : i64, scratch_operands = 10 : i64, tpu.core_type = #tpu.core_type<sc_vector_subcore>, window_params = [{transform_indices = #map}, {transform_indices = #map1}, {transform_indices = #map2}, {transform_indices = #map1}, {transform_indices = #map1}]} {
    %mul3A = arith.constant 2 : i32
    %mul3A_0 = arith.muli %arg1, %mul3A : i32
    %add3A = arith.addi %mul3A_0, %arg0 : i32
    %run_scoped3A = arith.constant 0 : i32
    "tpu.region"() ({
      %run_scoped3A_15 = tpu.sem_alloc : memref<!tpu.dma_semaphore, #tpu.memory_space<semaphore_mem>>
      %dma_start3A = arith.constant 0 : i32
      %dma_start3A_16 = arith.constant 0 : i32
      %dma_start3A_17 = tpu.memref_slice %arg5[%run_scoped3A, %dma_start3A, %dma_start3A_16] : memref<2x128x128xf32, #tpu.memory_space<hbm>> -> memref<1x128x128xf32, #tpu.memory_space<hbm>>
      %dma_start3A_18 = tpu.memref_squeeze %dma_start3A_17 : memref<1x128x128xf32, #tpu.memory_space<hbm>> -> memref<128x128xf32, #tpu.memory_space<hbm>>
      %dma_start3A_19 = arith.constant 0 : i32
      %dma_start3A_20 = arith.constant 0 : i32
      %dma_start3A_21 = tpu.memref_slice %arg5[%run_scoped3A, %dma_start3A_19, %dma_start3A_20] : memref<2x128x128xf32, #tpu.memory_space<hbm>> -> memref<1x128x128xf32, #tpu.memory_space<hbm>>
      %dma_start3A_22 = tpu.memref_squeeze %dma_start3A_21 : memref<1x128x128xf32, #tpu.memory_space<hbm>> -> memref<128x128xf32, #tpu.memory_space<hbm>>
      tpu.enqueue_dma source(%dma_start3A_22 : memref<128x128xf32, #tpu.memory_space<hbm>>) target(%arg10 : memref<128x128xf32, #tpu.memory_space<vmem>>) target_semaphore(%run_scoped3A_15 : memref<!tpu.dma_semaphore, #tpu.memory_space<semaphore_mem>>)
      %dma_wait3A = arith.constant 0 : i32
      %dma_wait3A_23 = arith.constant 0 : i32
      %dma_wait3A_24 = tpu.memref_slice %arg5[%run_scoped3A, %dma_wait3A, %dma_wait3A_23] : memref<2x128x128xf32, #tpu.memory_space<hbm>> -> memref<1x128x128xf32, #tpu.memory_space<hbm>>
      %dma_wait3A_25 = tpu.memref_squeeze %dma_wait3A_24 : memref<1x128x128xf32, #tpu.memory_space<hbm>> -> memref<128x128xf32, #tpu.memory_space<hbm>>
      %dma_wait3A_26 = arith.constant 0 : i32
      %dma_wait3A_27 = arith.constant 0 : i32
      %dma_wait3A_28 = tpu.memref_slice %arg5[%run_scoped3A, %dma_wait3A_26, %dma_wait3A_27] : memref<2x128x128xf32, #tpu.memory_space<hbm>> -> memref<1x128x128xf32, #tpu.memory_space<hbm>>
      %dma_wait3A_29 = tpu.memref_squeeze %dma_wait3A_28 : memref<1x128x128xf32, #tpu.memory_space<hbm>> -> memref<128x128xf32, #tpu.memory_space<hbm>>
      tpu.wait_dma2 semaphore(%run_scoped3A_15 : memref<!tpu.dma_semaphore, #tpu.memory_space<semaphore_mem>>) src(%dma_wait3A_29 : memref<128x128xf32, #tpu.memory_space<hbm>>) dst(%arg10 : memref<128x128xf32, #tpu.memory_space<vmem>>)
      tpu.yield
    }) : () -> ()
    %mul3A_1 = arith.constant 640 : i32
    %mul3A_2 = arith.muli %arg1, %mul3A_1 : i32
    %scan3A = arith.constant 0 : i32
    %scan3A_3 = arith.constant 5 : i32
    %scan3A_4 = arith.addi %scan3A, %scan3A_3 : i32
    %scan3A_5 = arith.constant 1 : i32
    scf.for %scan3A_15 = %scan3A to %scan3A_4 step %scan3A_5  : i32 {
      %mul3A_16 = arith.constant 1 : i32
      %mul3A_17 = arith.muli %scan3A_15, %mul3A_16 : i32
      %add3A_18 = arith.constant 0 : i32
      %add3A_19 = arith.addi %add3A_18, %mul3A_17 : i32
      %mul3A_20 = arith.constant 128 : i32
      %mul3A_21 = arith.muli %add3A_19, %mul3A_20 : i32
      %add3A_22 = arith.addi %mul3A_2, %mul3A_21 : i32
      "tpu.region"() ({
        %run_scoped3A_23 = tpu.sem_alloc : memref<!tpu.dma_semaphore, #tpu.memory_space<semaphore_mem>>
        %dma_start3A = arith.constant 0 : i32
        %dma_start3A_24 = tpu.memref_slice %arg12[%add3A_22, %dma_start3A] : memref<10240x128xf32, #tpu.memory_space<vmem_shared>> -> memref<128x128xf32, #tpu.memory_space<vmem_shared>>
        %dma_start3A_25 = arith.constant 0 : i32
        %dma_start3A_26 = tpu.memref_slice %arg12[%add3A_22, %dma_start3A_25] : memref<10240x128xf32, #tpu.memory_space<vmem_shared>> -> memref<128x128xf32, #tpu.memory_space<vmem_shared>>
        tpu.enqueue_dma source(%arg10 : memref<128x128xf32, #tpu.memory_space<vmem>>) target(%dma_start3A_26 : memref<128x128xf32, #tpu.memory_space<vmem_shared>>) target_semaphore(%run_scoped3A_23 : memref<!tpu.dma_semaphore, #tpu.memory_space<semaphore_mem>>)
        %dma_wait3A = arith.constant 0 : i32
        %dma_wait3A_27 = tpu.memref_slice %arg12[%add3A_22, %dma_wait3A] : memref<10240x128xf32, #tpu.memory_space<vmem_shared>> -> memref<128x128xf32, #tpu.memory_space<vmem_shared>>
        %dma_wait3A_28 = arith.constant 0 : i32
        %dma_wait3A_29 = tpu.memref_slice %arg12[%add3A_22, %dma_wait3A_28] : memref<10240x128xf32, #tpu.memory_space<vmem_shared>> -> memref<128x128xf32, #tpu.memory_space<vmem_shared>>
        tpu.wait_dma2 semaphore(%run_scoped3A_23 : memref<!tpu.dma_semaphore, #tpu.memory_space<semaphore_mem>>) src(%arg10 : memref<128x128xf32, #tpu.memory_space<vmem>>) dst(%dma_wait3A_29 : memref<128x128xf32, #tpu.memory_space<vmem_shared>>)
        tpu.yield
      }) : () -> ()
    }
    %scan3A_6 = arith.constant 5 : i32
    "tpu.region"() ({
      %run_scoped3A_15 = tpu.sem_alloc : memref<!tpu.dma_semaphore, #tpu.memory_space<semaphore_mem>>
      %dma_start3A = arith.constant 0 : i32
      %dma_start3A_16 = arith.constant 0 : i32
      %dma_start3A_17 = tpu.memref_slice %arg3[%add3A, %dma_start3A, %dma_start3A_16] : memref<32x80x128xi32, #tpu.memory_space<hbm>> -> memref<1x80x128xi32, #tpu.memory_space<hbm>>
      %dma_start3A_18 = tpu.memref_squeeze %dma_start3A_17 : memref<1x80x128xi32, #tpu.memory_space<hbm>> -> memref<80x128xi32, #tpu.memory_space<hbm>>
      %dma_start3A_19 = arith.constant 0 : i32
      %dma_start3A_20 = arith.constant 0 : i32
      %dma_start3A_21 = tpu.memref_slice %arg3[%add3A, %dma_start3A_19, %dma_start3A_20] : memref<32x80x128xi32, #tpu.memory_space<hbm>> -> memref<1x80x128xi32, #tpu.memory_space<hbm>>
      %dma_start3A_22 = tpu.memref_squeeze %dma_start3A_21 : memref<1x80x128xi32, #tpu.memory_space<hbm>> -> memref<80x128xi32, #tpu.memory_space<hbm>>
      tpu.enqueue_dma source(%dma_start3A_22 : memref<80x128xi32, #tpu.memory_space<hbm>>) target(%arg7 : memref<80x128xi32, #tpu.memory_space<vmem>>) target_semaphore(%run_scoped3A_15 : memref<!tpu.dma_semaphore, #tpu.memory_space<semaphore_mem>>)
      %dma_wait3A = arith.constant 0 : i32
      %dma_wait3A_23 = arith.constant 0 : i32
      %dma_wait3A_24 = tpu.memref_slice %arg3[%add3A, %dma_wait3A, %dma_wait3A_23] : memref<32x80x128xi32, #tpu.memory_space<hbm>> -> memref<1x80x128xi32, #tpu.memory_space<hbm>>
      %dma_wait3A_25 = tpu.memref_squeeze %dma_wait3A_24 : memref<1x80x128xi32, #tpu.memory_space<hbm>> -> memref<80x128xi32, #tpu.memory_space<hbm>>
      %dma_wait3A_26 = arith.constant 0 : i32
      %dma_wait3A_27 = arith.constant 0 : i32
      %dma_wait3A_28 = tpu.memref_slice %arg3[%add3A, %dma_wait3A_26, %dma_wait3A_27] : memref<32x80x128xi32, #tpu.memory_space<hbm>> -> memref<1x80x128xi32, #tpu.memory_space<hbm>>
      %dma_wait3A_29 = tpu.memref_squeeze %dma_wait3A_28 : memref<1x80x128xi32, #tpu.memory_space<hbm>> -> memref<80x128xi32, #tpu.memory_space<hbm>>
      tpu.wait_dma2 semaphore(%run_scoped3A_15 : memref<!tpu.dma_semaphore, #tpu.memory_space<semaphore_mem>>) src(%dma_wait3A_29 : memref<80x128xi32, #tpu.memory_space<hbm>>) dst(%arg7 : memref<80x128xi32, #tpu.memory_space<vmem>>)
      tpu.yield
    }) : () -> ()
    %barrier3A = arith.constant 0 : index
    tpu.barrier barrier_id(%barrier3A)
    %mul3A_7 = arith.constant 10240 : i32
    %mul3A_8 = arith.muli %add3A, %mul3A_7 : i32
    %scan3A_9 = arith.constant 0 : i32
    %scan3A_10 = arith.constant 40 : i32
    %scan3A_11 = arith.addi %scan3A_9, %scan3A_10 : i32
    %scan3A_12 = arith.constant 1 : i32
    scf.for %scan3A_15 = %scan3A_9 to %scan3A_11 step %scan3A_12  : i32 {
      %mul3A_16 = arith.constant 1 : i32
      %mul3A_17 = arith.muli %scan3A_15, %mul3A_16 : i32
      %add3A_18 = arith.constant 0 : i32
      %add3A_19 = arith.addi %add3A_18, %mul3A_17 : i32
      %mul3A_20 = arith.constant 2 : i32
      %mul3A_21 = arith.muli %add3A_19, %mul3A_20 : i32
      %dma_start3A = arith.constant 0 : i32
      %dma_start3A_22 = tpu.memref_slice %arg7[%mul3A_21, %dma_start3A] : memref<80x128xi32, #tpu.memory_space<vmem>> -> memref<1x128xi32, #tpu.memory_space<vmem>>
      %dma_start3A_23 = tpu.memref_squeeze %dma_start3A_22 : memref<1x128xi32, #tpu.memory_space<vmem>> -> memref<128xi32, #tpu.memory_space<vmem>>
      %dma_start3A_24 = arith.constant 0 : i32
      %dma_start3A_25 = arith.constant 0 : i32
      %dma_start3A_26 = tpu.memref_slice %arg2[%dma_start3A_24, %dma_start3A_25] : memref<10240x128xf32, #tpu.memory_space<hbm>> -> memref<10240x128xf32, #tpu.memory_space<hbm>>
      tpu.enqueue_indirect_dma source(%dma_start3A_26 : memref<10240x128xf32, #tpu.memory_space<hbm>>) target(%arg10 : memref<128x128xf32, #tpu.memory_space<vmem>>) offsets(%dma_start3A_23 : memref<128xi32, #tpu.memory_space<vmem>>) semaphore(%arg13 : memref<!tpu.dma_semaphore, #tpu.memory_space<semaphore_mem>>)
      %add3A_27 = arith.constant 1 : i32
      %add3A_28 = arith.addi %mul3A_21, %add3A_27 : i32
      %dma_start3A_29 = arith.constant 0 : i32
      %dma_start3A_30 = tpu.memref_slice %arg7[%add3A_28, %dma_start3A_29] : memref<80x128xi32, #tpu.memory_space<vmem>> -> memref<1x128xi32, #tpu.memory_space<vmem>>
      %dma_start3A_31 = tpu.memref_squeeze %dma_start3A_30 : memref<1x128xi32, #tpu.memory_space<vmem>> -> memref<128xi32, #tpu.memory_space<vmem>>
      %dma_start3A_32 = arith.constant 0 : i32
      %dma_start3A_33 = arith.constant 0 : i32
      %dma_start3A_34 = tpu.memref_slice %arg2[%dma_start3A_32, %dma_start3A_33] : memref<10240x128xf32, #tpu.memory_space<hbm>> -> memref<10240x128xf32, #tpu.memory_space<hbm>>
      tpu.enqueue_indirect_dma source(%dma_start3A_34 : memref<10240x128xf32, #tpu.memory_space<hbm>>) target(%arg11 : memref<128x128xf32, #tpu.memory_space<vmem>>) offsets(%dma_start3A_31 : memref<128xi32, #tpu.memory_space<vmem>>) semaphore(%arg14 : memref<!tpu.dma_semaphore, #tpu.memory_space<semaphore_mem>>)
      %mul3A_35 = arith.constant 128 : i32
      %mul3A_36 = arith.muli %mul3A_21, %mul3A_35 : i32
      %add3A_37 = arith.addi %mul3A_8, %mul3A_36 : i32
      "tpu.region"() ({
        %run_scoped3A_66 = tpu.sem_alloc : memref<!tpu.dma_semaphore, #tpu.memory_space<semaphore_mem>>
        %dma_start3A_67 = tpu.memref_slice %arg4[%add3A_37] : memref<327680xi32, #tpu.memory_space<hbm>> -> memref<128xi32, #tpu.memory_space<hbm>>
        %dma_start3A_68 = tpu.memref_slice %arg4[%add3A_37] : memref<327680xi32, #tpu.memory_space<hbm>> -> memref<128xi32, #tpu.memory_space<hbm>>
        tpu.enqueue_dma source(%dma_start3A_68 : memref<128xi32, #tpu.memory_space<hbm>>) target(%arg8 : memref<128xi32, #tpu.memory_space<vmem>>) target_semaphore(%run_scoped3A_66 : memref<!tpu.dma_semaphore, #tpu.memory_space<semaphore_mem>>)
        %dma_wait3A_69 = tpu.memref_slice %arg4[%add3A_37] : memref<327680xi32, #tpu.memory_space<hbm>> -> memref<128xi32, #tpu.memory_space<hbm>>
        %dma_wait3A_70 = tpu.memref_slice %arg4[%add3A_37] : memref<327680xi32, #tpu.memory_space<hbm>> -> memref<128xi32, #tpu.memory_space<hbm>>
        tpu.wait_dma2 semaphore(%run_scoped3A_66 : memref<!tpu.dma_semaphore, #tpu.memory_space<semaphore_mem>>) src(%dma_wait3A_70 : memref<128xi32, #tpu.memory_space<hbm>>) dst(%arg8 : memref<128xi32, #tpu.memory_space<vmem>>)
        tpu.yield
      }) : () -> ()
      %add3A_38 = arith.constant 1 : i32
      %add3A_39 = arith.addi %mul3A_21, %add3A_38 : i32
      %mul3A_40 = arith.constant 128 : i32
      %mul3A_41 = arith.muli %add3A_39, %mul3A_40 : i32
      %add3A_42 = arith.addi %mul3A_8, %mul3A_41 : i32
      "tpu.region"() ({
        %run_scoped3A_66 = tpu.sem_alloc : memref<!tpu.dma_semaphore, #tpu.memory_space<semaphore_mem>>
        %dma_start3A_67 = tpu.memref_slice %arg4[%add3A_42] : memref<327680xi32, #tpu.memory_space<hbm>> -> memref<128xi32, #tpu.memory_space<hbm>>
        %dma_start3A_68 = tpu.memref_slice %arg4[%add3A_42] : memref<327680xi32, #tpu.memory_space<hbm>> -> memref<128xi32, #tpu.memory_space<hbm>>
        tpu.enqueue_dma source(%dma_start3A_68 : memref<128xi32, #tpu.memory_space<hbm>>) target(%arg9 : memref<128xi32, #tpu.memory_space<vmem>>) target_semaphore(%run_scoped3A_66 : memref<!tpu.dma_semaphore, #tpu.memory_space<semaphore_mem>>)
        %dma_wait3A_69 = tpu.memref_slice %arg4[%add3A_42] : memref<327680xi32, #tpu.memory_space<hbm>> -> memref<128xi32, #tpu.memory_space<hbm>>
        %dma_wait3A_70 = tpu.memref_slice %arg4[%add3A_42] : memref<327680xi32, #tpu.memory_space<hbm>> -> memref<128xi32, #tpu.memory_space<hbm>>
        tpu.wait_dma2 semaphore(%run_scoped3A_66 : memref<!tpu.dma_semaphore, #tpu.memory_space<semaphore_mem>>) src(%dma_wait3A_70 : memref<128xi32, #tpu.memory_space<hbm>>) dst(%arg9 : memref<128xi32, #tpu.memory_space<vmem>>)
        tpu.yield
      }) : () -> ()
      %dma_wait3A = arith.constant 0 : i32
      %dma_wait3A_43 = tpu.memref_slice %arg7[%mul3A_21, %dma_wait3A] : memref<80x128xi32, #tpu.memory_space<vmem>> -> memref<1x128xi32, #tpu.memory_space<vmem>>
      %dma_wait3A_44 = tpu.memref_squeeze %dma_wait3A_43 : memref<1x128xi32, #tpu.memory_space<vmem>> -> memref<128xi32, #tpu.memory_space<vmem>>
      %dma_wait3A_45 = arith.constant 0 : i32
      %dma_wait3A_46 = arith.constant 0 : i32
      %dma_wait3A_47 = tpu.memref_slice %arg2[%dma_wait3A_45, %dma_wait3A_46] : memref<10240x128xf32, #tpu.memory_space<hbm>> -> memref<10240x128xf32, #tpu.memory_space<hbm>>
      tpu.wait_indirect_dma semaphore(%arg13 : memref<!tpu.dma_semaphore, #tpu.memory_space<semaphore_mem>>) src(%dma_wait3A_47 : memref<10240x128xf32, #tpu.memory_space<hbm>>) dst(%arg10 : memref<128x128xf32, #tpu.memory_space<vmem>>)
      %dma_start3A_48 = arith.constant 0 : i32
      %dma_start3A_49 = arith.constant 0 : i32
      %dma_start3A_50 = tpu.memref_slice %arg12[%dma_start3A_48, %dma_start3A_49] : memref<10240x128xf32, #tpu.memory_space<vmem_shared>> -> memref<10240x128xf32, #tpu.memory_space<vmem_shared>>
      tpu.enqueue_indirect_dma source(%arg10 : memref<128x128xf32, #tpu.memory_space<vmem>>) target(%dma_start3A_50 : memref<10240x128xf32, #tpu.memory_space<vmem_shared>>) offsets(%arg8 : memref<128xi32, #tpu.memory_space<vmem>>) semaphore(%arg15 : memref<!tpu.dma_semaphore, #tpu.memory_space<semaphore_mem>>) {add = true}
      %dma_wait3A_51 = arith.constant 0 : i32
      %dma_wait3A_52 = tpu.memref_slice %arg7[%add3A_28, %dma_wait3A_51] : memref<80x128xi32, #tpu.memory_space<vmem>> -> memref<1x128xi32, #tpu.memory_space<vmem>>
      %dma_wait3A_53 = tpu.memref_squeeze %dma_wait3A_52 : memref<1x128xi32, #tpu.memory_space<vmem>> -> memref<128xi32, #tpu.memory_space<vmem>>
      %dma_wait3A_54 = arith.constant 0 : i32
      %dma_wait3A_55 = arith.constant 0 : i32
      %dma_wait3A_56 = tpu.memref_slice %arg2[%dma_wait3A_54, %dma_wait3A_55] : memref<10240x128xf32, #tpu.memory_space<hbm>> -> memref<10240x128xf32, #tpu.memory_space<hbm>>
      tpu.wait_indirect_dma semaphore(%arg14 : memref<!tpu.dma_semaphore, #tpu.memory_space<semaphore_mem>>) src(%dma_wait3A_56 : memref<10240x128xf32, #tpu.memory_space<hbm>>) dst(%arg11 : memref<128x128xf32, #tpu.memory_space<vmem>>)
      %dma_start3A_57 = arith.constant 0 : i32
      %dma_start3A_58 = arith.constant 0 : i32
      %dma_start3A_59 = tpu.memref_slice %arg12[%dma_start3A_57, %dma_start3A_58] : memref<10240x128xf32, #tpu.memory_space<vmem_shared>> -> memref<10240x128xf32, #tpu.memory_space<vmem_shared>>
      tpu.enqueue_indirect_dma source(%arg11 : memref<128x128xf32, #tpu.memory_space<vmem>>) target(%dma_start3A_59 : memref<10240x128xf32, #tpu.memory_space<vmem_shared>>) offsets(%arg9 : memref<128xi32, #tpu.memory_space<vmem>>) semaphore(%arg16 : memref<!tpu.dma_semaphore, #tpu.memory_space<semaphore_mem>>) {add = true}
      %dma_wait3A_60 = arith.constant 0 : i32
      %dma_wait3A_61 = arith.constant 0 : i32
      %dma_wait3A_62 = tpu.memref_slice %arg12[%dma_wait3A_60, %dma_wait3A_61] : memref<10240x128xf32, #tpu.memory_space<vmem_shared>> -> memref<10240x128xf32, #tpu.memory_space<vmem_shared>>
      tpu.wait_indirect_dma semaphore(%arg15 : memref<!tpu.dma_semaphore, #tpu.memory_space<semaphore_mem>>) src(%arg10 : memref<128x128xf32, #tpu.memory_space<vmem>>) dst(%dma_wait3A_62 : memref<10240x128xf32, #tpu.memory_space<vmem_shared>>)
      %dma_wait3A_63 = arith.constant 0 : i32
      %dma_wait3A_64 = arith.constant 0 : i32
      %dma_wait3A_65 = tpu.memref_slice %arg12[%dma_wait3A_63, %dma_wait3A_64] : memref<10240x128xf32, #tpu.memory_space<vmem_shared>> -> memref<10240x128xf32, #tpu.memory_space<vmem_shared>>
      tpu.wait_indirect_dma semaphore(%arg16 : memref<!tpu.dma_semaphore, #tpu.memory_space<semaphore_mem>>) src(%arg11 : memref<128x128xf32, #tpu.memory_space<vmem>>) dst(%dma_wait3A_65 : memref<10240x128xf32, #tpu.memory_space<vmem_shared>>)
    }
    %scan3A_13 = arith.constant 40 : i32
    %barrier3A_14 = arith.constant 0 : index
    tpu.barrier barrier_id(%barrier3A_14)
    "tpu.region"() ({
      %run_scoped3A_15 = tpu.sem_alloc : memref<!tpu.dma_semaphore, #tpu.memory_space<semaphore_mem>>
      %dma_start3A = arith.constant 0 : i32
      %dma_start3A_16 = tpu.memref_slice %arg6[%arg0, %mul3A_2, %dma_start3A] : memref<2x10240x128xf32, #tpu.memory_space<hbm>> -> memref<1x640x128xf32, #tpu.memory_space<hbm>>
      %dma_start3A_17 = tpu.memref_squeeze %dma_start3A_16 : memref<1x640x128xf32, #tpu.memory_space<hbm>> -> memref<640x128xf32, #tpu.memory_space<hbm>>
      %dma_start3A_18 = arith.constant 0 : i32
      %dma_start3A_19 = tpu.memref_slice %arg12[%mul3A_2, %dma_start3A_18] : memref<10240x128xf32, #tpu.memory_space<vmem_shared>> -> memref<640x128xf32, #tpu.memory_space<vmem_shared>>
      tpu.enqueue_dma source(%dma_start3A_19 : memref<640x128xf32, #tpu.memory_space<vmem_shared>>) target(%dma_start3A_17 : memref<640x128xf32, #tpu.memory_space<hbm>>) target_semaphore(%run_scoped3A_15 : memref<!tpu.dma_semaphore, #tpu.memory_space<semaphore_mem>>)
      %dma_wait3A = arith.constant 0 : i32
      %dma_wait3A_20 = tpu.memref_slice %arg6[%arg0, %mul3A_2, %dma_wait3A] : memref<2x10240x128xf32, #tpu.memory_space<hbm>> -> memref<1x640x128xf32, #tpu.memory_space<hbm>>
      %dma_wait3A_21 = tpu.memref_squeeze %dma_wait3A_20 : memref<1x640x128xf32, #tpu.memory_space<hbm>> -> memref<640x128xf32, #tpu.memory_space<hbm>>
      %dma_wait3A_22 = arith.constant 0 : i32
      %dma_wait3A_23 = tpu.memref_slice %arg12[%mul3A_2, %dma_wait3A_22] : memref<10240x128xf32, #tpu.memory_space<vmem_shared>> -> memref<640x128xf32, #tpu.memory_space<vmem_shared>>
      tpu.wait_dma2 semaphore(%run_scoped3A_15 : memref<!tpu.dma_semaphore, #tpu.memory_space<semaphore_mem>>) src(%dma_wait3A_23 : memref<640x128xf32, #tpu.memory_space<vmem_shared>>) dst(%dma_wait3A_21 : memref<640x128xf32, #tpu.memory_space<hbm>>)
      tpu.yield
    }) : () -> ()
    return
  }
}

#map = affine_map<(d0, d1) -> (0, 0)>
#map1 = affine_map<(d0, d1) -> (0, 0, 0)>
#map2 = affine_map<(d0, d1) -> (0)>
module attributes {stable_mosaic.version = 14 : i64} {
  func.func @k(%arg0: i32, %arg1: i32, %arg2: memref<10240x128xf32, #tpu.memory_space<hbm>>, %arg3: memref<32x80x128xi32, #tpu.memory_space<hbm>>, %arg4: memref<327680xi32, #tpu.memory_space<hbm>>, %arg5: memref<2x128x128xf32, #tpu.memory_space<hbm>>, %arg6: memref<2x10240x128xf32, #tpu.memory_space<hbm>>, %arg7: memref<80x128xi32, #tpu.memory_space<vmem>>, %arg8: memref<128xi32, #tpu.memory_space<vmem>>, %arg9: memref<128xi32, #tpu.memory_space<vmem>>, %arg10: memref<128x128xf32, #tpu.memory_space<vmem>>, %arg11: memref<128x128xf32, #tpu.memory_space<vmem>>, %arg12: memref<10240x128xf32, #tpu.memory_space<vmem_shared>>, %arg13: memref<!tpu.dma_semaphore, #tpu.memory_space<semaphore_mem>>, %arg14: memref<!tpu.dma_semaphore, #tpu.memory_space<semaphore_mem>>, %arg15: memref<!tpu.dma_semaphore, #tpu.memory_space<semaphore_mem>>, %arg16: memref<!tpu.dma_semaphore, #tpu.memory_space<semaphore_mem>>) attributes {dimension_semantics = [#tpu.dimension_semantics<core_parallel>, #tpu.dimension_semantics<subcore_parallel>], iteration_bounds = array<i64: 2, 16>, scalar_prefetch = 0 : i64, scratch_operands = 10 : i64, tpu.core_type = #tpu.core_type<sc_vector_subcore>, window_params = [{transform_indices = #map}, {transform_indices = #map1}, {transform_indices = #map2}, {transform_indices = #map1}, {transform_indices = #map1}]} {
    %mul3A = arith.constant 2 : i32
    %mul3A_0 = arith.muli %arg1, %mul3A : i32
    %add3A = arith.addi %mul3A_0, %arg0 : i32
    %run_scoped3A = arith.constant 0 : i32
    "tpu.region"() ({
      %run_scoped3A_15 = tpu.sem_alloc : memref<!tpu.dma_semaphore, #tpu.memory_space<semaphore_mem>>
      %dma_start3A = arith.constant 0 : i32
      %dma_start3A_16 = arith.constant 0 : i32
      %dma_start3A_17 = tpu.memref_slice %arg5[%run_scoped3A, %dma_start3A, %dma_start3A_16] : memref<2x128x128xf32, #tpu.memory_space<hbm>> -> memref<1x128x128xf32, #tpu.memory_space<hbm>>
      %dma_start3A_18 = tpu.memref_squeeze %dma_start3A_17 : memref<1x128x128xf32, #tpu.memory_space<hbm>> -> memref<128x128xf32, #tpu.memory_space<hbm>>
      %dma_start3A_19 = arith.constant 0 : i32
      %dma_start3A_20 = arith.constant 0 : i32
      %dma_start3A_21 = tpu.memref_slice %arg5[%run_scoped3A, %dma_start3A_19, %dma_start3A_20] : memref<2x128x128xf32, #tpu.memory_space<hbm>> -> memref<1x128x128xf32, #tpu.memory_space<hbm>>
      %dma_start3A_22 = tpu.memref_squeeze %dma_start3A_21 : memref<1x128x128xf32, #tpu.memory_space<hbm>> -> memref<128x128xf32, #tpu.memory_space<hbm>>
      tpu.enqueue_dma source(%dma_start3A_22 : memref<128x128xf32, #tpu.memory_space<hbm>>) target(%arg10 : memref<128x128xf32, #tpu.memory_space<vmem>>) target_semaphore(%run_scoped3A_15 : memref<!tpu.dma_semaphore, #tpu.memory_space<semaphore_mem>>)
      %dma_wait3A = arith.constant 0 : i32
      %dma_wait3A_23 = arith.constant 0 : i32
      %dma_wait3A_24 = tpu.memref_slice %arg5[%run_scoped3A, %dma_wait3A, %dma_wait3A_23] : memref<2x128x128xf32, #tpu.memory_space<hbm>> -> memref<1x128x128xf32, #tpu.memory_space<hbm>>
      %dma_wait3A_25 = tpu.memref_squeeze %dma_wait3A_24 : memref<1x128x128xf32, #tpu.memory_space<hbm>> -> memref<128x128xf32, #tpu.memory_space<hbm>>
      %dma_wait3A_26 = arith.constant 0 : i32
      %dma_wait3A_27 = arith.constant 0 : i32
      %dma_wait3A_28 = tpu.memref_slice %arg5[%run_scoped3A, %dma_wait3A_26, %dma_wait3A_27] : memref<2x128x128xf32, #tpu.memory_space<hbm>> -> memref<1x128x128xf32, #tpu.memory_space<hbm>>
      %dma_wait3A_29 = tpu.memref_squeeze %dma_wait3A_28 : memref<1x128x128xf32, #tpu.memory_space<hbm>> -> memref<128x128xf32, #tpu.memory_space<hbm>>
      tpu.wait_dma2 semaphore(%run_scoped3A_15 : memref<!tpu.dma_semaphore, #tpu.memory_space<semaphore_mem>>) src(%dma_wait3A_29 : memref<128x128xf32, #tpu.memory_space<hbm>>) dst(%arg10 : memref<128x128xf32, #tpu.memory_space<vmem>>)
      tpu.yield
    }) : () -> ()
    %mul3A_1 = arith.constant 640 : i32
    %mul3A_2 = arith.muli %arg1, %mul3A_1 : i32
    %scan3A = arith.constant 0 : i32
    %scan3A_3 = arith.constant 5 : i32
    %scan3A_4 = arith.addi %scan3A, %scan3A_3 : i32
    %scan3A_5 = arith.constant 1 : i32
    scf.for %scan3A_15 = %scan3A to %scan3A_4 step %scan3A_5  : i32 {
      %mul3A_16 = arith.constant 1 : i32
      %mul3A_17 = arith.muli %scan3A_15, %mul3A_16 : i32
      %add3A_18 = arith.constant 0 : i32
      %add3A_19 = arith.addi %add3A_18, %mul3A_17 : i32
      %mul3A_20 = arith.constant 128 : i32
      %mul3A_21 = arith.muli %add3A_19, %mul3A_20 : i32
      %add3A_22 = arith.addi %mul3A_2, %mul3A_21 : i32
      "tpu.region"() ({
        %run_scoped3A_23 = tpu.sem_alloc : memref<!tpu.dma_semaphore, #tpu.memory_space<semaphore_mem>>
        %dma_start3A = arith.constant 0 : i32
        %dma_start3A_24 = tpu.memref_slice %arg12[%add3A_22, %dma_start3A] : memref<10240x128xf32, #tpu.memory_space<vmem_shared>> -> memref<128x128xf32, #tpu.memory_space<vmem_shared>>
        %dma_start3A_25 = arith.constant 0 : i32
        %dma_start3A_26 = tpu.memref_slice %arg12[%add3A_22, %dma_start3A_25] : memref<10240x128xf32, #tpu.memory_space<vmem_shared>> -> memref<128x128xf32, #tpu.memory_space<vmem_shared>>
        tpu.enqueue_dma source(%arg10 : memref<128x128xf32, #tpu.memory_space<vmem>>) target(%dma_start3A_26 : memref<128x128xf32, #tpu.memory_space<vmem_shared>>) target_semaphore(%run_scoped3A_23 : memref<!tpu.dma_semaphore, #tpu.memory_space<semaphore_mem>>)
        %dma_wait3A = arith.constant 0 : i32
        %dma_wait3A_27 = tpu.memref_slice %arg12[%add3A_22, %dma_wait3A] : memref<10240x128xf32, #tpu.memory_space<vmem_shared>> -> memref<128x128xf32, #tpu.memory_space<vmem_shared>>
        %dma_wait3A_28 = arith.constant 0 : i32
        %dma_wait3A_29 = tpu.memref_slice %arg12[%add3A_22, %dma_wait3A_28] : memref<10240x128xf32, #tpu.memory_space<vmem_shared>> -> memref<128x128xf32, #tpu.memory_space<vmem_shared>>
        tpu.wait_dma2 semaphore(%run_scoped3A_23 : memref<!tpu.dma_semaphore, #tpu.memory_space<semaphore_mem>>) src(%arg10 : memref<128x128xf32, #tpu.memory_space<vmem>>) dst(%dma_wait3A_29 : memref<128x128xf32, #tpu.memory_space<vmem_shared>>)
        tpu.yield
      }) : () -> ()
    }
    %scan3A_6 = arith.constant 5 : i32
    "tpu.region"() ({
      %run_scoped3A_15 = tpu.sem_alloc : memref<!tpu.dma_semaphore, #tpu.memory_space<semaphore_mem>>
      %dma_start3A = arith.constant 0 : i32
      %dma_start3A_16 = arith.constant 0 : i32
      %dma_start3A_17 = tpu.memref_slice %arg3[%add3A, %dma_start3A, %dma_start3A_16] : memref<32x80x128xi32, #tpu.memory_space<hbm>> -> memref<1x80x128xi32, #tpu.memory_space<hbm>>
      %dma_start3A_18 = tpu.memref_squeeze %dma_start3A_17 : memref<1x80x128xi32, #tpu.memory_space<hbm>> -> memref<80x128xi32, #tpu.memory_space<hbm>>
      %dma_start3A_19 = arith.constant 0 : i32
      %dma_start3A_20 = arith.constant 0 : i32
      %dma_start3A_21 = tpu.memref_slice %arg3[%add3A, %dma_start3A_19, %dma_start3A_20] : memref<32x80x128xi32, #tpu.memory_space<hbm>> -> memref<1x80x128xi32, #tpu.memory_space<hbm>>
      %dma_start3A_22 = tpu.memref_squeeze %dma_start3A_21 : memref<1x80x128xi32, #tpu.memory_space<hbm>> -> memref<80x128xi32, #tpu.memory_space<hbm>>
      tpu.enqueue_dma source(%dma_start3A_22 : memref<80x128xi32, #tpu.memory_space<hbm>>) target(%arg7 : memref<80x128xi32, #tpu.memory_space<vmem>>) target_semaphore(%run_scoped3A_15 : memref<!tpu.dma_semaphore, #tpu.memory_space<semaphore_mem>>)
      %dma_wait3A = arith.constant 0 : i32
      %dma_wait3A_23 = arith.constant 0 : i32
      %dma_wait3A_24 = tpu.memref_slice %arg3[%add3A, %dma_wait3A, %dma_wait3A_23] : memref<32x80x128xi32, #tpu.memory_space<hbm>> -> memref<1x80x128xi32, #tpu.memory_space<hbm>>
      %dma_wait3A_25 = tpu.memref_squeeze %dma_wait3A_24 : memref<1x80x128xi32, #tpu.memory_space<hbm>> -> memref<80x128xi32, #tpu.memory_space<hbm>>
      %dma_wait3A_26 = arith.constant 0 : i32
      %dma_wait3A_27 = arith.constant 0 : i32
      %dma_wait3A_28 = tpu.memref_slice %arg3[%add3A, %dma_wait3A_26, %dma_wait3A_27] : memref<32x80x128xi32, #tpu.memory_space<hbm>> -> memref<1x80x128xi32, #tpu.memory_space<hbm>>
      %dma_wait3A_29 = tpu.memref_squeeze %dma_wait3A_28 : memref<1x80x128xi32, #tpu.memory_space<hbm>> -> memref<80x128xi32, #tpu.memory_space<hbm>>
      tpu.wait_dma2 semaphore(%run_scoped3A_15 : memref<!tpu.dma_semaphore, #tpu.memory_space<semaphore_mem>>) src(%dma_wait3A_29 : memref<80x128xi32, #tpu.memory_space<hbm>>) dst(%arg7 : memref<80x128xi32, #tpu.memory_space<vmem>>)
      tpu.yield
    }) : () -> ()
    %barrier3A = arith.constant 0 : index
    tpu.barrier barrier_id(%barrier3A)
    %mul3A_7 = arith.constant 10240 : i32
    %mul3A_8 = arith.muli %add3A, %mul3A_7 : i32
    %scan3A_9 = arith.constant 0 : i32
    %scan3A_10 = arith.constant 40 : i32
    %scan3A_11 = arith.addi %scan3A_9, %scan3A_10 : i32
    %scan3A_12 = arith.constant 1 : i32
    scf.for %scan3A_15 = %scan3A_9 to %scan3A_11 step %scan3A_12  : i32 {
      %mul3A_16 = arith.constant 1 : i32
      %mul3A_17 = arith.muli %scan3A_15, %mul3A_16 : i32
      %add3A_18 = arith.constant 0 : i32
      %add3A_19 = arith.addi %add3A_18, %mul3A_17 : i32
      %mul3A_20 = arith.constant 2 : i32
      %mul3A_21 = arith.muli %add3A_19, %mul3A_20 : i32
      %dma_start3A = arith.constant 0 : i32
      %dma_start3A_22 = tpu.memref_slice %arg7[%mul3A_21, %dma_start3A] : memref<80x128xi32, #tpu.memory_space<vmem>> -> memref<1x128xi32, #tpu.memory_space<vmem>>
      %dma_start3A_23 = tpu.memref_squeeze %dma_start3A_22 : memref<1x128xi32, #tpu.memory_space<vmem>> -> memref<128xi32, #tpu.memory_space<vmem>>
      %dma_start3A_24 = arith.constant 0 : i32
      %dma_start3A_25 = arith.constant 0 : i32
      %dma_start3A_26 = tpu.memref_slice %arg2[%dma_start3A_24, %dma_start3A_25] : memref<10240x128xf32, #tpu.memory_space<hbm>> -> memref<10240x128xf32, #tpu.memory_space<hbm>>
      tpu.enqueue_indirect_dma source(%dma_start3A_26 : memref<10240x128xf32, #tpu.memory_space<hbm>>) target(%arg10 : memref<128x128xf32, #tpu.memory_space<vmem>>) offsets(%dma_start3A_23 : memref<128xi32, #tpu.memory_space<vmem>>) semaphore(%arg13 : memref<!tpu.dma_semaphore, #tpu.memory_space<semaphore_mem>>)
      %add3A_27 = arith.constant 1 : i32
      %add3A_28 = arith.addi %mul3A_21, %add3A_27 : i32
      %dma_start3A_29 = arith.constant 0 : i32
      %dma_start3A_30 = tpu.memref_slice %arg7[%add3A_28, %dma_start3A_29] : memref<80x128xi32, #tpu.memory_space<vmem>> -> memref<1x128xi32, #tpu.memory_space<vmem>>
      %dma_start3A_31 = tpu.memref_squeeze %dma_start3A_30 : memref<1x128xi32, #tpu.memory_space<vmem>> -> memref<128xi32, #tpu.memory_space<vmem>>
      %dma_start3A_32 = arith.constant 0 : i32
      %dma_start3A_33 = arith.constant 0 : i32
      %dma_start3A_34 = tpu.memref_slice %arg2[%dma_start3A_32, %dma_start3A_33] : memref<10240x128xf32, #tpu.memory_space<hbm>> -> memref<10240x128xf32, #tpu.memory_space<hbm>>
      tpu.enqueue_indirect_dma source(%dma_start3A_34 : memref<10240x128xf32, #tpu.memory_space<hbm>>) target(%arg11 : memref<128x128xf32, #tpu.memory_space<vmem>>) offsets(%dma_start3A_31 : memref<128xi32, #tpu.memory_space<vmem>>) semaphore(%arg14 : memref<!tpu.dma_semaphore, #tpu.memory_space<semaphore_mem>>)
      %mul3A_35 = arith.constant 128 : i32
      %mul3A_36 = arith.muli %mul3A_21, %mul3A_35 : i32
      %add3A_37 = arith.addi %mul3A_8, %mul3A_36 : i32
      "tpu.region"() ({
        %run_scoped3A_66 = tpu.sem_alloc : memref<!tpu.dma_semaphore, #tpu.memory_space<semaphore_mem>>
        %dma_start3A_67 = tpu.memref_slice %arg4[%add3A_37] : memref<327680xi32, #tpu.memory_space<hbm>> -> memref<128xi32, #tpu.memory_space<hbm>>
        %dma_start3A_68 = tpu.memref_slice %arg4[%add3A_37] : memref<327680xi32, #tpu.memory_space<hbm>> -> memref<128xi32, #tpu.memory_space<hbm>>
        tpu.enqueue_dma source(%dma_start3A_68 : memref<128xi32, #tpu.memory_space<hbm>>) target(%arg8 : memref<128xi32, #tpu.memory_space<vmem>>) target_semaphore(%run_scoped3A_66 : memref<!tpu.dma_semaphore, #tpu.memory_space<semaphore_mem>>)
        %dma_wait3A_69 = tpu.memref_slice %arg4[%add3A_37] : memref<327680xi32, #tpu.memory_space<hbm>> -> memref<128xi32, #tpu.memory_space<hbm>>
        %dma_wait3A_70 = tpu.memref_slice %arg4[%add3A_37] : memref<327680xi32, #tpu.memory_space<hbm>> -> memref<128xi32, #tpu.memory_space<hbm>>
        tpu.wait_dma2 semaphore(%run_scoped3A_66 : memref<!tpu.dma_semaphore, #tpu.memory_space<semaphore_mem>>) src(%dma_wait3A_70 : memref<128xi32, #tpu.memory_space<hbm>>) dst(%arg8 : memref<128xi32, #tpu.memory_space<vmem>>)
        tpu.yield
      }) : () -> ()
      %add3A_38 = arith.constant 1 : i32
      %add3A_39 = arith.addi %mul3A_21, %add3A_38 : i32
      %mul3A_40 = arith.constant 128 : i32
      %mul3A_41 = arith.muli %add3A_39, %mul3A_40 : i32
      %add3A_42 = arith.addi %mul3A_8, %mul3A_41 : i32
      "tpu.region"() ({
        %run_scoped3A_66 = tpu.sem_alloc : memref<!tpu.dma_semaphore, #tpu.memory_space<semaphore_mem>>
        %dma_start3A_67 = tpu.memref_slice %arg4[%add3A_42] : memref<327680xi32, #tpu.memory_space<hbm>> -> memref<128xi32, #tpu.memory_space<hbm>>
        %dma_start3A_68 = tpu.memref_slice %arg4[%add3A_42] : memref<327680xi32, #tpu.memory_space<hbm>> -> memref<128xi32, #tpu.memory_space<hbm>>
        tpu.enqueue_dma source(%dma_start3A_68 : memref<128xi32, #tpu.memory_space<hbm>>) target(%arg9 : memref<128xi32, #tpu.memory_space<vmem>>) target_semaphore(%run_scoped3A_66 : memref<!tpu.dma_semaphore, #tpu.memory_space<semaphore_mem>>)
        %dma_wait3A_69 = tpu.memref_slice %arg4[%add3A_42] : memref<327680xi32, #tpu.memory_space<hbm>> -> memref<128xi32, #tpu.memory_space<hbm>>
        %dma_wait3A_70 = tpu.memref_slice %arg4[%add3A_42] : memref<327680xi32, #tpu.memory_space<hbm>> -> memref<128xi32, #tpu.memory_space<hbm>>
        tpu.wait_dma2 semaphore(%run_scoped3A_66 : memref<!tpu.dma_semaphore, #tpu.memory_space<semaphore_mem>>) src(%dma_wait3A_70 : memref<128xi32, #tpu.memory_space<hbm>>) dst(%arg9 : memref<128xi32, #tpu.memory_space<vmem>>)
        tpu.yield
      }) : () -> ()
      %dma_wait3A = arith.constant 0 : i32
      %dma_wait3A_43 = tpu.memref_slice %arg7[%mul3A_21, %dma_wait3A] : memref<80x128xi32, #tpu.memory_space<vmem>> -> memref<1x128xi32, #tpu.memory_space<vmem>>
      %dma_wait3A_44 = tpu.memref_squeeze %dma_wait3A_43 : memref<1x128xi32, #tpu.memory_space<vmem>> -> memref<128xi32, #tpu.memory_space<vmem>>
      %dma_wait3A_45 = arith.constant 0 : i32
      %dma_wait3A_46 = arith.constant 0 : i32
      %dma_wait3A_47 = tpu.memref_slice %arg2[%dma_wait3A_45, %dma_wait3A_46] : memref<10240x128xf32, #tpu.memory_space<hbm>> -> memref<10240x128xf32, #tpu.memory_space<hbm>>
      tpu.wait_indirect_dma semaphore(%arg13 : memref<!tpu.dma_semaphore, #tpu.memory_space<semaphore_mem>>) src(%dma_wait3A_47 : memref<10240x128xf32, #tpu.memory_space<hbm>>) dst(%arg10 : memref<128x128xf32, #tpu.memory_space<vmem>>)
      %dma_start3A_48 = arith.constant 0 : i32
      %dma_start3A_49 = arith.constant 0 : i32
      %dma_start3A_50 = tpu.memref_slice %arg12[%dma_start3A_48, %dma_start3A_49] : memref<10240x128xf32, #tpu.memory_space<vmem_shared>> -> memref<10240x128xf32, #tpu.memory_space<vmem_shared>>
      tpu.enqueue_indirect_dma source(%arg10 : memref<128x128xf32, #tpu.memory_space<vmem>>) target(%dma_start3A_50 : memref<10240x128xf32, #tpu.memory_space<vmem_shared>>) offsets(%arg8 : memref<128xi32, #tpu.memory_space<vmem>>) semaphore(%arg15 : memref<!tpu.dma_semaphore, #tpu.memory_space<semaphore_mem>>) {add = true}
      %dma_wait3A_51 = arith.constant 0 : i32
      %dma_wait3A_52 = tpu.memref_slice %arg7[%add3A_28, %dma_wait3A_51] : memref<80x128xi32, #tpu.memory_space<vmem>> -> memref<1x128xi32, #tpu.memory_space<vmem>>
      %dma_wait3A_53 = tpu.memref_squeeze %dma_wait3A_52 : memref<1x128xi32, #tpu.memory_space<vmem>> -> memref<128xi32, #tpu.memory_space<vmem>>
      %dma_wait3A_54 = arith.constant 0 : i32
      %dma_wait3A_55 = arith.constant 0 : i32
      %dma_wait3A_56 = tpu.memref_slice %arg2[%dma_wait3A_54, %dma_wait3A_55] : memref<10240x128xf32, #tpu.memory_space<hbm>> -> memref<10240x128xf32, #tpu.memory_space<hbm>>
      tpu.wait_indirect_dma semaphore(%arg14 : memref<!tpu.dma_semaphore, #tpu.memory_space<semaphore_mem>>) src(%dma_wait3A_56 : memref<10240x128xf32, #tpu.memory_space<hbm>>) dst(%arg11 : memref<128x128xf32, #tpu.memory_space<vmem>>)
      %dma_start3A_57 = arith.constant 0 : i32
      %dma_start3A_58 = arith.constant 0 : i32
      %dma_start3A_59 = tpu.memref_slice %arg12[%dma_start3A_57, %dma_start3A_58] : memref<10240x128xf32, #tpu.memory_space<vmem_shared>> -> memref<10240x128xf32, #tpu.memory_space<vmem_shared>>
      tpu.enqueue_indirect_dma source(%arg11 : memref<128x128xf32, #tpu.memory_space<vmem>>) target(%dma_start3A_59 : memref<10240x128xf32, #tpu.memory_space<vmem_shared>>) offsets(%arg9 : memref<128xi32, #tpu.memory_space<vmem>>) semaphore(%arg16 : memref<!tpu.dma_semaphore, #tpu.memory_space<semaphore_mem>>) {add = true}
      %dma_wait3A_60 = arith.constant 0 : i32
      %dma_wait3A_61 = arith.constant 0 : i32
      %dma_wait3A_62 = tpu.memref_slice %arg12[%dma_wait3A_60, %dma_wait3A_61] : memref<10240x128xf32, #tpu.memory_space<vmem_shared>> -> memref<10240x128xf32, #tpu.memory_space<vmem_shared>>
      tpu.wait_indirect_dma semaphore(%arg15 : memref<!tpu.dma_semaphore, #tpu.memory_space<semaphore_mem>>) src(%arg10 : memref<128x128xf32, #tpu.memory_space<vmem>>) dst(%dma_wait3A_62 : memref<10240x128xf32, #tpu.memory_space<vmem_shared>>)
      %dma_wait3A_63 = arith.constant 0 : i32
      %dma_wait3A_64 = arith.constant 0 : i32
      %dma_wait3A_65 = tpu.memref_slice %arg12[%dma_wait3A_63, %dma_wait3A_64] : memref<10240x128xf32, #tpu.memory_space<vmem_shared>> -> memref<10240x128xf32, #tpu.memory_space<vmem_shared>>
      tpu.wait_indirect_dma semaphore(%arg16 : memref<!tpu.dma_semaphore, #tpu.memory_space<semaphore_mem>>) src(%arg11 : memref<128x128xf32, #tpu.memory_space<vmem>>) dst(%dma_wait3A_65 : memref<10240x128xf32, #tpu.memory_space<vmem_shared>>)
    }
    %scan3A_13 = arith.constant 40 : i32
    %barrier3A_14 = arith.constant 0 : index
    tpu.barrier barrier_id(%barrier3A_14)
    "tpu.region"() ({
      %run_scoped3A_15 = tpu.sem_alloc : memref<!tpu.dma_semaphore, #tpu.memory_space<semaphore_mem>>
      %dma_start3A = arith.constant 0 : i32
      %dma_start3A_16 = tpu.memref_slice %arg6[%arg0, %mul3A_2, %dma_start3A] : memref<2x10240x128xf32, #tpu.memory_space<hbm>> -> memref<1x640x128xf32, #tpu.memory_space<hbm>>
      %dma_start3A_17 = tpu.memref_squeeze %dma_start3A_16 : memref<1x640x128xf32, #tpu.memory_space<hbm>> -> memref<640x128xf32, #tpu.memory_space<hbm>>
      %dma_start3A_18 = arith.constant 0 : i32
      %dma_start3A_19 = tpu.memref_slice %arg12[%mul3A_2, %dma_start3A_18] : memref<10240x128xf32, #tpu.memory_space<vmem_shared>> -> memref<640x128xf32, #tpu.memory_space<vmem_shared>>
      tpu.enqueue_dma source(%dma_start3A_19 : memref<640x128xf32, #tpu.memory_space<vmem_shared>>) target(%dma_start3A_17 : memref<640x128xf32, #tpu.memory_space<hbm>>) target_semaphore(%run_scoped3A_15 : memref<!tpu.dma_semaphore, #tpu.memory_space<semaphore_mem>>)
      %dma_wait3A = arith.constant 0 : i32
      %dma_wait3A_20 = tpu.memref_slice %arg6[%arg0, %mul3A_2, %dma_wait3A] : memref<2x10240x128xf32, #tpu.memory_space<hbm>> -> memref<1x640x128xf32, #tpu.memory_space<hbm>>
      %dma_wait3A_21 = tpu.memref_squeeze %dma_wait3A_20 : memref<1x640x128xf32, #tpu.memory_space<hbm>> -> memref<640x128xf32, #tpu.memory_space<hbm>>
      %dma_wait3A_22 = arith.constant 0 : i32
      %dma_wait3A_23 = tpu.memref_slice %arg12[%mul3A_2, %dma_wait3A_22] : memref<10240x128xf32, #tpu.memory_space<vmem_shared>> -> memref<640x128xf32, #tpu.memory_space<vmem_shared>>
      tpu.wait_dma2 semaphore(%run_scoped3A_15 : memref<!tpu.dma_semaphore, #tpu.memory_space<semaphore_mem>>) src(%dma_wait3A_23 : memref<640x128xf32, #tpu.memory_space<vmem_shared>>) dst(%dma_wait3A_21 : memref<640x128xf32, #tpu.memory_space<hbm>>)
      tpu.yield
    }) : () -> ()
    return
  }
}

module attributes {stable_mosaic.version = 14 : i64} {
  func.func @body(%arg0: i32, %arg1: memref<2048x128xf32, #tpu.memory_space<vmem>>, %arg2: memref<128x384xf32, #tpu.memory_space<vmem>>, %arg3: memref<2048x384xf32, #tpu.memory_space<vmem>>) attributes {dimension_semantics = [#tpu.dimension_semantics<arbitrary>], iteration_bounds = array<i64: 5>, scalar_prefetch = 0 : i64, scratch_operands = 0 : i64, tpu.core_type = #tpu.core_type<tc>, window_params = [{transform_indices = @transform_0, window_bounds = array<i64: 2048, 128>}, {pipeline_mode = #tpu.pipeline_mode<synchronous>, transform_indices = @transform_1, window_bounds = array<i64: 128, 384>}, {transform_indices = @transform_2, window_bounds = array<i64: 2048, 384>}]} {
    %get3A = arith.constant 0 : index
    %get3A_0 = arith.constant 0 : index
    %get3A_1 = vector.load %arg1[%get3A, %get3A_0] : memref<2048x128xf32, #tpu.memory_space<vmem>>, vector<2048x128xf32>
    %get3A_2 = arith.constant 0 : index
    %get3A_3 = arith.constant 0 : index
    %get3A_4 = vector.load %arg2[%get3A_2, %get3A_3] : memref<128x384xf32, #tpu.memory_space<vmem>>, vector<128x384xf32>
    %dot_general3A = arith.constant dense<0.000000e+00> : vector<2048x384xf32>
    %dot_general3A_5 = tpu.matmul %get3A_1, %get3A_4, %dot_general3A {dimension_numbers = #tpu.dot_dimension_numbers<[1], [0], [0], [1], [0, 0, 1, 1], [], []>, transpose_lhs_hint = false} : vector<2048x128xf32>, vector<128x384xf32>, vector<2048x384xf32> -> vector<2048x384xf32>
    %swap3A = arith.constant 0 : index
    %swap3A_6 = arith.constant 0 : index
    %swap3A_7 = vector.load %arg3[%swap3A, %swap3A_6] : memref<2048x384xf32, #tpu.memory_space<vmem>>, vector<2048x384xf32>
    tpu.vector_store %arg3[%swap3A, %swap3A_6], %dot_general3A_5 {strides = array<i32>} : memref<2048x384xf32, #tpu.memory_space<vmem>>, vector<2048x384xf32>,
    return
  }
  func.func @transform_0(%arg0: i32) -> (i32, i32) {
    %c0_i32 = arith.constant 0 : i32
    %c0_i32_0 = arith.constant 0 : i32
    return %arg0, %c0_i32 : i32, i32
  }
  func.func @transform_1(%arg0: i32) -> (i32, i32) {
    %c0_i32 = arith.constant 0 : i32
    %c0_i32_0 = arith.constant 0 : i32
    %c0_i32_1 = arith.constant 0 : i32
    return %c0_i32, %c0_i32_0 : i32, i32
  }
  func.func @transform_2(%arg0: i32) -> (i32, i32) {
    %c0_i32 = arith.constant 0 : i32
    %c0_i32_0 = arith.constant 0 : i32
    return %arg0, %c0_i32 : i32, i32
  }
}

module attributes {stable_mosaic.version = 14 : i64} {
  func.func @body(%arg0: i32, %arg1: memref<2048x1xf32, #tpu.memory_space<vmem>>, %arg2: memref<2048x128xf32, #tpu.memory_space<vmem>>, %arg3: memref<2x2048x128xf32, #tpu.memory_space<vmem>>, %arg4: memref<2048x128xf32, #tpu.memory_space<vmem>>) attributes {dimension_semantics = [#tpu.dimension_semantics<arbitrary>], iteration_bounds = array<i64: 5>, scalar_prefetch = 0 : i64, scratch_operands = 0 : i64, tpu.core_type = #tpu.core_type<tc>, window_params = [{transform_indices = @transform_0, window_bounds = array<i64: 2048, 1>}, {transform_indices = @transform_1, window_bounds = array<i64: 2048, 128>}, {transform_indices = @transform_2, window_bounds = array<i64: 2, 2048, 128>}, {transform_indices = @transform_3, window_bounds = array<i64: 2048, 128>}]} {
    %get3A = arith.constant 0 : index
    %get3A_0 = arith.constant 0 : index
    %get3A_1 = vector.load %arg1[%get3A, %get3A_0] : memref<2048x1xf32, #tpu.memory_space<vmem>>, vector<2048x1xf32>
    %get3A_2 = arith.constant 0 : index
    %get3A_3 = arith.constant 0 : index
    %get3A_4 = vector.load %arg2[%get3A_2, %get3A_3] : memref<2048x128xf32, #tpu.memory_space<vmem>>, vector<2048x128xf32>
    %get3A_5 = arith.constant 0 : index
    %get3A_6 = arith.constant 0 : index
    %get3A_7 = arith.constant 0 : index
    %get3A_8 = vector.load %arg3[%get3A_5, %get3A_6, %get3A_7] : memref<2x2048x128xf32, #tpu.memory_space<vmem>>, vector<1x2048x128xf32>
    %get3A_9 = vector.shape_cast %get3A_8 : vector<1x2048x128xf32> to vector<2048x128xf32>
    %get3A_10 = arith.constant 1 : index
    %get3A_11 = arith.constant 0 : index
    %get3A_12 = arith.constant 0 : index
    %get3A_13 = vector.load %arg3[%get3A_10, %get3A_11, %get3A_12] : memref<2x2048x128xf32, #tpu.memory_space<vmem>>, vector<1x2048x128xf32>
    %get3A_14 = vector.shape_cast %get3A_13 : vector<1x2048x128xf32> to vector<2048x128xf32>
    %add3A = arith.addf %get3A_9, %get3A_14 : vector<2048x128xf32>
    %mul3A = vector.broadcast %get3A_1 : vector<2048x1xf32> to vector<2048x128xf32>
    %mul3A_15 = arith.mulf %mul3A, %add3A : vector<2048x128xf32>
    %sub3A = arith.subf %get3A_4, %mul3A_15 : vector<2048x128xf32>
    %mul3A_16 = vector.broadcast %get3A_1 : vector<2048x1xf32> to vector<2048x128xf32>
    %mul3A_17 = arith.mulf %mul3A_16, %sub3A : vector<2048x128xf32>
    %swap3A = arith.constant 0 : index
    %swap3A_18 = arith.constant 0 : index
    %swap3A_19 = vector.load %arg4[%swap3A, %swap3A_18] : memref<2048x128xf32, #tpu.memory_space<vmem>>, vector<2048x128xf32>
    tpu.vector_store %arg4[%swap3A, %swap3A_18], %mul3A_17 {strides = array<i32>} : memref<2048x128xf32, #tpu.memory_space<vmem>>, vector<2048x128xf32>,
    return
  }
  func.func @transform_0(%arg0: i32) -> (i32, i32) {
    %c0_i32 = arith.constant 0 : i32
    %c0_i32_0 = arith.constant 0 : i32
    return %arg0, %c0_i32 : i32, i32
  }
  func.func @transform_1(%arg0: i32) -> (i32, i32) {
    %c1_i32 = arith.constant 1 : i32
    %c0_i32 = arith.constant 0 : i32
    return %arg0, %c1_i32 : i32, i32
  }
  func.func @transform_2(%arg0: i32) -> (i32, i32, i32) {
    %c0_i32 = arith.constant 0 : i32
    %c0_i32_0 = arith.constant 0 : i32
    %c0_i32_1 = arith.constant 0 : i32
    return %c0_i32, %arg0, %c0_i32_0 : i32, i32, i32
  }
  func.func @transform_3(%arg0: i32) -> (i32, i32) {
    %c0_i32 = arith.constant 0 : i32
    %c0_i32_0 = arith.constant 0 : i32
    return %arg0, %c0_i32 : i32, i32
  }
}

module attributes {stable_mosaic.version = 14 : i64} {
  func.func @body(%arg0: i32, %arg1: memref<2x2048x128xf32, #tpu.memory_space<vmem>>, %arg2: memref<2048x128xf32, #tpu.memory_space<vmem>>, %arg3: memref<2048x1xf32, #tpu.memory_space<vmem>>, %arg4: memref<2048x128xf32, #tpu.memory_space<vmem>>) attributes {dimension_semantics = [#tpu.dimension_semantics<arbitrary>], iteration_bounds = array<i64: 5>, scalar_prefetch = 0 : i64, scratch_operands = 0 : i64, tpu.core_type = #tpu.core_type<tc>, window_params = [{transform_indices = @transform_0, window_bounds = array<i64: 2, 2048, 128>}, {transform_indices = @transform_1, window_bounds = array<i64: 2048, 128>}, {transform_indices = @transform_2, window_bounds = array<i64: 2048, 1>}, {transform_indices = @transform_3, window_bounds = array<i64: 2048, 128>}]} {
    %get3A = arith.constant 0 : index
    %get3A_0 = arith.constant 0 : index
    %get3A_1 = arith.constant 0 : index
    %get3A_2 = vector.load %arg1[%get3A, %get3A_0, %get3A_1] : memref<2x2048x128xf32, #tpu.memory_space<vmem>>, vector<1x2048x1xf32>
    %get3A_3 = vector.shape_cast %get3A_2 : vector<1x2048x1xf32> to vector<2048x1xf32>
    %get3A_4 = arith.constant 1 : index
    %get3A_5 = arith.constant 0 : index
    %get3A_6 = arith.constant 0 : index
    %get3A_7 = vector.load %arg1[%get3A_4, %get3A_5, %get3A_6] : memref<2x2048x128xf32, #tpu.memory_space<vmem>>, vector<1x2048x1xf32>
    %get3A_8 = vector.shape_cast %get3A_7 : vector<1x2048x1xf32> to vector<2048x1xf32>
    %add3A = arith.addf %get3A_3, %get3A_8 : vector<2048x1xf32>
    %gt3A = arith.constant 0.000000e+00 : f32
    %gt3A_9 = vector.broadcast %gt3A : f32 to vector<2048x1xf32>
    %gt3A_10 = arith.cmpf ogt, %add3A, %gt3A_9 : vector<2048x1xf32>
    %max3A = arith.constant 9.99999996E-13 : f32
    %max3A_11 = vector.broadcast %max3A : f32 to vector<2048x1xf32>
    %max3A_12 = arith.maximumf %add3A, %max3A_11 : vector<2048x1xf32>
    %rsqrt3A = math.rsqrt %max3A_12 : vector<2048x1xf32>
    %jit3A = arith.constant 0.000000e+00 : f32
    %broadcast_in_dim3A = vector.broadcast %jit3A : f32 to vector<2048x1xf32>
    %select_n3A = arith.select %gt3A_10, %rsqrt3A, %broadcast_in_dim3A : vector<2048x1xi1>, vector<2048x1xf32>
    %swap3A = arith.constant 0 : index
    %swap3A_13 = arith.constant 0 : index
    %swap3A_14 = vector.load %arg3[%swap3A, %swap3A_13] : memref<2048x1xf32, #tpu.memory_space<vmem>>, vector<2048x1xf32>
    tpu.vector_store %arg3[%swap3A, %swap3A_13], %select_n3A {strides = array<i32>} : memref<2048x1xf32, #tpu.memory_space<vmem>>, vector<2048x1xf32>,
    %get3A_15 = arith.constant 0 : index
    %get3A_16 = arith.constant 0 : index
    %get3A_17 = vector.load %arg2[%get3A_15, %get3A_16] : memref<2048x128xf32, #tpu.memory_space<vmem>>, vector<2048x128xf32>
    %mul3A = vector.broadcast %select_n3A : vector<2048x1xf32> to vector<2048x128xf32>
    %mul3A_18 = arith.mulf %mul3A, %get3A_17 : vector<2048x128xf32>
    %swap3A_19 = arith.constant 0 : index
    %swap3A_20 = arith.constant 0 : index
    %swap3A_21 = vector.load %arg4[%swap3A_19, %swap3A_20] : memref<2048x128xf32, #tpu.memory_space<vmem>>, vector<2048x128xf32>
    tpu.vector_store %arg4[%swap3A_19, %swap3A_20], %mul3A_18 {strides = array<i32>} : memref<2048x128xf32, #tpu.memory_space<vmem>>, vector<2048x128xf32>,
    return
  }
  func.func @transform_0(%arg0: i32) -> (i32, i32, i32) {
    %c0_i32 = arith.constant 0 : i32
    %c0_i32_0 = arith.constant 0 : i32
    %c0_i32_1 = arith.constant 0 : i32
    return %c0_i32, %arg0, %c0_i32_0 : i32, i32, i32
  }
  func.func @transform_1(%arg0: i32) -> (i32, i32) {
    %c2_i32 = arith.constant 2 : i32
    %c0_i32 = arith.constant 0 : i32
    return %arg0, %c2_i32 : i32, i32
  }
  func.func @transform_2(%arg0: i32) -> (i32, i32) {
    %c0_i32 = arith.constant 0 : i32
    %c0_i32_0 = arith.constant 0 : i32
    return %arg0, %c0_i32 : i32, i32
  }
  func.func @transform_3(%arg0: i32) -> (i32, i32) {
    %c0_i32 = arith.constant 0 : i32
    %c0_i32_0 = arith.constant 0 : i32
    return %arg0, %c0_i32 : i32, i32
  }
}

module attributes {stable_mosaic.version = 14 : i64} {
  func.func @body(%arg0: i32, %arg1: memref<2048x1xf32, #tpu.memory_space<vmem>>, %arg2: memref<2048x128xf32, #tpu.memory_space<vmem>>, %arg3: memref<2x2048x128xf32, #tpu.memory_space<vmem>>, %arg4: memref<8x128xf32, #tpu.memory_space<vmem>>, %arg5: memref<128x192xf32, #tpu.memory_space<vmem>>, %arg6: memref<2048x192xf32, #tpu.memory_space<vmem>>, %arg7: memref<2048x128xf32, #tpu.memory_space<vmem>>) attributes {dimension_semantics = [#tpu.dimension_semantics<arbitrary>], iteration_bounds = array<i64: 5>, scalar_prefetch = 0 : i64, scratch_operands = 0 : i64, tpu.core_type = #tpu.core_type<tc>, window_params = [{transform_indices = @transform_0, window_bounds = array<i64: 2048, 1>}, {transform_indices = @transform_1, window_bounds = array<i64: 2048, 128>}, {transform_indices = @transform_2, window_bounds = array<i64: 2, 2048, 128>}, {pipeline_mode = #tpu.pipeline_mode<synchronous>, transform_indices = @transform_3, window_bounds = array<i64: 8, 128>}, {pipeline_mode = #tpu.pipeline_mode<synchronous>, transform_indices = @transform_4, window_bounds = array<i64: 128, 192>}, {transform_indices = @transform_5, window_bounds = array<i64: 2048, 192>}, {transform_indices = @transform_6, window_bounds = array<i64: 2048, 128>}]} {
    %get3A = arith.constant 0 : index
    %get3A_0 = arith.constant 0 : index
    %get3A_1 = vector.load %arg1[%get3A, %get3A_0] : memref<2048x1xf32, #tpu.memory_space<vmem>>, vector<2048x1xf32>
    %get3A_2 = arith.constant 0 : index
    %get3A_3 = arith.constant 0 : index
    %get3A_4 = vector.load %arg2[%get3A_2, %get3A_3] : memref<2048x128xf32, #tpu.memory_space<vmem>>, vector<2048x128xf32>
    %get3A_5 = arith.constant 0 : index
    %get3A_6 = arith.constant 0 : index
    %get3A_7 = vector.load %arg4[%get3A_5, %get3A_6] : memref<8x128xf32, #tpu.memory_space<vmem>>, vector<1x128xf32>
    %add3A = vector.broadcast %get3A_7 : vector<1x128xf32> to vector<2048x128xf32>
    %add3A_8 = arith.addf %get3A_4, %add3A : vector<2048x128xf32>
    %get3A_9 = arith.constant 0 : index
    %get3A_10 = arith.constant 0 : index
    %get3A_11 = arith.constant 0 : index
    %get3A_12 = vector.load %arg3[%get3A_9, %get3A_10, %get3A_11] : memref<2x2048x128xf32, #tpu.memory_space<vmem>>, vector<1x2048x128xf32>
    %get3A_13 = vector.shape_cast %get3A_12 : vector<1x2048x128xf32> to vector<2048x128xf32>
    %get3A_14 = arith.constant 1 : index
    %get3A_15 = arith.constant 0 : index
    %get3A_16 = arith.constant 0 : index
    %get3A_17 = vector.load %arg3[%get3A_14, %get3A_15, %get3A_16] : memref<2x2048x128xf32, #tpu.memory_space<vmem>>, vector<1x2048x128xf32>
    %get3A_18 = vector.shape_cast %get3A_17 : vector<1x2048x128xf32> to vector<2048x128xf32>
    %add3A_19 = arith.addf %get3A_13, %get3A_18 : vector<2048x128xf32>
    %mul3A = vector.broadcast %get3A_1 : vector<2048x1xf32> to vector<2048x128xf32>
    %mul3A_20 = arith.mulf %mul3A, %add3A_19 : vector<2048x128xf32>
    %sub3A = arith.subf %add3A_8, %mul3A_20 : vector<2048x128xf32>
    %max3A = arith.constant 0.000000e+00 : f32
    %max3A_21 = vector.broadcast %max3A : f32 to vector<2048x128xf32>
    %max3A_22 = arith.maximumf %sub3A, %max3A_21 : vector<2048x128xf32>
    %get3A_23 = arith.constant 0 : index
    %get3A_24 = arith.constant 0 : index
    %get3A_25 = vector.load %arg5[%get3A_23, %get3A_24] : memref<128x192xf32, #tpu.memory_space<vmem>>, vector<128x192xf32>
    %dot_general3A = arith.constant dense<0.000000e+00> : vector<2048x192xf32>
    %dot_general3A_26 = tpu.matmul %max3A_22, %get3A_25, %dot_general3A {dimension_numbers = #tpu.dot_dimension_numbers<[1], [0], [0], [1], [0, 0, 1, 1], [], []>, transpose_lhs_hint = false} : vector<2048x128xf32>, vector<128x192xf32>, vector<2048x192xf32> -> vector<2048x192xf32>
    %swap3A = arith.constant 0 : index
    %swap3A_27 = arith.constant 0 : index
    %swap3A_28 = vector.load %arg6[%swap3A, %swap3A_27] : memref<2048x192xf32, #tpu.memory_space<vmem>>, vector<2048x192xf32>
    tpu.vector_store %arg6[%swap3A, %swap3A_27], %dot_general3A_26 {strides = array<i32>} : memref<2048x192xf32, #tpu.memory_space<vmem>>, vector<2048x192xf32>,
    %slice3A = vector.extract_strided_slice %dot_general3A_26 {offsets = [0, 128], sizes = [2048, 64], strides = [1, 1]} : vector<2048x192xf32> to vector<2048x64xf32>
    %mul3A_29 = vector.broadcast %get3A_1 : vector<2048x1xf32> to vector<2048x64xf32>
    %mul3A_30 = arith.mulf %mul3A_29, %slice3A : vector<2048x64xf32>
    %broadcast_in_dim3A = arith.constant 0.000000e+00 : f32
    %broadcast_in_dim3A_31 = vector.broadcast %broadcast_in_dim3A : f32 to vector<2048x64xf32>
    %concatenate3A = tpu.concatenate %mul3A_30, %broadcast_in_dim3A_31 in 1 : vector<2048x64xf32>, vector<2048x64xf32> -> vector<2048x128xf32>
    %swap3A_32 = arith.constant 0 : index
    %swap3A_33 = arith.constant 0 : index
    %swap3A_34 = vector.load %arg7[%swap3A_32, %swap3A_33] : memref<2048x128xf32, #tpu.memory_space<vmem>>, vector<2048x128xf32>
    tpu.vector_store %arg7[%swap3A_32, %swap3A_33], %concatenate3A {strides = array<i32>} : memref<2048x128xf32, #tpu.memory_space<vmem>>, vector<2048x128xf32>,
    return
  }
  func.func @transform_0(%arg0: i32) -> (i32, i32) {
    %c0_i32 = arith.constant 0 : i32
    %c0_i32_0 = arith.constant 0 : i32
    return %arg0, %c0_i32 : i32, i32
  }
  func.func @transform_1(%arg0: i32) -> (i32, i32) {
    %c0_i32 = arith.constant 0 : i32
    %c0_i32_0 = arith.constant 0 : i32
    return %arg0, %c0_i32 : i32, i32
  }
  func.func @transform_2(%arg0: i32) -> (i32, i32, i32) {
    %c0_i32 = arith.constant 0 : i32
    %c0_i32_0 = arith.constant 0 : i32
    %c0_i32_1 = arith.constant 0 : i32
    return %c0_i32, %arg0, %c0_i32_0 : i32, i32, i32
  }
  func.func @transform_3(%arg0: i32) -> (i32, i32) {
    %c0_i32 = arith.constant 0 : i32
    %c0_i32_0 = arith.constant 0 : i32
    %c0_i32_1 = arith.constant 0 : i32
    return %c0_i32, %c0_i32_0 : i32, i32
  }
  func.func @transform_4(%arg0: i32) -> (i32, i32) {
    %c0_i32 = arith.constant 0 : i32
    %c0_i32_0 = arith.constant 0 : i32
    %c0_i32_1 = arith.constant 0 : i32
    return %c0_i32, %c0_i32_0 : i32, i32
  }
  func.func @transform_5(%arg0: i32) -> (i32, i32) {
    %c0_i32 = arith.constant 0 : i32
    %c0_i32_0 = arith.constant 0 : i32
    return %arg0, %c0_i32 : i32, i32
  }
  func.func @transform_6(%arg0: i32) -> (i32, i32) {
    %c0_i32 = arith.constant 0 : i32
    %c0_i32_0 = arith.constant 0 : i32
    return %arg0, %c0_i32 : i32, i32
  }
}

module attributes {stable_mosaic.version = 14 : i64} {
  func.func @body(%arg0: i32, %arg1: memref<2048x1xf32, #tpu.memory_space<vmem>>, %arg2: memref<2048x192xf32, #tpu.memory_space<vmem>>, %arg3: memref<2x2048x128xf32, #tpu.memory_space<vmem>>, %arg4: memref<2048x128xf32, #tpu.memory_space<vmem>>) attributes {dimension_semantics = [#tpu.dimension_semantics<arbitrary>], iteration_bounds = array<i64: 5>, scalar_prefetch = 0 : i64, scratch_operands = 0 : i64, tpu.core_type = #tpu.core_type<tc>, window_params = [{transform_indices = @transform_0, window_bounds = array<i64: 2048, 1>}, {transform_indices = @transform_1, window_bounds = array<i64: 2048, 192>}, {transform_indices = @transform_2, window_bounds = array<i64: 2, 2048, 128>}, {transform_indices = @transform_3, window_bounds = array<i64: 2048, 128>}]} {
    %get3A = arith.constant 0 : index
    %get3A_0 = arith.constant 0 : index
    %get3A_1 = vector.load %arg1[%get3A, %get3A_0] : memref<2048x1xf32, #tpu.memory_space<vmem>>, vector<2048x1xf32>
    %get3A_2 = arith.constant 0 : index
    %get3A_3 = arith.constant 64 : index
    %get3A_4 = vector.load %arg2[%get3A_2, %get3A_3] : memref<2048x192xf32, #tpu.memory_space<vmem>>, vector<2048x64xf32>
    %get3A_5 = arith.constant 0 : index
    %get3A_6 = arith.constant 0 : index
    %get3A_7 = arith.constant 0 : index
    %get3A_8 = vector.load %arg3[%get3A_5, %get3A_6, %get3A_7] : memref<2x2048x128xf32, #tpu.memory_space<vmem>>, vector<1x2048x64xf32>
    %get3A_9 = vector.shape_cast %get3A_8 : vector<1x2048x64xf32> to vector<2048x64xf32>
    %get3A_10 = arith.constant 1 : index
    %get3A_11 = arith.constant 0 : index
    %get3A_12 = arith.constant 0 : index
    %get3A_13 = vector.load %arg3[%get3A_10, %get3A_11, %get3A_12] : memref<2x2048x128xf32, #tpu.memory_space<vmem>>, vector<1x2048x64xf32>
    %get3A_14 = vector.shape_cast %get3A_13 : vector<1x2048x64xf32> to vector<2048x64xf32>
    %add3A = arith.addf %get3A_9, %get3A_14 : vector<2048x64xf32>
    %mul3A = vector.broadcast %get3A_1 : vector<2048x1xf32> to vector<2048x64xf32>
    %mul3A_15 = arith.mulf %mul3A, %add3A : vector<2048x64xf32>
    %sub3A = arith.subf %get3A_4, %mul3A_15 : vector<2048x64xf32>
    %mul3A_16 = vector.broadcast %get3A_1 : vector<2048x1xf32> to vector<2048x64xf32>
    %mul3A_17 = arith.mulf %mul3A_16, %sub3A : vector<2048x64xf32>
    %broadcast_in_dim3A = arith.constant 0.000000e+00 : f32
    %broadcast_in_dim3A_18 = vector.broadcast %broadcast_in_dim3A : f32 to vector<2048x64xf32>
    %concatenate3A = tpu.concatenate %mul3A_17, %broadcast_in_dim3A_18 in 1 : vector<2048x64xf32>, vector<2048x64xf32> -> vector<2048x128xf32>
    %swap3A = arith.constant 0 : index
    %swap3A_19 = arith.constant 0 : index
    %swap3A_20 = vector.load %arg4[%swap3A, %swap3A_19] : memref<2048x128xf32, #tpu.memory_space<vmem>>, vector<2048x128xf32>
    tpu.vector_store %arg4[%swap3A, %swap3A_19], %concatenate3A {strides = array<i32>} : memref<2048x128xf32, #tpu.memory_space<vmem>>, vector<2048x128xf32>,
    return
  }
  func.func @transform_0(%arg0: i32) -> (i32, i32) {
    %c0_i32 = arith.constant 0 : i32
    %c0_i32_0 = arith.constant 0 : i32
    return %arg0, %c0_i32 : i32, i32
  }
  func.func @transform_1(%arg0: i32) -> (i32, i32) {
    %c0_i32 = arith.constant 0 : i32
    %c0_i32_0 = arith.constant 0 : i32
    return %arg0, %c0_i32 : i32, i32
  }
  func.func @transform_2(%arg0: i32) -> (i32, i32, i32) {
    %c0_i32 = arith.constant 0 : i32
    %c0_i32_0 = arith.constant 0 : i32
    %c0_i32_1 = arith.constant 0 : i32
    return %c0_i32, %arg0, %c0_i32_0 : i32, i32, i32
  }
  func.func @transform_3(%arg0: i32) -> (i32, i32) {
    %c0_i32 = arith.constant 0 : i32
    %c0_i32_0 = arith.constant 0 : i32
    return %arg0, %c0_i32 : i32, i32
  }
}

module attributes {stable_mosaic.version = 14 : i64} {
  func.func @body(%arg0: i32, %arg1: memref<2048x1xf32, #tpu.memory_space<vmem>>, %arg2: memref<2048x192xf32, #tpu.memory_space<vmem>>, %arg3: memref<2x2048x128xf32, #tpu.memory_space<vmem>>, %arg4: memref<8x64xf32, #tpu.memory_space<vmem>>, %arg5: memref<2048x1xi32, #tpu.memory_space<vmem>>, %arg6: memref<128x64xf32, #tpu.memory_space<vmem>>, %arg7: memref<128x64xf32, #tpu.memory_space<vmem>>, %arg8: memref<1x128xf32, #tpu.memory_space<vmem>>) attributes {dimension_semantics = [#tpu.dimension_semantics<arbitrary>], iteration_bounds = array<i64: 5>, scalar_prefetch = 0 : i64, scratch_operands = 2 : i64, tpu.core_type = #tpu.core_type<tc>, window_params = [{transform_indices = @transform_0, window_bounds = array<i64: 2048, 1>}, {transform_indices = @transform_1, window_bounds = array<i64: 2048, 192>}, {transform_indices = @transform_2, window_bounds = array<i64: 2, 2048, 128>}, {pipeline_mode = #tpu.pipeline_mode<synchronous>, transform_indices = @transform_3, window_bounds = array<i64: 8, 64>}, {transform_indices = @transform_4, window_bounds = array<i64: 2048, 1>}, {pipeline_mode = #tpu.pipeline_mode<synchronous>, transform_indices = @transform_5, window_bounds = array<i64: 128, 64>}]} {
    %get3A = arith.constant 0 : index
    %get3A_0 = arith.constant 0 : index
    %get3A_1 = vector.load %arg1[%get3A, %get3A_0] : memref<2048x1xf32, #tpu.memory_space<vmem>>, vector<2048x1xf32>
    %get3A_2 = arith.constant 0 : index
    %get3A_3 = arith.constant 0 : index
    %get3A_4 = vector.load %arg2[%get3A_2, %get3A_3] : memref<2048x192xf32, #tpu.memory_space<vmem>>, vector<2048x64xf32>
    %get3A_5 = arith.constant 0 : index
    %get3A_6 = arith.constant 0 : index
    %get3A_7 = vector.load %arg4[%get3A_5, %get3A_6] : memref<8x64xf32, #tpu.memory_space<vmem>>, vector<1x64xf32>
    %add3A = vector.broadcast %get3A_7 : vector<1x64xf32> to vector<2048x64xf32>
    %add3A_8 = arith.addf %get3A_4, %add3A : vector<2048x64xf32>
    %get3A_9 = arith.constant 0 : index
    %get3A_10 = arith.constant 0 : index
    %get3A_11 = arith.constant 0 : index
    %get3A_12 = vector.load %arg3[%get3A_9, %get3A_10, %get3A_11] : memref<2x2048x128xf32, #tpu.memory_space<vmem>>, vector<1x2048x64xf32>
    %get3A_13 = vector.shape_cast %get3A_12 : vector<1x2048x64xf32> to vector<2048x64xf32>
    %get3A_14 = arith.constant 1 : index
    %get3A_15 = arith.constant 0 : index
    %get3A_16 = arith.constant 0 : index
    %get3A_17 = vector.load %arg3[%get3A_14, %get3A_15, %get3A_16] : memref<2x2048x128xf32, #tpu.memory_space<vmem>>, vector<1x2048x64xf32>
    %get3A_18 = vector.shape_cast %get3A_17 : vector<1x2048x64xf32> to vector<2048x64xf32>
    %add3A_19 = arith.addf %get3A_13, %get3A_18 : vector<2048x64xf32>
    %mul3A = vector.broadcast %get3A_1 : vector<2048x1xf32> to vector<2048x64xf32>
    %mul3A_20 = arith.mulf %mul3A, %add3A_19 : vector<2048x64xf32>
    %sub3A = arith.subf %add3A_8, %mul3A_20 : vector<2048x64xf32>
    %get3A_21 = arith.constant 0 : index
    %get3A_22 = arith.constant 0 : index
    %get3A_23 = vector.load %arg5[%get3A_21, %get3A_22] : memref<2048x1xi32, #tpu.memory_space<vmem>>, vector<2048x1xi32>
    %iota3A = tpu.iota {dimensions = array<i32: 1>} : vector<2048x128xi32>
    %eq3A = vector.broadcast %get3A_23 : vector<2048x1xi32> to vector<2048x128xi32>
    %eq3A_24 = arith.cmpi eq, %iota3A, %eq3A : vector<2048x128xi32>
    %convert_element_type3A = arith.extui %eq3A_24 : vector<2048x128xi1> to vector<2048x128xi32>
    %convert_element_type3A_25 = arith.sitofp %convert_element_type3A : vector<2048x128xi32> to vector<2048x128xf32>
    %dot_general3A = arith.constant dense<0.000000e+00> : vector<128x64xf32>
    %dot_general3A_26 = tpu.matmul %convert_element_type3A_25, %sub3A, %dot_general3A {dimension_numbers = #tpu.dot_dimension_numbers<[0], [0], [1], [1], [0, 1, 1, 1], [], []>, transpose_lhs_hint = false} : vector<2048x128xf32>, vector<2048x64xf32>, vector<128x64xf32> -> vector<128x64xf32>
    %reduce_sum3A = arith.constant dense<0.000000e+00> : vector<128xf32>
    %reduce_sum3A_27 = vector.multi_reduction <add>, %convert_element_type3A_25, %reduce_sum3A [0] : vector<2048x128xf32> to vector<128xf32>
    %broadcast_in_dim3A = vector.shape_cast %reduce_sum3A_27 : vector<128xf32> to vector<1x128xf32>
    %eq3A_28 = arith.constant 0 : i32
    %eq3A_29 = arith.cmpi eq, %arg0, %eq3A_28 : i32
    %convert_element_type3A_30 = arith.extui %eq3A_29 : i1 to i32
    %cond3A = arith.constant 0 : i32
    %cond3A_31 = arith.cmpi ne, %convert_element_type3A_30, %cond3A : i32
    scf.if %cond3A_31 {
      %swap3A = arith.constant 0 : index
      %swap3A_41 = arith.constant 0 : index
      %swap3A_42 = vector.load %arg7[%swap3A, %swap3A_41] : memref<128x64xf32, #tpu.memory_space<vmem>>, vector<128x64xf32>
      tpu.vector_store %arg7[%swap3A, %swap3A_41], %dot_general3A_26 {strides = array<i32>} : memref<128x64xf32, #tpu.memory_space<vmem>>, vector<128x64xf32>,
      %swap3A_43 = arith.constant 0 : index
      %swap3A_44 = arith.constant 0 : index
      %swap3A_45 = vector.load %arg8[%swap3A_43, %swap3A_44] : memref<1x128xf32, #tpu.memory_space<vmem>>, vector<1x128xf32>
      tpu.vector_store %arg8[%swap3A_43, %swap3A_44], %broadcast_in_dim3A {strides = array<i32>} : memref<1x128xf32, #tpu.memory_space<vmem>>, vector<1x128xf32>,
    } else {
    }
    %gt3A = arith.constant 0 : i32
    %gt3A_32 = arith.cmpi sgt, %arg0, %gt3A : i32
    %convert_element_type3A_33 = arith.extui %gt3A_32 : i1 to i32
    %cond3A_34 = arith.constant 0 : i32
    %cond3A_35 = arith.cmpi ne, %convert_element_type3A_33, %cond3A_34 : i32
    scf.if %cond3A_35 {
      %get3A_41 = arith.constant 0 : index
      %get3A_42 = arith.constant 0 : index
      %get3A_43 = vector.load %arg7[%get3A_41, %get3A_42] : memref<128x64xf32, #tpu.memory_space<vmem>>, vector<128x64xf32>
      %add3A_44 = arith.addf %get3A_43, %dot_general3A_26 : vector<128x64xf32>
      %swap3A = arith.constant 0 : index
      %swap3A_45 = arith.constant 0 : index
      %swap3A_46 = vector.load %arg7[%swap3A, %swap3A_45] : memref<128x64xf32, #tpu.memory_space<vmem>>, vector<128x64xf32>
      tpu.vector_store %arg7[%swap3A, %swap3A_45], %add3A_44 {strides = array<i32>} : memref<128x64xf32, #tpu.memory_space<vmem>>, vector<128x64xf32>,
      %get3A_47 = arith.constant 0 : index
      %get3A_48 = arith.constant 0 : index
      %get3A_49 = vector.load %arg8[%get3A_47, %get3A_48] : memref<1x128xf32, #tpu.memory_space<vmem>>, vector<1x128xf32>
      %add3A_50 = arith.addf %get3A_49, %broadcast_in_dim3A : vector<1x128xf32>
      %swap3A_51 = arith.constant 0 : index
      %swap3A_52 = arith.constant 0 : index
      %swap3A_53 = vector.load %arg8[%swap3A_51, %swap3A_52] : memref<1x128xf32, #tpu.memory_space<vmem>>, vector<1x128xf32>
      tpu.vector_store %arg8[%swap3A_51, %swap3A_52], %add3A_50 {strides = array<i32>} : memref<1x128xf32, #tpu.memory_space<vmem>>, vector<1x128xf32>,
    } else {
    }
    %eq3A_36 = arith.constant 4 : i32
    %eq3A_37 = arith.cmpi eq, %arg0, %eq3A_36 : i32
    %convert_element_type3A_38 = arith.extui %eq3A_37 : i1 to i32
    %cond3A_39 = arith.constant 0 : i32
    %cond3A_40 = arith.cmpi ne, %convert_element_type3A_38, %cond3A_39 : i32
    scf.if %cond3A_40 {
      %get3A_41 = arith.constant 0 : index
      %get3A_42 = arith.constant 0 : index
      %get3A_43 = vector.load %arg8[%get3A_41, %get3A_42] : memref<1x128xf32, #tpu.memory_space<vmem>>, vector<1x128xf32>
      %max3A = arith.constant 1.000000e+00 : f32
      %max3A_44 = vector.broadcast %max3A : f32 to vector<1x128xf32>
      %max3A_45 = arith.maximumf %get3A_43, %max3A_44 : vector<1x128xf32>
      %get3A_46 = arith.constant 0 : index
      %get3A_47 = arith.constant 0 : index
      %get3A_48 = vector.load %arg7[%get3A_46, %get3A_47] : memref<128x64xf32, #tpu.memory_space<vmem>>, vector<128x64xf32>
      %reshape3A = vector.shape_cast %max3A_45 : vector<1x128xf32> to vector<128x1xf32>
      %div3A = vector.broadcast %reshape3A : vector<128x1xf32> to vector<128x64xf32>
      %div3A_49 = arith.divf %get3A_48, %div3A : vector<128x64xf32>
      %reduce_max3A = arith.constant dense<0xFF800000> : vector<128xf32>
      %reduce_max3A_50 = vector.multi_reduction <maximumf>, %div3A_49, %reduce_max3A [1] : vector<128x64xf32> to vector<128xf32>
      %broadcast_in_dim3A_51 = vector.shape_cast %reduce_max3A_50 : vector<128xf32> to vector<128x1xf32>
      %sub3A_52 = vector.broadcast %broadcast_in_dim3A_51 : vector<128x1xf32> to vector<128x64xf32>
      %sub3A_53 = arith.subf %div3A_49, %sub3A_52 : vector<128x64xf32>
      %exp3A = math.exp %sub3A_53 : vector<128x64xf32>
      %reduce_sum3A_54 = arith.constant dense<0.000000e+00> : vector<128xf32>
      %reduce_sum3A_55 = vector.multi_reduction <add>, %exp3A, %reduce_sum3A_54 [1] : vector<128x64xf32> to vector<128xf32>
      %broadcast_in_dim3A_56 = vector.shape_cast %reduce_sum3A_55 : vector<128xf32> to vector<128x1xf32>
      %log3A = math.log %broadcast_in_dim3A_56 : vector<128x1xf32>
      %sub3A_57 = vector.broadcast %log3A : vector<128x1xf32> to vector<128x64xf32>
      %sub3A_58 = arith.subf %sub3A_53, %sub3A_57 : vector<128x64xf32>
      %swap3A = arith.constant 0 : index
      %swap3A_59 = arith.constant 0 : index
      %swap3A_60 = vector.load %arg6[%swap3A, %swap3A_59] : memref<128x64xf32, #tpu.memory_space<vmem>>, vector<128x64xf32>
      tpu.vector_store %arg6[%swap3A, %swap3A_59], %sub3A_58 {strides = array<i32>} : memref<128x64xf32, #tpu.memory_space<vmem>>, vector<128x64xf32>,
    } else {
    }
    return
  }
  func.func @transform_0(%arg0: i32) -> (i32, i32) {
    %c0_i32 = arith.constant 0 : i32
    %c0_i32_0 = arith.constant 0 : i32
    return %arg0, %c0_i32 : i32, i32
  }
  func.func @transform_1(%arg0: i32) -> (i32, i32) {
    %c0_i32 = arith.constant 0 : i32
    %c0_i32_0 = arith.constant 0 : i32
    return %arg0, %c0_i32 : i32, i32
  }
  func.func @transform_2(%arg0: i32) -> (i32, i32, i32) {
    %c0_i32 = arith.constant 0 : i32
    %c0_i32_0 = arith.constant 0 : i32
    %c0_i32_1 = arith.constant 0 : i32
    return %c0_i32, %arg0, %c0_i32_0 : i32, i32, i32
  }
  func.func @transform_3(%arg0: i32) -> (i32, i32) {
    %c0_i32 = arith.constant 0 : i32
    %c0_i32_0 = arith.constant 0 : i32
    %c0_i32_1 = arith.constant 0 : i32
    return %c0_i32, %c0_i32_0 : i32, i32
  }
  func.func @transform_4(%arg0: i32) -> (i32, i32) {
    %c0_i32 = arith.constant 0 : i32
    %c0_i32_0 = arith.constant 0 : i32
    return %arg0, %c0_i32 : i32, i32
  }
  func.func @transform_5(%arg0: i32) -> (i32, i32) {
    %c0_i32 = arith.constant 0 : i32
    %c0_i32_0 = arith.constant 0 : i32
    %c0_i32_1 = arith.constant 0 : i32
    return %c0_i32, %c0_i32_0 : i32, i32
  }
}

</mosaic_0001>

<sc_bundles>
// kernel: kernel.13.cloned.1.call-start
scs
__scs_entry_jumppad:
0x0: {  	(pc) =	sbr.rel $0x88, $3  }
0x1: {  	(tag) =	ssettag $0x0;
	lr =	simm.s32 $0x1  }
0x2: {  	[smem:$0x3F9A] =	sst lr;
	_ =	strace $0xD0000000  }
0x3: {  	_ = 	snop  }
0x4: {  	_ = 	snop  }
0x5: {  	_ = 	snop  }
0x6: {  	_ = 	snop  }
0x7: {  	_ = 	snop  }
__scs_overlays_trampoline_lowered:
0x8: {  	[smem:$0x3FA9] =	sst s0  }
0x9: {  	[smem:$0x3FAA] =	sst s1  }
0xa: {  	[smem:$0x3FAB] =	sst s2  }
0xb: {  	[smem:$0x3FAC] =	sst s3  }
0xc: {  	[smem:$0x3FAD] =	sst s4  }
0xd: {  	[smem:$0x3FAE] =	sst s5  }
0xe: {  	[smem:$0x3FAF] =	sst s6  }
0xf: {  	[smem:$0x3FB0] =	sst s7  }
0x10: {  	[smem:$0x3FB1] =	sst s8  }
0x11: {  	[smem:$0x3FB2] =	sst s9;
	s0 =	simm.s32 @!p0 $0x0  }
0x12: {  	s1 =	sld [smem:$0x3F98];
	s0 =	simm.s32 @p0 $0x1  }
0x13: {  	[smem:$0x3FB3] =	sst s0;
	s0 =	simm.s32 @!p1 $0x0  }
0x14: {  	s2 =	sld [smem:$0x3F97];
	s0 =	simm.s32 @p1 $0x1  }
0x15: {  	[smem:$0x3FB4] =	sst s0;
	s0 =	simm.s32 @!p2 $0x0  }
0x16: {  	s3 =	sld [smem:$0x3FDB];
	s0 =	simm.s32 @p2 $0x1  }
0x17: {  	s4 =	simm.s32 $0x1BF5;
	[smem:$0x3FB6] =	sst s0  }
0x18: {  	s0 =	sld [smem:$0x3F99];
	_ =	swait.ge [sflag:s4], $0x0  }
0x19: {  	s7 =	sld [smem:$0x3F9A]  }
0x1a: {  	s8 =	sadd.s32 $0xFFFFE003, lr  }
0x1b: {  	s9 =	sadd.s32 $0xFFFFFEF7, lr;
	s5 =	simm.s32 $0xFFFFFFFF;
	p2 =	slt.u32 s8, $0xFFFFF086  }
0x1c: {  	p1 =	slt.u32 s9, $0xF7A;
	s5 =	simm.s32 @!p2 $0x0  }
0x1d: {  	s5 =	simm.s32 @p1 $0x1;
	p0 =	seq.s32 s7, s2  }
0x1e: {  	s7 =	smul.u32 @!p0 $0xF7A, s2;
	p2 =	seq.s32 @!p0 s5, $0x0  }
0x1f: {  	s9 =	smul.u32 $0xF7A, s1;
	s8 =	simm.s32 @!p0 $0x1BF5;
	p2 =	por !p2, p0  }
0x20: {  	[sflag:s8] =	ssyncset.s32 @!p0 $0xFFFFF086;
	s6 =	sadd.s32 @!p0 s3, s7;
	s7 =	simm.s32 @!p0 $0x108  }
0x21: {  	s3 =	sadd.s32 s3, s9;
	s6 =	sadd.s32 @!p0 $0x88, s6;
	s7 =	simm.s32 @p2 $0x1082  }
0x22: {  	[simem:s7], [sflag:s8] =	dma.local @!p0 [hbm:s6], $0xF7A  }
0x23: {  	s9 =	sor.u32 $0xD0000000, s2;
	s6 =	simm.s32 $0x108;
	_ =	swait.ge @!p0 [sflag:s8], $0x0  }
0x24: {  	s3 =	sadd.s32 $0x88, s3;
	s6 =	simm.s32 @!p1 $0x1082;
	[sflag:s4] =	ssyncset.s32 $0xFFFFF086  }
0x25: {  	[simem:s6], [sflag:s4] =	dma.local [hbm:s3], $0xF7A  }
0x26: {  	[smem:$0x3F9A] =	sst s1;
	(tag) =	ssettag s2;
	_ =	strace s9  }
0x27: {  	s1 =	sld [smem:$0x3FAA]  }
0x28: {  	s2 =	sld [smem:$0x3FAB]  }
0x29: {  	s4 =	sld [smem:$0x3FAD]  }
0x2a: {  	p0 =	seq.s32 s5, $0x0;
	s5 =	sld [smem:$0x3FAE]  }
0x2b: {  	s6 =	sld [smem:$0x3FAF]  }
0x2c: {  	s7 =	sld [smem:$0x3FB0]  }
0x2d: {  	s3 =	simm.s32 $0x108;
	s8 =	sld [smem:$0x3FB1]  }
0x2e: {  	s3 =	simm.s32 @!p0 $0x1082;
	s9 =	sld [smem:$0x3FB2]  }
0x2f: {  	lr =	sadd.s32 s0, s3;
	s0 =	sld [smem:$0x3FA9]  }
0x30: {  	s3 =	sld [smem:$0x3FAC]  }
0x31: {  	[smem:$0x3FB5] =	sst s10  }
0x32: {  	s10 =	sld [smem:$0x3FB3];
	_ =	sdelay $0x3  }
0x33: {  	p0 =	seq.s32 s10, $0x1;
	s10 =	sld [smem:$0x3FB5];
	_ =	sdelay $0x3  }
0x34: {  	[smem:$0x3FB5] =	sst s10  }
0x35: {  	s10 =	sld [smem:$0x3FB4];
	_ =	sdelay $0x3  }
0x36: {  	p1 =	seq.s32 s10, $0x1;
	s10 =	sld [smem:$0x3FB5];
	_ =	sdelay $0x3  }
0x37: {  	[smem:$0x3FB5] =	sst s10  }
0x38: {  	s10 =	sld [smem:$0x3FB6]  }
0x39: {  	_ = 	snop;
	(pc) =	sbr.ind lr, $3  }
0x3a: {  	_ = 	snop  }
0x3b: {  	_ = 	snop  }
0x3c: {  	p2 =	seq.s32 s10, $0x1;
	s10 =	sld [smem:$0x3FB5]  }
0x3d: {  	_ =	shalt  }
0x3e: {  	_ =	shalt  }
0x3f: {  	_ =	shalt  }
0x40: {  	_ =	shalt  }
0x41: {  	_ =	shalt  }
0x42: {  	_ =	shalt  }
0x43: {  	_ =	shalt  }
0x44: {  	_ =	shalt  }
0x45: {  	_ =	shalt  }
0x46: {  	_ =	shalt  }
0x47: {  	_ =	shalt  }
0x48: {  	_ =	shalt  }
0x49: {  	_ =	shalt  }
0x4a: {  	_ =	shalt  }
0x4b: {  	_ =	shalt  }
0x4c: {  	_ =	shalt  }
0x4d: {  	_ =	shalt  }
0x4e: {  	_ =	shalt  }
0x4f: {  	_ =	shalt  }
0x50: {  	_ =	shalt  }
0x51: {  	_ =	shalt  }
0x52: {  	_ =	shalt  }
0x53: {  	_ =	shalt  }
0x54: {  	_ =	shalt  }
0x55: {  	_ =	shalt  }
0x56: {  	_ =	shalt  }
0x57: {  	_ =	shalt  }
0x58: {  	_ =	shalt  }
0x59: {  	_ =	shalt  }
0x5a: {  	_ =	shalt  }
0x5b: {  	_ =	shalt  }
0x5c: {  	_ =	shalt  }
0x5d: {  	_ =	shalt  }
0x5e: {  	_ =	shalt  }
0x5f: {  	_ =	shalt  }
0x60: {  	_ =	shalt  }
0x61: {  	_ =	shalt  }
0x62: {  	_ =	shalt  }
0x63: {  	_ =	shalt  }
0x64: {  	_ =	shalt  }
0x65: {  	_ =	shalt  }
0x66: {  	_ =	shalt  }
0x67: {  	_ =	shalt  }
0x68: {  	_ =	shalt  }
0x69: {  	_ =	shalt  }
0x6a: {  	_ =	shalt  }
0x6b: {  	_ =	shalt  }
0x6c: {  	_ =	shalt  }
0x6d: {  	_ =	shalt  }
0x6e: {  	_ =	shalt  }
0x6f: {  	_ =	shalt  }
0x70: {  	_ =	shalt  }
0x71: {  	_ =	shalt  }
0x72: {  	_ =	shalt  }
0x73: {  	_ =	shalt  }
0x74: {  	_ =	shalt  }
0x75: {  	_ =	shalt  }
0x76: {  	_ =	shalt  }
0x77: {  	_ =	shalt  }
0x78: {  	_ =	shalt  }
0x79: {  	_ =	shalt  }
0x7a: {  	_ =	shalt  }
0x7b: {  	_ =	shalt  }
0x7c: {  	_ =	shalt  }
0x7d: {  	_ =	shalt  }
0x7e: {  	_ =	shalt  }
0x7f: {  	_ =	shalt  }
0x80: {  	_ =	shalt  }
0x81: {  	_ =	shalt  }
0x82: {  	_ =	shalt  }
0x83: {  	_ =	shalt  }
0x84: {  	_ =	shalt  }
0x85: {  	_ =	shalt  }
0x86: {  	_ =	shalt  }
0x87: {  	_ =	shalt  }
.Lfunc_end0:
.L_simem_size_0:
called_computation_lowered:
.L_overlay_start_0:
0x88: {  	s2 =	sld [smem:$0x3FD9]  }
0x89: {  	s3 =	sld [smem:$0x3FFE];
	_ =	sdelay $0x1  }
0x8a: {  	s1 =	srdreg.scid  }
0x8b: {  	s0 =	sand.u32 $0x1, s1  }
0x8c: {  	s16 =	sshll.u32 s0, $0xA;
	s2 =	sadd.s32 s3, s2  }
0x8d: {  	s2 =	sadd.s32 s2, s16  }
0x8e: {  	[smem:$0x3FC1] =	sst s2  }
0x8f: {  	_ = 	snop  }
0x90: {  	(tm) =	ssettm $0x1  }
0x91: {  	s17 =	sld [smem:$0x3FFB];
	_ =	sdelay $0x3  }
0x92: {  	_ =	strace s17  }
0x93: {  	s2 =	sld [smem:$0x3FFC];
	_ =	sdelay $0x3  }
0x94: {  	_ =	strace s2  }
0x95: {  	s2 =	sld [smem:$0x3FFD];
	_ =	sdelay $0x3  }
0x96: {  	_ =	strace s2  }
0x97: {  	_ =	strace $0x8FFFFFFF  }
0x98: {  	s18 =	sld [smem:$0x3FDB];
	_ =	sdelay $0x1  }
0x99: {  	s19 =	simm.s32 $_scs_section_size  }
0x9a: {  	s4 =	simm.s32 $_size__tile_overlayer_lowered;
	s5 =	simm.s32 $_tile_overlayer_lowered  }
0x9b: {  	s22 =	simm.s32 $0x1BFF;
	s21 =	sshll.u32 s5, $0x1;
	s2 =	sadd.s32 s19, s18  }
0x9c: {  	s6 =	simm.s32 $0x0;
	s20 =	sshll.u32 s4, $0x1;
	s4 =	sadd.s32 s21, s2  }
0x9d: {  	[timem:s6], [sflag:s22] =	dma.local [hbm:s4], s20  }
0x9e: {  	_ =	swait.ge [sflag:s22], s20  }
0x9f: {  	s3 =	ssub.s32 $0x0, s20;
	[sflag:s22] =	ssyncset.done $0x0  }
0xa0: {  	[sflag:s22] =	ssyncadd.s32 s3;
	_ =	sdelay $0x1  }
0xa1: {  	s23 =	simm.s32 $0x1B8B  }
0xa2: {  	_ =	swait.ge [sflag:s23], $0x1  }
0xa3: {  	[sflag:s23] =	ssyncset.done $0x0  }
0xa4: {  	s25 =	simm.s32 $0x1B8E;
	s24 =	sld [smem:$0x3FFE];
	[sflag:s23] =	ssyncadd.s32 $0xFFFFFFFF  }
0xa5: {  	s26 =	simm.s32 $execute0_lowered;
	[smem:$0x3FD2] =	sst s25  }
0xa6: {  	s4 =	sshll.u32 s26, $0x1;
	_ =	strace $0x80000046;
	[dreg:$0x1] =	wrdreg $0xFFFFFFFF  }
0xa7: {  	s28 =	simm.s32 $_size_execute0_lowered;
	s2 =	sadd.s32 s2, s4;
	[dreg:$0x0] =	wrdreg $0x0  }
0xa8: {  	s4 =	sshll.u32 s28, $0x1;
	[dreg:$0x2] =	wrdreg s2  }
0xa9: {  	[dreg:$0x3] =	wrdreg s4  }
0xaa: {  	[dreg:$0x4] =	wrdreg $0xC0  }
0xab: {  	_ =	task [dreg:s6], $0x5FFFF  }
0xac: {  	[dreg:$0x1] =	wrdreg $0xFFFFFFFF  }
0xad: {  	[dreg:$0x0] =	wrdreg $0x60  }
0xae: {  	[dreg:$0x2] =	wrdreg s24  }
0xaf: {  	[dreg:$0x3] =	wrdreg $0x41000  }
0xb0: {  	[dreg:$0x4] =	wrdreg $0x9  }
0xb1: {  	_ =	task.clear_ibuf [dreg:s6], $0x5FFFF;
	_ =	strace $0x90000046  }
0xb2: {  	s29 =	simm.s32 $0x9;
	_ =	strace $0x80000048  }
0xb3: {  	_ =	swait.ge [sflag:s29], $0x1  }
0xb4: {  	[sflag:s29] =	ssyncadd.s32 $0xFFFFFFFF  }
0xb5: {  	_ =	strace $0x90000048  }
0xb6: {  	_ =	sfence  }
0xb7: {  	s30 =	sld [smem:$0x0];
	_ =	sdelay $0x2  }
0xb8: {  	s31 =	sshll.u32 s1, $0xD;
	s1 =	sshrl.u32 s1, $0x2  }
0xb9: {  	s3 =	sand.u32 $0x4000, s31;
	s1 =	sadd.s32 s1, s30  }
0xba: {  	s0 =	sor.u32 s3, s0;
	s1 =	sshll.u32 s1, $0x11  }
0xbb: {  	s0 =	sor.u32 s1, s0  }
0xbc: {  	s0 =	sadd.s32 $0x8F2B, s0  }
0xbd: {  	[sflag:s0] =	ssyncadd.remote.s32 $0x1  }
0xbe: {  	_ =	sfence.sel $0xFFFF  }
0xbf: {  	[dreg:$0x0] =	wrdreg $0xFFFFFFFF;
	(pc) =	sbr.abs _section_cstart, $3  }
0xc0: {  	[dreg:$0x1] =	wrdreg $0xFFFFFFFF  }
0xc1: {  	_ =	task.clear_ibuf [dreg:s6], $0x2FFFF;
	_ =	strace $0x9FFFFFFF  }
0xc2: {  	(tm) =	ssettm $0x7FFFFFFF  }
0xc3: {  	_ =	shalt  }
tec
execute0_lowered:
.L_overlay_start_1:
0x0: {  	(tag) =	ssettag $0x1  }
0x1: {  	s6 =	rddreg [dreg:$0x0];
	s0 =	srdreg.scid  }
0x2: {  	s2 =	rddreg [dreg:$0x1];
	s1 =	stileid.u32  }
0x3: {  	s3 =	simm.s32 $0x0;
	s16 =	simm.s32 $0x3;
	s17 =	simm.s32 $0x80  }
0x4: {  	s18 =	simm.s32 $0x1;
	s19 =	simm.s32 $0x2;
	s7 =	smul.u32 $0x14000, s1  }
0x5: {  	s5 =	sand.u32 $0x1, s0;
	s0 =	rddreg [dreg:$0x2];
	s8 =	smul.u32 $0x50000, s1  }
0x6: {  	s22 =	simm.s32 $0x0;
	[smem:$0x7FF] =	sst s3;
	s10 =	smul.u32 $0x5000, s1  }
0x7: {  	s14 =	sadd.s32 $0x3E00, s6;
	s20 =	sshll.u32 s1, $0x6;
	s4 =	smul.u32 $0x140000, s5  }
0x8: {  	_ =	strace $0x80000047;
	s9 =	ssub.s32 $0x2, s5;
	s12 =	smul.u32 $0x2800, s5  }
0x9: {  	s20 =	sor.u32 $0x1C03, s20;
	s11 =	sshrl.u32 s9, $0x1;
	s8 =	sshrl.u32 s8, $0x2  }
0xa: {  	s7 =	sadd.s32 s7, s4;
	s4 =	sadd.s32 $0x21E00, s6;
	s9 =	ssub.s32 s9, s11  }
0xb: {  	s5 =	sadd.s32 s8, s2;
	s12 =	sadd.s32 s12, s10;
	s7 =	sshrl.u32 s7, $0x3  }
0xc: {  	s8 =	smax.u32 s9, $0x1;
	s9 =	sadd.s32 $0x4000, s5;
	s10 =	sadd.s32 $0x8000, s5  }
0xd: {  	s13 =	sor.u32 $0x80, s12;
	s11 =	sadd.s32 $0xC000, s5;
	s15 =	sshrl.u32 s12, $0x3  }
0xe: {  	s12 =	sadd.s32 $0x10000, s5;
	s21 =	sshrl.u32 s5, $0x3;
	s7 =	sadd.s32 s7, s6  }
0xf: {  	s6 =	sadd.s32 $0x22600, s6;
	s13 =	sshrl.u32 s13, $0x3;
	s7 =	sadd.s32 $0x26E00, s7  }
0x10: {  	s13 =	sadd.s32 s13, s14;
	s14 =	sadd.s32 s15, s14;
	s15 =	simm.s32 $0x100  }
.LBB2_1:
0x11: {  	[tilespmem:s15], [sflag:$0x3] =	stream.linear.gather [hbm4b:s4+s3], $0x4000, $0x38;
	[tilespmem:$0x18100] =	vst v63  }
0x12: {  	_ =	swait.ge [sflag:s16], $0x4000  }
0x13: {  	[sflag:s16] =	ssyncset.done $0x0  }
0x14: {  	[sflag:s16] =	ssyncadd.s32 $0xFFFFC000  }
0x15: {  	[spmem:s5] =	stream.linear.scatter [tilespmem:s15], [sflag:$0x3], $0x4000, $0x38;
	[tilespmem:$0x18100] =	vst v63  }
0x16: {  	_ =	swait.ge [sflag:s16], $0x4000  }
0x17: {  	[sflag:s16] =	ssyncset.done $0x0  }
0x18: {  	[sflag:s16] =	ssyncadd.s32 $0xFFFFC000  }
0x19: {  	[spmem:s9] =	stream.linear.scatter [tilespmem:s15], [sflag:$0x3], $0x4000, $0x38;
	[tilespmem:$0x18100] =	vst v63  }
0x1a: {  	_ =	swait.ge [sflag:s16], $0x4000  }
0x1b: {  	[sflag:s16] =	ssyncset.done $0x0  }
0x1c: {  	[sflag:s16] =	ssyncadd.s32 $0xFFFFC000  }
0x1d: {  	[spmem:s10] =	stream.linear.scatter [tilespmem:s15], [sflag:$0x3], $0x4000, $0x38;
	[tilespmem:$0x18100] =	vst v63  }
0x1e: {  	_ =	swait.ge [sflag:s16], $0x4000  }
0x1f: {  	[sflag:s16] =	ssyncset.done $0x0  }
0x20: {  	[sflag:s16] =	ssyncadd.s32 $0xFFFFC000  }
0x21: {  	[spmem:s11] =	stream.linear.scatter [tilespmem:s15], [sflag:$0x3], $0x4000, $0x38;
	[tilespmem:$0x18100] =	vst v63  }
0x22: {  	_ =	swait.ge [sflag:s16], $0x4000  }
0x23: {  	[sflag:s16] =	ssyncset.done $0x0  }
0x24: {  	[sflag:s16] =	ssyncadd.s32 $0xFFFFC000  }
0x25: {  	[spmem:s12] =	stream.linear.scatter [tilespmem:s15], [sflag:$0x3], $0x4000, $0x38;
	[tilespmem:$0x18100] =	vst v63  }
0x26: {  	_ =	swait.ge [sflag:s16], $0x4000  }
0x27: {  	[sflag:s16] =	ssyncset.done $0x0  }
0x28: {  	[sflag:s16] =	ssyncadd.s32 $0xFFFFC000  }
0x29: {  	[tilespmem:s15], [sflag:$0x3] =	stream.linear.gather [hbm4b:s6+s3], $0x4000, $0x38;
	[tilespmem:$0x18100] =	vst v63  }
0x2a: {  	_ =	swait.ge [sflag:s16], $0x4000  }
0x2b: {  	[sflag:s16] =	ssyncset.done $0x0  }
0x2c: {  	[sflag:s16] =	ssyncadd.s32 $0xFFFFC000  }
0x2d: {  	s23 =	sadd.s32 $0x0, s14;
	[bflag:$0x0] =	sbarrier.arrive $0xFFFF  }
0x2e: {  	[tilespmem:s3], [sflag:$0x3] =	stream.linear.gather [hbm4b:s23+s3], $0x80, $0x38;
	[tilespmem:$0x18100] =	vst v63  }
0x2f: {  	_ =	swait.ge [sflag:s16], $0x80  }
0x30: {  	[sflag:s16] =	ssyncset.done $0x0  }
0x31: {  	s31 =	sadd.s32 $0x0, s13;
	[sflag:s16] =	ssyncadd.s32 $0xFFFFFF80  }
0x32: {  	[tilespmem:s17], [sflag:$0x3] =	stream.linear.gather [hbm4b:s31+s3], $0x80, $0x38;
	[tilespmem:$0x18100] =	vst v63  }
0x33: {  	_ =	swait.ge [sflag:s16], $0x80  }
0x34: {  	[sflag:s16] =	ssyncset.done $0x0  }
0x35: {  	[sflag:s16] =	ssyncadd.s32 $0xFFFFFF80  }
0x36: {  	[spmem:s2] =	stream.indirect.scatter.add.f32 [tilespmem:s15], [sflag:$0x1], $0x80, s3, s17, $0xb8;
	[tilespmem:$0x18100] =	vst v63  }
0x37: {  	_ = 	snop  }
0x38: {  	[spmem:s2] =	stream.indirect.scatter.add.f32 [tilespmem:s15], [sflag:$0x2], $0x80, s17, s17, $0xb8;
	[tilespmem:$0x18100] =	vst v63  }
0x39: {  	_ =	swait.ge [sflag:s18], $0x4000  }
0x3a: {  	[sflag:s18] =	ssyncset.done $0x0  }
0x3b: {  	[sflag:s18] =	ssyncadd.s32 $0xFFFFC000  }
0x3c: {  	_ =	swait.ge [sflag:s19], $0x4000  }
0x3d: {  	s24 =	simm.s32 $0x40;
	s23 =	simm.s32 $0x20;
	[sflag:s19] =	ssyncset.done $0x0  }
.LBB2_2:
0x3e: {  	s25 =	sadd.s32 s23, s14  }
0x3f: {  	[sflag:s19] =	ssyncadd.s32 $0xFFFFC000;
	s26 =	smov.u32 s24;
	s28 =	sadd.s32 $0x20, s24  }
0x40: {  	[tilespmem:s3], [sflag:$0x3] =	stream.linear.gather [hbm4b:s25+s3], $0x80, $0x38;
	[tilespmem:$0x18100] =	vst v63  }
0x41: {  	p0 =	sne.s32 s24, $0x4E0;
	_ =	swait.ge [sflag:s16], $0x80  }
0x42: {  	[sflag:s16] =	ssyncset.done $0x0  }
0x43: {  	s24 =	sadd.s32 s23, s13;
	s23 =	smov.u32 s26;
	[sflag:s16] =	ssyncadd.s32 $0xFFFFFF80  }
0x44: {  	[tilespmem:s17], [sflag:$0x3] =	stream.linear.gather [hbm4b:s24+s3], $0x80, $0x38;
	[tilespmem:$0x18100] =	vst v63  }
0x45: {  	_ =	swait.ge [sflag:s16], $0x80  }
0x46: {  	[sflag:s16] =	ssyncset.done $0x0  }
0x47: {  	[sflag:s16] =	ssyncadd.s32 $0xFFFFFF80  }
0x48: {  	[spmem:s2] =	stream.indirect.scatter.add.f32 [tilespmem:s15], [sflag:$0x1], $0x80, s3, s17, $0xb8;
	[tilespmem:$0x18100] =	vst v63  }
0x49: {  	_ = 	snop  }
0x4a: {  	[spmem:s2] =	stream.indirect.scatter.add.f32 [tilespmem:s15], [sflag:$0x2], $0x80, s17, s17, $0xb8;
	[tilespmem:$0x18100] =	vst v63  }
.Ltmp0:
0x4b: {  	_ =	swait.ge [sflag:s18], $0x4000;
	(pc) =	sbr.rel @p0 .LBB2_2-.Ltmp0, $4  }
0x4c: {  	[sflag:s18] =	ssyncset.done $0x0  }
0x4d: {  	[sflag:s18] =	ssyncadd.s32 $0xFFFFC000  }
0x4e: {  	_ =	swait.ge [sflag:s19], $0x4000  }
0x4f: {  	s24 =	smov.u32 s28;
	[sflag:s19] =	ssyncset.done $0x0  }
0x50: {  	s24 =	sadd.s32 s23, s14;
	[sflag:s19] =	ssyncadd.s32 $0xFFFFC000  }
0x51: {  	[tilespmem:s3], [sflag:$0x3] =	stream.linear.gather [hbm4b:s24+s3], $0x80, $0x38;
	[tilespmem:$0x18100] =	vst v63  }
0x52: {  	_ =	swait.ge [sflag:s16], $0x80  }
0x53: {  	[sflag:s16] =	ssyncset.done $0x0  }
0x54: {  	s31 =	sadd.s32 s23, s13;
	[sflag:s16] =	ssyncadd.s32 $0xFFFFFF80  }
0x55: {  	[tilespmem:s17], [sflag:$0x3] =	stream.linear.gather [hbm4b:s31+s3], $0x80, $0x38;
	[tilespmem:$0x18100] =	vst v63  }
0x56: {  	_ =	swait.ge [sflag:s16], $0x80  }
0x57: {  	[sflag:s16] =	ssyncset.done $0x0  }
0x58: {  	[sflag:s16] =	ssyncadd.s32 $0xFFFFFF80  }
0x59: {  	[spmem:s2] =	stream.indirect.scatter.add.f32 [tilespmem:s15], [sflag:$0x1], $0x80, s3, s17, $0xb8;
	[tilespmem:$0x18100] =	vst v63  }
0x5a: {  	_ = 	snop  }
0x5b: {  	[spmem:s2] =	stream.indirect.scatter.add.f32 [tilespmem:s15], [sflag:$0x2], $0x80, s17, s17, $0xb8;
	[tilespmem:$0x18100] =	vst v63  }
0x5c: {  	_ =	swait.ge [sflag:s18], $0x4000  }
0x5d: {  	[sflag:s18] =	ssyncset.done $0x0  }
0x5e: {  	[sflag:s18] =	ssyncadd.s32 $0xFFFFC000  }
0x5f: {  	_ =	swait.ge [sflag:s19], $0x4000  }
0x60: {  	s22 =	sadd.s32 $0x1, s22;
	[sflag:s19] =	ssyncset.done $0x0  }
0x61: {  	p0 =	sne.s32 s22, s8;
	[sflag:s19] =	ssyncadd.s32 $0xFFFFC000  }
.Ltmp1:
0x62: {  	[bflag:$0x0] =	sbarrier.arrive $0xFFFF;
	(pc) =	sbr.rel @p0 .LBB2_1-.Ltmp1, $4  }
0x63: {  	[hbm:s7], [sflag:s20] =	dma.local [spmem:s21], $0x2800  }
0x64: {  	_ =	swait.ge [sflag:s16], $0x2800  }
0x65: {  	[sflag:s16] =	ssyncset.done $0x0  }
0x66: {  	[sflag:s16] =	ssyncadd.s32 $0xFFFFD800  }
0x67: {  	_ =	sfence.sel $0x180000  }
0x68: {  	[bflag:$0x0] =	sbarrier.arrive $0xFFFF  }
0x69: {  	p0 =	sne.s32 s1, $0x0;
	_ =	strace $0x90000047  }
0x6a: {  	s0 =	sadd.s32 @!p0 $0x100000, s0;
	[bflag:$0x2] =	sbarrier.arrive $0xFFFF  }
0x6b: {  	[sflag:s0] =	ssyncadd.tile.s32 @!p0 $0x1;
	_ =	shalt  }
.Lfunc_end2:
_tile_overlayer_lowered:
.L_overlay_start_2:
0x6c: {  	(tag) =	ssettag $0x2  }
0x6d: {  	s0 =	rddreg [dreg:$0x0];
	s2 =	stileid.u32  }
0x6e: {  	s1 =	rddreg [dreg:$0x1];
	p0 =	sne.s32 s2, $0x0  }
0x6f: {  	s3 =	rddreg [dreg:$0x2];
	[bflag:$0x3] =	sbarrier.arrive $0xFFFF;
	s2 =	simm.s32 @!p0 $0x1C03  }
0x70: {  	[timem:s3], [sflag:s2] =	dma.local @!p0 [hbm:s0], s1  }
0x71: {  	s0 =	simm.s32 @!p0 $0x3  }
0x72: {  	_ =	swait.ge @!p0 [sflag:s0], s1  }
0x73: {  	s1 =	ssub.s32 @!p0 $0x0, s1;
	[sflag:s0] =	ssyncset.done @!p0 $0x0  }
0x74: {  	[sflag:s0] =	ssyncadd.s32 @!p0 s1  }
0x75: {  	[bflag:$0x3] =	sbarrier.arrive $0xFFFF  }
0x76: {  	_ =	shalt  }

// kernel: kernel.16.cloned.1.call-start
scs
__scs_entry_jumppad:
0x0: {  	(pc) =	sbr.rel $0x88, $3  }
0x1: {  	(tag) =	ssettag $0x0;
	lr =	simm.s32 $0x1  }
0x2: {  	[smem:$0x3F9A] =	sst lr;
	_ =	strace $0xD0000000  }
0x3: {  	_ = 	snop  }
0x4: {  	_ = 	snop  }
0x5: {  	_ = 	snop  }
0x6: {  	_ = 	snop  }
0x7: {  	_ = 	snop  }
__scs_overlays_trampoline_lowered:
0x8: {  	[smem:$0x3FA9] =	sst s0  }
0x9: {  	[smem:$0x3FAA] =	sst s1  }
0xa: {  	[smem:$0x3FAB] =	sst s2  }
0xb: {  	[smem:$0x3FAC] =	sst s3  }
0xc: {  	[smem:$0x3FAD] =	sst s4  }
0xd: {  	[smem:$0x3FAE] =	sst s5  }
0xe: {  	[smem:$0x3FAF] =	sst s6  }
0xf: {  	[smem:$0x3FB0] =	sst s7  }
0x10: {  	[smem:$0x3FB1] =	sst s8  }
0x11: {  	[smem:$0x3FB2] =	sst s9;
	s0 =	simm.s32 @!p0 $0x0  }
0x12: {  	s1 =	sld [smem:$0x3F98];
	s0 =	simm.s32 @p0 $0x1  }
0x13: {  	[smem:$0x3FB3] =	sst s0;
	s0 =	simm.s32 @!p1 $0x0  }
0x14: {  	s2 =	sld [smem:$0x3F97];
	s0 =	simm.s32 @p1 $0x1  }
0x15: {  	[smem:$0x3FB4] =	sst s0;
	s0 =	simm.s32 @!p2 $0x0  }
0x16: {  	s3 =	sld [smem:$0x3FDB];
	s0 =	simm.s32 @p2 $0x1  }
0x17: {  	s4 =	simm.s32 $0x1BF5;
	[smem:$0x3FB6] =	sst s0  }
0x18: {  	s0 =	sld [smem:$0x3F99];
	_ =	swait.ge [sflag:s4], $0x0  }
0x19: {  	s7 =	sld [smem:$0x3F9A]  }
0x1a: {  	s8 =	sadd.s32 $0xFFFFE003, lr  }
0x1b: {  	s9 =	sadd.s32 $0xFFFFFEF7, lr;
	s5 =	simm.s32 $0xFFFFFFFF;
	p2 =	slt.u32 s8, $0xFFFFF086  }
0x1c: {  	p1 =	slt.u32 s9, $0xF7A;
	s5 =	simm.s32 @!p2 $0x0  }
0x1d: {  	s5 =	simm.s32 @p1 $0x1;
	p0 =	seq.s32 s7, s2  }
0x1e: {  	s7 =	smul.u32 @!p0 $0xF7A, s2;
	p2 =	seq.s32 @!p0 s5, $0x0  }
0x1f: {  	s9 =	smul.u32 $0xF7A, s1;
	s8 =	simm.s32 @!p0 $0x1BF5;
	p2 =	por !p2, p0  }
0x20: {  	[sflag:s8] =	ssyncset.s32 @!p0 $0xFFFFF086;
	s6 =	sadd.s32 @!p0 s3, s7;
	s7 =	simm.s32 @!p0 $0x108  }
0x21: {  	s3 =	sadd.s32 s3, s9;
	s6 =	sadd.s32 @!p0 $0x88, s6;
	s7 =	simm.s32 @p2 $0x1082  }
0x22: {  	[simem:s7], [sflag:s8] =	dma.local @!p0 [hbm:s6], $0xF7A  }
0x23: {  	s9 =	sor.u32 $0xD0000000, s2;
	s6 =	simm.s32 $0x108;
	_ =	swait.ge @!p0 [sflag:s8], $0x0  }
0x24: {  	s3 =	sadd.s32 $0x88, s3;
	s6 =	simm.s32 @!p1 $0x1082;
	[sflag:s4] =	ssyncset.s32 $0xFFFFF086  }
0x25: {  	[simem:s6], [sflag:s4] =	dma.local [hbm:s3], $0xF7A  }
0x26: {  	[smem:$0x3F9A] =	sst s1;
	(tag) =	ssettag s2;
	_ =	strace s9  }
0x27: {  	s1 =	sld [smem:$0x3FAA]  }
0x28: {  	s2 =	sld [smem:$0x3FAB]  }
0x29: {  	s4 =	sld [smem:$0x3FAD]  }
0x2a: {  	p0 =	seq.s32 s5, $0x0;
	s5 =	sld [smem:$0x3FAE]  }
0x2b: {  	s6 =	sld [smem:$0x3FAF]  }
0x2c: {  	s7 =	sld [smem:$0x3FB0]  }
0x2d: {  	s3 =	simm.s32 $0x108;
	s8 =	sld [smem:$0x3FB1]  }
0x2e: {  	s3 =	simm.s32 @!p0 $0x1082;
	s9 =	sld [smem:$0x3FB2]  }
0x2f: {  	lr =	sadd.s32 s0, s3;
	s0 =	sld [smem:$0x3FA9]  }
0x30: {  	s3 =	sld [smem:$0x3FAC]  }
0x31: {  	[smem:$0x3FB5] =	sst s10  }
0x32: {  	s10 =	sld [smem:$0x3FB3];
	_ =	sdelay $0x3  }
0x33: {  	p0 =	seq.s32 s10, $0x1;
	s10 =	sld [smem:$0x3FB5];
	_ =	sdelay $0x3  }
0x34: {  	[smem:$0x3FB5] =	sst s10  }
0x35: {  	s10 =	sld [smem:$0x3FB4];
	_ =	sdelay $0x3  }
0x36: {  	p1 =	seq.s32 s10, $0x1;
	s10 =	sld [smem:$0x3FB5];
	_ =	sdelay $0x3  }
0x37: {  	[smem:$0x3FB5] =	sst s10  }
0x38: {  	s10 =	sld [smem:$0x3FB6]  }
0x39: {  	_ = 	snop;
	(pc) =	sbr.ind lr, $3  }
0x3a: {  	_ = 	snop  }
0x3b: {  	_ = 	snop  }
0x3c: {  	p2 =	seq.s32 s10, $0x1;
	s10 =	sld [smem:$0x3FB5]  }
0x3d: {  	_ =	shalt  }
0x3e: {  	_ =	shalt  }
0x3f: {  	_ =	shalt  }
0x40: {  	_ =	shalt  }
0x41: {  	_ =	shalt  }
0x42: {  	_ =	shalt  }
0x43: {  	_ =	shalt  }
0x44: {  	_ =	shalt  }
0x45: {  	_ =	shalt  }
0x46: {  	_ =	shalt  }
0x47: {  	_ =	shalt  }
0x48: {  	_ =	shalt  }
0x49: {  	_ =	shalt  }
0x4a: {  	_ =	shalt  }
0x4b: {  	_ =	shalt  }
0x4c: {  	_ =	shalt  }
0x4d: {  	_ =	shalt  }
0x4e: {  	_ =	shalt  }
0x4f: {  	_ =	shalt  }
0x50: {  	_ =	shalt  }
0x51: {  	_ =	shalt  }
0x52: {  	_ =	shalt  }
0x53: {  	_ =	shalt  }
0x54: {  	_ =	shalt  }
0x55: {  	_ =	shalt  }
0x56: {  	_ =	shalt  }
0x57: {  	_ =	shalt  }
0x58: {  	_ =	shalt  }
0x59: {  	_ =	shalt  }
0x5a: {  	_ =	shalt  }
0x5b: {  	_ =	shalt  }
0x5c: {  	_ =	shalt  }
0x5d: {  	_ =	shalt  }
0x5e: {  	_ =	shalt  }
0x5f: {  	_ =	shalt  }
0x60: {  	_ =	shalt  }
0x61: {  	_ =	shalt  }
0x62: {  	_ =	shalt  }
0x63: {  	_ =	shalt  }
0x64: {  	_ =	shalt  }
0x65: {  	_ =	shalt  }
0x66: {  	_ =	shalt  }
0x67: {  	_ =	shalt  }
0x68: {  	_ =	shalt  }
0x69: {  	_ =	shalt  }
0x6a: {  	_ =	shalt  }
0x6b: {  	_ =	shalt  }
0x6c: {  	_ =	shalt  }
0x6d: {  	_ =	shalt  }
0x6e: {  	_ =	shalt  }
0x6f: {  	_ =	shalt  }
0x70: {  	_ =	shalt  }
0x71: {  	_ =	shalt  }
0x72: {  	_ =	shalt  }
0x73: {  	_ =	shalt  }
0x74: {  	_ =	shalt  }
0x75: {  	_ =	shalt  }
0x76: {  	_ =	shalt  }
0x77: {  	_ =	shalt  }
0x78: {  	_ =	shalt  }
0x79: {  	_ =	shalt  }
0x7a: {  	_ =	shalt  }
0x7b: {  	_ =	shalt  }
0x7c: {  	_ =	shalt  }
0x7d: {  	_ =	shalt  }
0x7e: {  	_ =	shalt  }
0x7f: {  	_ =	shalt  }
0x80: {  	_ =	shalt  }
0x81: {  	_ =	shalt  }
0x82: {  	_ =	shalt  }
0x83: {  	_ =	shalt  }
0x84: {  	_ =	shalt  }
0x85: {  	_ =	shalt  }
0x86: {  	_ =	shalt  }
0x87: {  	_ =	shalt  }
.Lfunc_end0:
.L_simem_size_0:
called_computation.1_lowered:
.L_overlay_start_0:
0x88: {  	s2 =	sld [smem:$0x3FD9]  }
0x89: {  	s3 =	sld [smem:$0x3FFE];
	_ =	sdelay $0x1  }
0x8a: {  	s1 =	srdreg.scid  }
0x8b: {  	s0 =	sand.u32 $0x1, s1  }
0x8c: {  	s16 =	sshll.u32 s0, $0xA;
	s2 =	sadd.s32 s3, s2  }
0x8d: {  	s2 =	sadd.s32 s2, s16  }
0x8e: {  	[smem:$0x3FC1] =	sst s2  }
0x8f: {  	_ = 	snop  }
0x90: {  	(tm) =	ssettm $0x1  }
0x91: {  	s17 =	sld [smem:$0x3FFB];
	_ =	sdelay $0x3  }
0x92: {  	_ =	strace s17  }
0x93: {  	s2 =	sld [smem:$0x3FFC];
	_ =	sdelay $0x3  }
0x94: {  	_ =	strace s2  }
0x95: {  	s2 =	sld [smem:$0x3FFD];
	_ =	sdelay $0x3  }
0x96: {  	_ =	strace s2  }
0x97: {  	_ =	strace $0x8FFFFFFF  }
0x98: {  	s18 =	sld [smem:$0x3FDB];
	_ =	sdelay $0x1  }
0x99: {  	s19 =	simm.s32 $_scs_section_size  }
0x9a: {  	s4 =	simm.s32 $_size__tile_overlayer_lowered;
	s5 =	simm.s32 $_tile_overlayer_lowered  }
0x9b: {  	s22 =	simm.s32 $0x1BFF;
	s21 =	sshll.u32 s5, $0x1;
	s2 =	sadd.s32 s19, s18  }
0x9c: {  	s6 =	simm.s32 $0x0;
	s20 =	sshll.u32 s4, $0x1;
	s4 =	sadd.s32 s21, s2  }
0x9d: {  	[timem:s6], [sflag:s22] =	dma.local [hbm:s4], s20  }
0x9e: {  	_ =	swait.ge [sflag:s22], s20  }
0x9f: {  	s3 =	ssub.s32 $0x0, s20;
	[sflag:s22] =	ssyncset.done $0x0  }
0xa0: {  	[sflag:s22] =	ssyncadd.s32 s3;
	_ =	sdelay $0x1  }
0xa1: {  	s23 =	simm.s32 $0x1B8B  }
0xa2: {  	_ =	swait.ge [sflag:s23], $0x1  }
0xa3: {  	[sflag:s23] =	ssyncset.done $0x0  }
0xa4: {  	s25 =	simm.s32 $0x1B8E;
	s24 =	sld [smem:$0x3FFE];
	[sflag:s23] =	ssyncadd.s32 $0xFFFFFFFF  }
0xa5: {  	s26 =	simm.s32 $execute0_lowered;
	[smem:$0x3FD2] =	sst s25  }
0xa6: {  	s4 =	sshll.u32 s26, $0x1;
	_ =	strace $0x80000049;
	[dreg:$0x1] =	wrdreg $0xFFFFFFFF  }
0xa7: {  	s28 =	simm.s32 $_size_execute0_lowered;
	s2 =	sadd.s32 s2, s4;
	[dreg:$0x0] =	wrdreg $0x0  }
0xa8: {  	s4 =	sshll.u32 s28, $0x1;
	[dreg:$0x2] =	wrdreg s2  }
0xa9: {  	[dreg:$0x3] =	wrdreg s4  }
0xaa: {  	[dreg:$0x4] =	wrdreg $0xC0  }
0xab: {  	_ =	task [dreg:s6], $0x5FFFF  }
0xac: {  	[dreg:$0x1] =	wrdreg $0xFFFFFFFF  }
0xad: {  	[dreg:$0x0] =	wrdreg $0x60  }
0xae: {  	[dreg:$0x2] =	wrdreg s24  }
0xaf: {  	[dreg:$0x3] =	wrdreg $0xA9000  }
0xb0: {  	[dreg:$0x4] =	wrdreg $0x9  }
0xb1: {  	_ =	task.clear_ibuf [dreg:s6], $0x5FFFF;
	_ =	strace $0x90000049  }
0xb2: {  	s29 =	simm.s32 $0x9;
	_ =	strace $0x8000004B  }
0xb3: {  	_ =	swait.ge [sflag:s29], $0x1  }
0xb4: {  	[sflag:s29] =	ssyncadd.s32 $0xFFFFFFFF  }
0xb5: {  	_ =	strace $0x9000004B  }
0xb6: {  	_ =	sfence  }
0xb7: {  	s30 =	sld [smem:$0x0];
	_ =	sdelay $0x2  }
0xb8: {  	s31 =	sshll.u32 s1, $0xD;
	s1 =	sshrl.u32 s1, $0x2  }
0xb9: {  	s3 =	sand.u32 $0x4000, s31;
	s1 =	sadd.s32 s1, s30  }
0xba: {  	s0 =	sor.u32 s3, s0;
	s1 =	sshll.u32 s1, $0x11  }
0xbb: {  	s0 =	sor.u32 s1, s0  }
0xbc: {  	s0 =	sadd.s32 $0x8F2B, s0  }
0xbd: {  	[sflag:s0] =	ssyncadd.remote.s32 $0x1  }
0xbe: {  	_ =	sfence.sel $0xFFFF  }
0xbf: {  	[dreg:$0x0] =	wrdreg $0xFFFFFFFF;
	(pc) =	sbr.abs _section_cstart, $3  }
0xc0: {  	[dreg:$0x1] =	wrdreg $0xFFFFFFFF  }
0xc1: {  	_ =	task.clear_ibuf [dreg:s6], $0x2FFFF;
	_ =	strace $0x9FFFFFFF  }
0xc2: {  	(tm) =	ssettm $0x7FFFFFFF  }
0xc3: {  	_ =	shalt  }
tec
execute0_lowered:
.L_overlay_start_1:
0x0: {  	(tag) =	ssettag $0x1  }
0x1: {  	s1 =	srdreg.scid  }
0x2: {  	s0 =	stileid.u32;
	s6 =	rddreg [dreg:$0x0]  }
0x3: {  	s2 =	rddreg [dreg:$0x1];
	s3 =	simm.s32 $0x0;
	s17 =	simm.s32 $0x5  }
0x4: {  	s18 =	simm.s32 $0x80;
	s19 =	simm.s32 $0x6900;
	s20 =	simm.s32 $0x2800  }
0x5: {  	s21 =	simm.s32 $0x2880;
	s22 =	simm.s32 $0x1;
	s8 =	smul.u32 $0x14000, s0  }
0x6: {  	s23 =	simm.s32 $0x2;
	s24 =	simm.s32 $0x3;
	s10 =	smul.u32 $0x50000, s0  }
0x7: {  	s25 =	simm.s32 $0x4;
	s7 =	sand.u32 $0x1, s1;
	s12 =	smul.u32 $0x5000, s0  }
0x8: {  	s26 =	simm.s32 $0x0;
	s30 =	sshll.u32 s0, $0x1;
	s5 =	smul.u32 $0x140000, s7  }
0x9: {  	[smem:$0x7FF] =	sst s3;
	s1 =	sor.u32 s7, s30;
	s13 =	smul.u32 $0x2800, s7  }
0xa: {  	s15 =	sadd.s32 $0x17E00, s6;
	s31 =	ssub.s32 $0x2, s7;
	s4 =	smul.u32 $0x2800, s1  }
0xb: {  	s1 =	rddreg [dreg:$0x2];
	_ =	strace $0x8000004A;
	s11 =	sshrl.u32 s31, $0x1  }
0xc: {  	s10 =	sshrl.u32 s10, $0x2;
	s5 =	sadd.s32 s8, s5;
	s11 =	ssub.s32 s31, s11  }
0xd: {  	s13 =	sadd.s32 s13, s12;
	s9 =	sshrl.u32 s4, $0x3;
	s4 =	sadd.s32 $0x26E00, s6  }
0xe: {  	s8 =	sshrl.u32 s5, $0x3;
	s5 =	sadd.s32 $0x22E00, s6;
	s14 =	sshrl.u32 s13, $0x3  }
0xf: {  	s16 =	sor.u32 $0x80, s13;
	s9 =	sadd.s32 s9, s6;
	s8 =	sadd.s32 s8, s6  }
0x10: {  	s6 =	sadd.s32 s10, s2;
	s14 =	sadd.s32 s14, s15;
	s16 =	sshrl.u32 s16, $0x3  }
0x11: {  	s7 =	sadd.s32 $0xDE00, s9;
	s8 =	sadd.s32 $0xEEE00, s8;
	s9 =	smax.u32 s11, $0x1  }
0x12: {  	s10 =	sadd.s32 $0x4000, s6;
	s11 =	sadd.s32 $0x8000, s6;
	s12 =	sadd.s32 $0xC000, s6  }
0x13: {  	s13 =	sadd.s32 $0x10000, s6;
	s15 =	sadd.s32 s16, s15;
	s16 =	simm.s32 $0x2900  }
.LBB2_1:
0x14: {  	[tilespmem:s16], [sflag:$0x5] =	stream.linear.gather [hbm4b:s5+s3], $0x4000, $0x38;
	[tilespmem:$0x1E900] =	vst v63  }
0x15: {  	_ =	swait.ge [sflag:s17], $0x4000  }
0x16: {  	[sflag:s17] =	ssyncset.done $0x0  }
0x17: {  	[sflag:s17] =	ssyncadd.s32 $0xFFFFC000  }
0x18: {  	[spmem:s6] =	stream.linear.scatter [tilespmem:s16], [sflag:$0x5], $0x4000, $0x38;
	[tilespmem:$0x1E900] =	vst v63  }
0x19: {  	_ =	swait.ge [sflag:s17], $0x4000  }
0x1a: {  	[sflag:s17] =	ssyncset.done $0x0  }
0x1b: {  	[sflag:s17] =	ssyncadd.s32 $0xFFFFC000  }
0x1c: {  	[spmem:s10] =	stream.linear.scatter [tilespmem:s16], [sflag:$0x5], $0x4000, $0x38;
	[tilespmem:$0x1E900] =	vst v63  }
0x1d: {  	_ =	swait.ge [sflag:s17], $0x4000  }
0x1e: {  	[sflag:s17] =	ssyncset.done $0x0  }
0x1f: {  	[sflag:s17] =	ssyncadd.s32 $0xFFFFC000  }
0x20: {  	[spmem:s11] =	stream.linear.scatter [tilespmem:s16], [sflag:$0x5], $0x4000, $0x38;
	[tilespmem:$0x1E900] =	vst v63  }
0x21: {  	_ =	swait.ge [sflag:s17], $0x4000  }
0x22: {  	[sflag:s17] =	ssyncset.done $0x0  }
0x23: {  	[sflag:s17] =	ssyncadd.s32 $0xFFFFC000  }
0x24: {  	[spmem:s12] =	stream.linear.scatter [tilespmem:s16], [sflag:$0x5], $0x4000, $0x38;
	[tilespmem:$0x1E900] =	vst v63  }
0x25: {  	_ =	swait.ge [sflag:s17], $0x4000  }
0x26: {  	[sflag:s17] =	ssyncset.done $0x0  }
0x27: {  	[sflag:s17] =	ssyncadd.s32 $0xFFFFC000  }
0x28: {  	[spmem:s13] =	stream.linear.scatter [tilespmem:s16], [sflag:$0x5], $0x4000, $0x38;
	[tilespmem:$0x1E900] =	vst v63  }
0x29: {  	_ =	swait.ge [sflag:s17], $0x4000  }
0x2a: {  	[sflag:s17] =	ssyncset.done $0x0  }
0x2b: {  	[sflag:s17] =	ssyncadd.s32 $0xFFFFC000  }
0x2c: {  	[tilespmem:s3], [sflag:$0x5] =	stream.linear.gather [hbm4b:s7+s3], $0x2800, $0x38;
	[tilespmem:$0x1E900] =	vst v63  }
0x2d: {  	_ =	swait.ge [sflag:s17], $0x2800  }
0x2e: {  	[sflag:s17] =	ssyncset.done $0x0  }
0x2f: {  	[sflag:s17] =	ssyncadd.s32 $0xFFFFD800  }
0x30: {  	[bflag:$0x0] =	sbarrier.arrive $0xFFFF  }
0x31: {  	[tilespmem:s16], [sflag:$0x1] =	stream.indirect.gather [hbm4b:s4+s18], $0x80, s3, s18, $0xb8;
	[tilespmem:$0x1E900] =	vst v63  }
0x32: {  	s28 =	simm.s32 $0x80  }
0x33: {  	[tilespmem:s19], [sflag:$0x2] =	stream.indirect.gather [hbm4b:s4+s18], $0x80, s28, s18, $0xb8;
	[tilespmem:$0x1E900] =	vst v63  }
0x34: {  	s28 =	sadd.s32 $0x0, s14  }
0x35: {  	[tilespmem:s20], [sflag:$0x5] =	stream.linear.gather [hbm4b:s28+s3], $0x80, $0x38;
	[tilespmem:$0x1E900] =	vst v63  }
0x36: {  	_ =	swait.ge [sflag:s17], $0x80  }
0x37: {  	[sflag:s17] =	ssyncset.done $0x0  }
0x38: {  	s28 =	sadd.s32 $0x0, s15;
	[sflag:s17] =	ssyncadd.s32 $0xFFFFFF80  }
0x39: {  	[tilespmem:s21], [sflag:$0x5] =	stream.linear.gather [hbm4b:s28+s3], $0x80, $0x38;
	[tilespmem:$0x1E900] =	vst v63  }
0x3a: {  	_ =	swait.ge [sflag:s17], $0x80  }
0x3b: {  	[sflag:s17] =	ssyncset.done $0x0  }
0x3c: {  	[sflag:s17] =	ssyncadd.s32 $0xFFFFFF80  }
0x3d: {  	_ =	swait.ge [sflag:s22], $0x4000  }
0x3e: {  	[sflag:s22] =	ssyncset.done $0x0  }
0x3f: {  	[sflag:s22] =	ssyncadd.s32 $0xFFFFC000  }
0x40: {  	[spmem:s2] =	stream.indirect.scatter.add.f32 [tilespmem:s16], [sflag:$0x3], $0x80, s20, s18, $0xb8;
	[tilespmem:$0x1E900] =	vst v63  }
0x41: {  	_ =	swait.ge [sflag:s23], $0x4000  }
0x42: {  	[sflag:s23] =	ssyncset.done $0x0  }
0x43: {  	[sflag:s23] =	ssyncadd.s32 $0xFFFFC000  }
0x44: {  	[spmem:s2] =	stream.indirect.scatter.add.f32 [tilespmem:s19], [sflag:$0x4], $0x80, s21, s18, $0xb8;
	[tilespmem:$0x1E900] =	vst v63  }
0x45: {  	_ =	swait.ge [sflag:s24], $0x4000  }
0x46: {  	[sflag:s24] =	ssyncset.done $0x0  }
0x47: {  	[sflag:s24] =	ssyncadd.s32 $0xFFFFC000  }
0x48: {  	_ =	swait.ge [sflag:s25], $0x4000  }
0x49: {  	s29 =	simm.s32 $0x0;
	s28 =	simm.s32 $0x20;
	[sflag:s25] =	ssyncset.done $0x0  }
.LBB2_2:
0x4a: {  	p0 =	sne.s32 s28, $0x4E0;
	[sflag:s25] =	ssyncadd.s32 $0xFFFFC000;
	s29 =	sadd.s32 $0x100, s29  }
0x4b: {  	[tilespmem:s16], [sflag:$0x1] =	stream.indirect.gather [hbm4b:s4+s18], $0x80, s29, s18, $0xb8;
	[tilespmem:$0x1E900] =	vst v63  }
0x4c: {  	s31 =	smov.u32 s28;
	s28 =	sadd.s32 $0x20, s28;
	s30 =	sadd.s32 $0x80, s29  }
0x4d: {  	[tilespmem:s19], [sflag:$0x2] =	stream.indirect.gather [hbm4b:s4+s18], $0x80, s30, s18, $0xb8;
	[tilespmem:$0x1E900] =	vst v63  }
0x4e: {  	s30 =	sadd.s32 s31, s14  }
0x4f: {  	[tilespmem:s20], [sflag:$0x5] =	stream.linear.gather [hbm4b:s30+s3], $0x80, $0x38;
	[tilespmem:$0x1E900] =	vst v63  }
0x50: {  	_ =	swait.ge [sflag:s17], $0x80  }
0x51: {  	[sflag:s17] =	ssyncset.done $0x0  }
0x52: {  	s30 =	sadd.s32 s31, s15;
	[sflag:s17] =	ssyncadd.s32 $0xFFFFFF80  }
0x53: {  	[tilespmem:s21], [sflag:$0x5] =	stream.linear.gather [hbm4b:s30+s3], $0x80, $0x38;
	[tilespmem:$0x1E900] =	vst v63  }
0x54: {  	_ =	swait.ge [sflag:s17], $0x80  }
0x55: {  	[sflag:s17] =	ssyncset.done $0x0  }
0x56: {  	[sflag:s17] =	ssyncadd.s32 $0xFFFFFF80  }
0x57: {  	_ =	swait.ge [sflag:s22], $0x4000  }
0x58: {  	[sflag:s22] =	ssyncset.done $0x0  }
0x59: {  	[sflag:s22] =	ssyncadd.s32 $0xFFFFC000  }
0x5a: {  	[spmem:s2] =	stream.indirect.scatter.add.f32 [tilespmem:s16], [sflag:$0x3], $0x80, s20, s18, $0xb8;
	[tilespmem:$0x1E900] =	vst v63  }
0x5b: {  	_ =	swait.ge [sflag:s23], $0x4000  }
0x5c: {  	[sflag:s23] =	ssyncset.done $0x0  }
0x5d: {  	[sflag:s23] =	ssyncadd.s32 $0xFFFFC000  }
0x5e: {  	[spmem:s2] =	stream.indirect.scatter.add.f32 [tilespmem:s19], [sflag:$0x4], $0x80, s21, s18, $0xb8;
	[tilespmem:$0x1E900] =	vst v63  }
.Ltmp0:
0x5f: {  	_ =	swait.ge [sflag:s24], $0x4000;
	(pc) =	sbr.rel @p0 .LBB2_2-.Ltmp0, $4  }
0x60: {  	[sflag:s24] =	ssyncset.done $0x0  }
0x61: {  	[sflag:s24] =	ssyncadd.s32 $0xFFFFC000  }
0x62: {  	_ =	swait.ge [sflag:s25], $0x4000  }
0x63: {  	[sflag:s25] =	ssyncset.done $0x0  }
0x64: {  	[sflag:s25] =	ssyncadd.s32 $0xFFFFC000;
	s26 =	sadd.s32 $0x1, s26  }
0x65: {  	s28 =	sshll.u32 s0, $0x6;
	s29 =	sshrl.u32 s6, $0x3;
	p0 =	sne.s32 s26, s9  }
.Ltmp1:
0x66: {  	[bflag:$0x0] =	sbarrier.arrive $0xFFFF;
	s28 =	sor.u32 $0x1C05, s28;
	(pc) =	sbr.rel @p0 .LBB2_1-.Ltmp1, $4  }
0x67: {  	[hbm:s8], [sflag:s28] =	dma.local [spmem:s29], $0x2800  }
0x68: {  	_ =	swait.ge [sflag:s17], $0x2800  }
0x69: {  	[sflag:s17] =	ssyncset.done $0x0  }
0x6a: {  	[sflag:s17] =	ssyncadd.s32 $0xFFFFD800  }
0x6b: {  	_ =	sfence.sel $0x180000  }
0x6c: {  	[bflag:$0x0] =	sbarrier.arrive $0xFFFF  }
0x6d: {  	p0 =	sne.s32 s0, $0x0;
	_ =	strace $0x9000004A  }
0x6e: {  	s0 =	sadd.s32 @!p0 $0x100000, s1;
	[bflag:$0x2] =	sbarrier.arrive $0xFFFF  }
0x6f: {  	[sflag:s0] =	ssyncadd.tile.s32 @!p0 $0x1;
	_ =	shalt  }
.Lfunc_end2:
_tile_overlayer_lowered:
.L_overlay_start_2:
0x70: {  	(tag) =	ssettag $0x2  }
0x71: {  	s0 =	rddreg [dreg:$0x0];
	s2 =	stileid.u32  }
0x72: {  	s1 =	rddreg [dreg:$0x1];
	p0 =	sne.s32 s2, $0x0  }
0x73: {  	s3 =	rddreg [dreg:$0x2];
	[bflag:$0x3] =	sbarrier.arrive $0xFFFF;
	s2 =	simm.s32 @!p0 $0x1C05  }
0x74: {  	[timem:s3], [sflag:s2] =	dma.local @!p0 [hbm:s0], s1  }
0x75: {  	s0 =	simm.s32 @!p0 $0x5  }
0x76: {  	_ =	swait.ge @!p0 [sflag:s0], s1  }
0x77: {  	s1 =	ssub.s32 @!p0 $0x0, s1;
	[sflag:s0] =	ssyncset.done @!p0 $0x0  }
0x78: {  	[sflag:s0] =	ssyncadd.s32 @!p0 s1  }
0x79: {  	[bflag:$0x3] =	sbarrier.arrive $0xFFFF  }
0x7a: {  	_ =	shalt  }

// kernel: kernel.19.cloned.1.call-start
scs
__scs_entry_jumppad:
0x0: {  	(pc) =	sbr.rel $0x88, $3  }
0x1: {  	(tag) =	ssettag $0x0;
	lr =	simm.s32 $0x1  }
0x2: {  	[smem:$0x3F9A] =	sst lr;
	_ =	strace $0xD0000000  }
0x3: {  	_ = 	snop  }
0x4: {  	_ = 	snop  }
0x5: {  	_ = 	snop  }
0x6: {  	_ = 	snop  }
0x7: {  	_ = 	snop  }
__scs_overlays_trampoline_lowered:
0x8: {  	[smem:$0x3FA9] =	sst s0  }
0x9: {  	[smem:$0x3FAA] =	sst s1  }
0xa: {  	[smem:$0x3FAB] =	sst s2  }
0xb: {  	[smem:$0x3FAC] =	sst s3  }
0xc: {  	[smem:$0x3FAD] =	sst s4  }
0xd: {  	[smem:$0x3FAE] =	sst s5  }
0xe: {  	[smem:$0x3FAF] =	sst s6  }
0xf: {  	[smem:$0x3FB0] =	sst s7  }
0x10: {  	[smem:$0x3FB1] =	sst s8  }
0x11: {  	[smem:$0x3FB2] =	sst s9;
	s0 =	simm.s32 @!p0 $0x0  }
0x12: {  	s1 =	sld [smem:$0x3F98];
	s0 =	simm.s32 @p0 $0x1  }
0x13: {  	[smem:$0x3FB3] =	sst s0;
	s0 =	simm.s32 @!p1 $0x0  }
0x14: {  	s2 =	sld [smem:$0x3F97];
	s0 =	simm.s32 @p1 $0x1  }
0x15: {  	[smem:$0x3FB4] =	sst s0;
	s0 =	simm.s32 @!p2 $0x0  }
0x16: {  	s3 =	sld [smem:$0x3FDB];
	s0 =	simm.s32 @p2 $0x1  }
0x17: {  	s4 =	simm.s32 $0x1BF5;
	[smem:$0x3FB6] =	sst s0  }
0x18: {  	s0 =	sld [smem:$0x3F99];
	_ =	swait.ge [sflag:s4], $0x0  }
0x19: {  	s7 =	sld [smem:$0x3F9A]  }
0x1a: {  	s8 =	sadd.s32 $0xFFFFE003, lr  }
0x1b: {  	s9 =	sadd.s32 $0xFFFFFEF7, lr;
	s5 =	simm.s32 $0xFFFFFFFF;
	p2 =	slt.u32 s8, $0xFFFFF086  }
0x1c: {  	p1 =	slt.u32 s9, $0xF7A;
	s5 =	simm.s32 @!p2 $0x0  }
0x1d: {  	s5 =	simm.s32 @p1 $0x1;
	p0 =	seq.s32 s7, s2  }
0x1e: {  	s7 =	smul.u32 @!p0 $0xF7A, s2;
	p2 =	seq.s32 @!p0 s5, $0x0  }
0x1f: {  	s9 =	smul.u32 $0xF7A, s1;
	s8 =	simm.s32 @!p0 $0x1BF5;
	p2 =	por !p2, p0  }
0x20: {  	[sflag:s8] =	ssyncset.s32 @!p0 $0xFFFFF086;
	s6 =	sadd.s32 @!p0 s3, s7;
	s7 =	simm.s32 @!p0 $0x108  }
0x21: {  	s3 =	sadd.s32 s3, s9;
	s6 =	sadd.s32 @!p0 $0x88, s6;
	s7 =	simm.s32 @p2 $0x1082  }
0x22: {  	[simem:s7], [sflag:s8] =	dma.local @!p0 [hbm:s6], $0xF7A  }
0x23: {  	s9 =	sor.u32 $0xD0000000, s2;
	s6 =	simm.s32 $0x108;
	_ =	swait.ge @!p0 [sflag:s8], $0x0  }
0x24: {  	s3 =	sadd.s32 $0x88, s3;
	s6 =	simm.s32 @!p1 $0x1082;
	[sflag:s4] =	ssyncset.s32 $0xFFFFF086  }
0x25: {  	[simem:s6], [sflag:s4] =	dma.local [hbm:s3], $0xF7A  }
0x26: {  	[smem:$0x3F9A] =	sst s1;
	(tag) =	ssettag s2;
	_ =	strace s9  }
0x27: {  	s1 =	sld [smem:$0x3FAA]  }
0x28: {  	s2 =	sld [smem:$0x3FAB]  }
0x29: {  	s4 =	sld [smem:$0x3FAD]  }
0x2a: {  	p0 =	seq.s32 s5, $0x0;
	s5 =	sld [smem:$0x3FAE]  }
0x2b: {  	s6 =	sld [smem:$0x3FAF]  }
0x2c: {  	s7 =	sld [smem:$0x3FB0]  }
0x2d: {  	s3 =	simm.s32 $0x108;
	s8 =	sld [smem:$0x3FB1]  }
0x2e: {  	s3 =	simm.s32 @!p0 $0x1082;
	s9 =	sld [smem:$0x3FB2]  }
0x2f: {  	lr =	sadd.s32 s0, s3;
	s0 =	sld [smem:$0x3FA9]  }
0x30: {  	s3 =	sld [smem:$0x3FAC]  }
0x31: {  	[smem:$0x3FB5] =	sst s10  }
0x32: {  	s10 =	sld [smem:$0x3FB3];
	_ =	sdelay $0x3  }
0x33: {  	p0 =	seq.s32 s10, $0x1;
	s10 =	sld [smem:$0x3FB5];
	_ =	sdelay $0x3  }
0x34: {  	[smem:$0x3FB5] =	sst s10  }
0x35: {  	s10 =	sld [smem:$0x3FB4];
	_ =	sdelay $0x3  }
0x36: {  	p1 =	seq.s32 s10, $0x1;
	s10 =	sld [smem:$0x3FB5];
	_ =	sdelay $0x3  }
0x37: {  	[smem:$0x3FB5] =	sst s10  }
0x38: {  	s10 =	sld [smem:$0x3FB6]  }
0x39: {  	_ = 	snop;
	(pc) =	sbr.ind lr, $3  }
0x3a: {  	_ = 	snop  }
0x3b: {  	_ = 	snop  }
0x3c: {  	p2 =	seq.s32 s10, $0x1;
	s10 =	sld [smem:$0x3FB5]  }
0x3d: {  	_ =	shalt  }
0x3e: {  	_ =	shalt  }
0x3f: {  	_ =	shalt  }
0x40: {  	_ =	shalt  }
0x41: {  	_ =	shalt  }
0x42: {  	_ =	shalt  }
0x43: {  	_ =	shalt  }
0x44: {  	_ =	shalt  }
0x45: {  	_ =	shalt  }
0x46: {  	_ =	shalt  }
0x47: {  	_ =	shalt  }
0x48: {  	_ =	shalt  }
0x49: {  	_ =	shalt  }
0x4a: {  	_ =	shalt  }
0x4b: {  	_ =	shalt  }
0x4c: {  	_ =	shalt  }
0x4d: {  	_ =	shalt  }
0x4e: {  	_ =	shalt  }
0x4f: {  	_ =	shalt  }
0x50: {  	_ =	shalt  }
0x51: {  	_ =	shalt  }
0x52: {  	_ =	shalt  }
0x53: {  	_ =	shalt  }
0x54: {  	_ =	shalt  }
0x55: {  	_ =	shalt  }
0x56: {  	_ =	shalt  }
0x57: {  	_ =	shalt  }
0x58: {  	_ =	shalt  }
0x59: {  	_ =	shalt  }
0x5a: {  	_ =	shalt  }
0x5b: {  	_ =	shalt  }
0x5c: {  	_ =	shalt  }
0x5d: {  	_ =	shalt  }
0x5e: {  	_ =	shalt  }
0x5f: {  	_ =	shalt  }
0x60: {  	_ =	shalt  }
0x61: {  	_ =	shalt  }
0x62: {  	_ =	shalt  }
0x63: {  	_ =	shalt  }
0x64: {  	_ =	shalt  }
0x65: {  	_ =	shalt  }
0x66: {  	_ =	shalt  }
0x67: {  	_ =	shalt  }
0x68: {  	_ =	shalt  }
0x69: {  	_ =	shalt  }
0x6a: {  	_ =	shalt  }
0x6b: {  	_ =	shalt  }
0x6c: {  	_ =	shalt  }
0x6d: {  	_ =	shalt  }
0x6e: {  	_ =	shalt  }
0x6f: {  	_ =	shalt  }
0x70: {  	_ =	shalt  }
0x71: {  	_ =	shalt  }
0x72: {  	_ =	shalt  }
0x73: {  	_ =	shalt  }
0x74: {  	_ =	shalt  }
0x75: {  	_ =	shalt  }
0x76: {  	_ =	shalt  }
0x77: {  	_ =	shalt  }
0x78: {  	_ =	shalt  }
0x79: {  	_ =	shalt  }
0x7a: {  	_ =	shalt  }
0x7b: {  	_ =	shalt  }
0x7c: {  	_ =	shalt  }
0x7d: {  	_ =	shalt  }
0x7e: {  	_ =	shalt  }
0x7f: {  	_ =	shalt  }
0x80: {  	_ =	shalt  }
0x81: {  	_ =	shalt  }
0x82: {  	_ =	shalt  }
0x83: {  	_ =	shalt  }
0x84: {  	_ =	shalt  }
0x85: {  	_ =	shalt  }
0x86: {  	_ =	shalt  }
0x87: {  	_ =	shalt  }
.Lfunc_end0:
.L_simem_size_0:
called_computation.2_lowered:
.L_overlay_start_0:
0x88: {  	s2 =	sld [smem:$0x3FD9]  }
0x89: {  	s3 =	sld [smem:$0x3FFE];
	_ =	sdelay $0x1  }
0x8a: {  	s1 =	srdreg.scid  }
0x8b: {  	s0 =	sand.u32 $0x1, s1  }
0x8c: {  	s16 =	sshll.u32 s0, $0xA;
	s2 =	sadd.s32 s3, s2  }
0x8d: {  	s2 =	sadd.s32 s2, s16  }
0x8e: {  	[smem:$0x3FC1] =	sst s2  }
0x8f: {  	_ = 	snop  }
0x90: {  	(tm) =	ssettm $0x1  }
0x91: {  	s17 =	sld [smem:$0x3FFB];
	_ =	sdelay $0x3  }
0x92: {  	_ =	strace s17  }
0x93: {  	s2 =	sld [smem:$0x3FFC];
	_ =	sdelay $0x3  }
0x94: {  	_ =	strace s2  }
0x95: {  	s2 =	sld [smem:$0x3FFD];
	_ =	sdelay $0x3  }
0x96: {  	_ =	strace s2  }
0x97: {  	_ =	strace $0x8FFFFFFF  }
0x98: {  	s18 =	sld [smem:$0x3FDB];
	_ =	sdelay $0x1  }
0x99: {  	s19 =	simm.s32 $_scs_section_size  }
0x9a: {  	s4 =	simm.s32 $_size__tile_overlayer_lowered;
	s5 =	simm.s32 $_tile_overlayer_lowered  }
0x9b: {  	s22 =	simm.s32 $0x1BFF;
	s21 =	sshll.u32 s5, $0x1;
	s2 =	sadd.s32 s19, s18  }
0x9c: {  	s6 =	simm.s32 $0x0;
	s20 =	sshll.u32 s4, $0x1;
	s4 =	sadd.s32 s21, s2  }
0x9d: {  	[timem:s6], [sflag:s22] =	dma.local [hbm:s4], s20  }
0x9e: {  	_ =	swait.ge [sflag:s22], s20  }
0x9f: {  	s3 =	ssub.s32 $0x0, s20;
	[sflag:s22] =	ssyncset.done $0x0  }
0xa0: {  	[sflag:s22] =	ssyncadd.s32 s3;
	_ =	sdelay $0x1  }
0xa1: {  	s23 =	simm.s32 $0x1B8B  }
0xa2: {  	_ =	swait.ge [sflag:s23], $0x1  }
0xa3: {  	[sflag:s23] =	ssyncset.done $0x0  }
0xa4: {  	s25 =	simm.s32 $0x1B8E;
	s24 =	sld [smem:$0x3FFE];
	[sflag:s23] =	ssyncadd.s32 $0xFFFFFFFF  }
0xa5: {  	s26 =	simm.s32 $execute0_lowered;
	[smem:$0x3FD2] =	sst s25  }
0xa6: {  	s4 =	sshll.u32 s26, $0x1;
	_ =	strace $0x8000004C;
	[dreg:$0x1] =	wrdreg $0xFFFFFFFF  }
0xa7: {  	s28 =	simm.s32 $_size_execute0_lowered;
	s2 =	sadd.s32 s2, s4;
	[dreg:$0x0] =	wrdreg $0x0  }
0xa8: {  	s4 =	sshll.u32 s28, $0x1;
	[dreg:$0x2] =	wrdreg s2  }
0xa9: {  	[dreg:$0x3] =	wrdreg s4  }
0xaa: {  	[dreg:$0x4] =	wrdreg $0xC0  }
0xab: {  	_ =	task [dreg:s6], $0x5FFFF  }
0xac: {  	[dreg:$0x1] =	wrdreg $0xFFFFFFFF  }
0xad: {  	[dreg:$0x0] =	wrdreg $0x60  }
0xae: {  	[dreg:$0x2] =	wrdreg s24  }
0xaf: {  	[dreg:$0x3] =	wrdreg $0xA9000  }
0xb0: {  	[dreg:$0x4] =	wrdreg $0x9  }
0xb1: {  	_ =	task.clear_ibuf [dreg:s6], $0x5FFFF;
	_ =	strace $0x9000004C  }
0xb2: {  	s29 =	simm.s32 $0x9;
	_ =	strace $0x8000004E  }
0xb3: {  	_ =	swait.ge [sflag:s29], $0x1  }
0xb4: {  	[sflag:s29] =	ssyncadd.s32 $0xFFFFFFFF  }
0xb5: {  	_ =	strace $0x9000004E  }
0xb6: {  	_ =	sfence  }
0xb7: {  	s30 =	sld [smem:$0x0];
	_ =	sdelay $0x2  }
0xb8: {  	s31 =	sshll.u32 s1, $0xD;
	s1 =	sshrl.u32 s1, $0x2  }
0xb9: {  	s3 =	sand.u32 $0x4000, s31;
	s1 =	sadd.s32 s1, s30  }
0xba: {  	s0 =	sor.u32 s3, s0;
	s1 =	sshll.u32 s1, $0x11  }
0xbb: {  	s0 =	sor.u32 s1, s0  }
0xbc: {  	s0 =	sadd.s32 $0x8F2B, s0  }
0xbd: {  	[sflag:s0] =	ssyncadd.remote.s32 $0x1  }
0xbe: {  	_ =	sfence.sel $0xFFFF  }
0xbf: {  	[dreg:$0x0] =	wrdreg $0xFFFFFFFF;
	(pc) =	sbr.abs _section_cstart, $3  }
0xc0: {  	[dreg:$0x1] =	wrdreg $0xFFFFFFFF  }
0xc1: {  	_ =	task.clear_ibuf [dreg:s6], $0x2FFFF;
	_ =	strace $0x9FFFFFFF  }
0xc2: {  	(tm) =	ssettm $0x7FFFFFFF  }
0xc3: {  	_ =	shalt  }
tec
execute0_lowered:
.L_overlay_start_1:
0x0: {  	(tag) =	ssettag $0x1  }
0x1: {  	s1 =	srdreg.scid  }
0x2: {  	s0 =	stileid.u32;
	s6 =	rddreg [dreg:$0x0]  }
0x3: {  	s2 =	rddreg [dreg:$0x1];
	s3 =	simm.s32 $0x0;
	s17 =	simm.s32 $0x5  }
0x4: {  	s18 =	simm.s32 $0x80;
	s19 =	simm.s32 $0x6900;
	s20 =	simm.s32 $0x2800  }
0x5: {  	s21 =	simm.s32 $0x2880;
	s22 =	simm.s32 $0x1;
	s8 =	smul.u32 $0x14000, s0  }
0x6: {  	s23 =	simm.s32 $0x2;
	s24 =	simm.s32 $0x3;
	s10 =	smul.u32 $0x50000, s0  }
0x7: {  	s25 =	simm.s32 $0x4;
	s7 =	sand.u32 $0x1, s1;
	s12 =	smul.u32 $0x5000, s0  }
0x8: {  	s26 =	simm.s32 $0x0;
	s30 =	sshll.u32 s0, $0x1;
	s5 =	smul.u32 $0x140000, s7  }
0x9: {  	[smem:$0x7FF] =	sst s3;
	s1 =	sor.u32 s7, s30;
	s13 =	smul.u32 $0x2800, s7  }
0xa: {  	s15 =	sadd.s32 $0x17E00, s6;
	s31 =	ssub.s32 $0x2, s7;
	s4 =	smul.u32 $0x2800, s1  }
0xb: {  	s1 =	rddreg [dreg:$0x2];
	_ =	strace $0x8000004D;
	s11 =	sshrl.u32 s31, $0x1  }
0xc: {  	s10 =	sshrl.u32 s10, $0x2;
	s5 =	sadd.s32 s8, s5;
	s11 =	ssub.s32 s31, s11  }
0xd: {  	s13 =	sadd.s32 s13, s12;
	s9 =	sshrl.u32 s4, $0x3;
	s4 =	sadd.s32 $0x26E00, s6  }
0xe: {  	s8 =	sshrl.u32 s5, $0x3;
	s5 =	sadd.s32 $0x23E00, s6;
	s14 =	sshrl.u32 s13, $0x3  }
0xf: {  	s16 =	sor.u32 $0x80, s13;
	s9 =	sadd.s32 s9, s6;
	s8 =	sadd.s32 s8, s6  }
0x10: {  	s6 =	sadd.s32 s10, s2;
	s14 =	sadd.s32 s14, s15;
	s16 =	sshrl.u32 s16, $0x3  }
0x11: {  	s7 =	sadd.s32 $0xDE00, s9;
	s8 =	sadd.s32 $0xEEE00, s8;
	s9 =	smax.u32 s11, $0x1  }
0x12: {  	s10 =	sadd.s32 $0x4000, s6;
	s11 =	sadd.s32 $0x8000, s6;
	s12 =	sadd.s32 $0xC000, s6  }
0x13: {  	s13 =	sadd.s32 $0x10000, s6;
	s15 =	sadd.s32 s16, s15;
	s16 =	simm.s32 $0x2900  }
.LBB2_1:
0x14: {  	[tilespmem:s16], [sflag:$0x5] =	stream.linear.gather [hbm4b:s5+s3], $0x4000, $0x38;
	[tilespmem:$0x1E900] =	vst v63  }
0x15: {  	_ =	swait.ge [sflag:s17], $0x4000  }
0x16: {  	[sflag:s17] =	ssyncset.done $0x0  }
0x17: {  	[sflag:s17] =	ssyncadd.s32 $0xFFFFC000  }
0x18: {  	[spmem:s6] =	stream.linear.scatter [tilespmem:s16], [sflag:$0x5], $0x4000, $0x38;
	[tilespmem:$0x1E900] =	vst v63  }
0x19: {  	_ =	swait.ge [sflag:s17], $0x4000  }
0x1a: {  	[sflag:s17] =	ssyncset.done $0x0  }
0x1b: {  	[sflag:s17] =	ssyncadd.s32 $0xFFFFC000  }
0x1c: {  	[spmem:s10] =	stream.linear.scatter [tilespmem:s16], [sflag:$0x5], $0x4000, $0x38;
	[tilespmem:$0x1E900] =	vst v63  }
0x1d: {  	_ =	swait.ge [sflag:s17], $0x4000  }
0x1e: {  	[sflag:s17] =	ssyncset.done $0x0  }
0x1f: {  	[sflag:s17] =	ssyncadd.s32 $0xFFFFC000  }
0x20: {  	[spmem:s11] =	stream.linear.scatter [tilespmem:s16], [sflag:$0x5], $0x4000, $0x38;
	[tilespmem:$0x1E900] =	vst v63  }
0x21: {  	_ =	swait.ge [sflag:s17], $0x4000  }
0x22: {  	[sflag:s17] =	ssyncset.done $0x0  }
0x23: {  	[sflag:s17] =	ssyncadd.s32 $0xFFFFC000  }
0x24: {  	[spmem:s12] =	stream.linear.scatter [tilespmem:s16], [sflag:$0x5], $0x4000, $0x38;
	[tilespmem:$0x1E900] =	vst v63  }
0x25: {  	_ =	swait.ge [sflag:s17], $0x4000  }
0x26: {  	[sflag:s17] =	ssyncset.done $0x0  }
0x27: {  	[sflag:s17] =	ssyncadd.s32 $0xFFFFC000  }
0x28: {  	[spmem:s13] =	stream.linear.scatter [tilespmem:s16], [sflag:$0x5], $0x4000, $0x38;
	[tilespmem:$0x1E900] =	vst v63  }
0x29: {  	_ =	swait.ge [sflag:s17], $0x4000  }
0x2a: {  	[sflag:s17] =	ssyncset.done $0x0  }
0x2b: {  	[sflag:s17] =	ssyncadd.s32 $0xFFFFC000  }
0x2c: {  	[tilespmem:s3], [sflag:$0x5] =	stream.linear.gather [hbm4b:s7+s3], $0x2800, $0x38;
	[tilespmem:$0x1E900] =	vst v63  }
0x2d: {  	_ =	swait.ge [sflag:s17], $0x2800  }
0x2e: {  	[sflag:s17] =	ssyncset.done $0x0  }
0x2f: {  	[sflag:s17] =	ssyncadd.s32 $0xFFFFD800  }
0x30: {  	[bflag:$0x0] =	sbarrier.arrive $0xFFFF  }
0x31: {  	[tilespmem:s16], [sflag:$0x1] =	stream.indirect.gather [hbm4b:s4+s18], $0x80, s3, s18, $0xb8;
	[tilespmem:$0x1E900] =	vst v63  }
0x32: {  	s28 =	simm.s32 $0x80  }
0x33: {  	[tilespmem:s19], [sflag:$0x2] =	stream.indirect.gather [hbm4b:s4+s18], $0x80, s28, s18, $0xb8;
	[tilespmem:$0x1E900] =	vst v63  }
0x34: {  	s28 =	sadd.s32 $0x0, s14  }
0x35: {  	[tilespmem:s20], [sflag:$0x5] =	stream.linear.gather [hbm4b:s28+s3], $0x80, $0x38;
	[tilespmem:$0x1E900] =	vst v63  }
0x36: {  	_ =	swait.ge [sflag:s17], $0x80  }
0x37: {  	[sflag:s17] =	ssyncset.done $0x0  }
0x38: {  	s28 =	sadd.s32 $0x0, s15;
	[sflag:s17] =	ssyncadd.s32 $0xFFFFFF80  }
0x39: {  	[tilespmem:s21], [sflag:$0x5] =	stream.linear.gather [hbm4b:s28+s3], $0x80, $0x38;
	[tilespmem:$0x1E900] =	vst v63  }
0x3a: {  	_ =	swait.ge [sflag:s17], $0x80  }
0x3b: {  	[sflag:s17] =	ssyncset.done $0x0  }
0x3c: {  	[sflag:s17] =	ssyncadd.s32 $0xFFFFFF80  }
0x3d: {  	_ =	swait.ge [sflag:s22], $0x4000  }
0x3e: {  	[sflag:s22] =	ssyncset.done $0x0  }
0x3f: {  	[sflag:s22] =	ssyncadd.s32 $0xFFFFC000  }
0x40: {  	[spmem:s2] =	stream.indirect.scatter.add.f32 [tilespmem:s16], [sflag:$0x3], $0x80, s20, s18, $0xb8;
	[tilespmem:$0x1E900] =	vst v63  }
0x41: {  	_ =	swait.ge [sflag:s23], $0x4000  }
0x42: {  	[sflag:s23] =	ssyncset.done $0x0  }
0x43: {  	[sflag:s23] =	ssyncadd.s32 $0xFFFFC000  }
0x44: {  	[spmem:s2] =	stream.indirect.scatter.add.f32 [tilespmem:s19], [sflag:$0x4], $0x80, s21, s18, $0xb8;
	[tilespmem:$0x1E900] =	vst v63  }
0x45: {  	_ =	swait.ge [sflag:s24], $0x4000  }
0x46: {  	[sflag:s24] =	ssyncset.done $0x0  }
0x47: {  	[sflag:s24] =	ssyncadd.s32 $0xFFFFC000  }
0x48: {  	_ =	swait.ge [sflag:s25], $0x4000  }
0x49: {  	s29 =	simm.s32 $0x0;
	s28 =	simm.s32 $0x20;
	[sflag:s25] =	ssyncset.done $0x0  }
.LBB2_2:
0x4a: {  	p0 =	sne.s32 s28, $0x4E0;
	[sflag:s25] =	ssyncadd.s32 $0xFFFFC000;
	s29 =	sadd.s32 $0x100, s29  }
0x4b: {  	[tilespmem:s16], [sflag:$0x1] =	stream.indirect.gather [hbm4b:s4+s18], $0x80, s29, s18, $0xb8;
	[tilespmem:$0x1E900] =	vst v63  }
0x4c: {  	s31 =	smov.u32 s28;
	s28 =	sadd.s32 $0x20, s28;
	s30 =	sadd.s32 $0x80, s29  }
0x4d: {  	[tilespmem:s19], [sflag:$0x2] =	stream.indirect.gather [hbm4b:s4+s18], $0x80, s30, s18, $0xb8;
	[tilespmem:$0x1E900] =	vst v63  }
0x4e: {  	s30 =	sadd.s32 s31, s14  }
0x4f: {  	[tilespmem:s20], [sflag:$0x5] =	stream.linear.gather [hbm4b:s30+s3], $0x80, $0x38;
	[tilespmem:$0x1E900] =	vst v63  }
0x50: {  	_ =	swait.ge [sflag:s17], $0x80  }
0x51: {  	[sflag:s17] =	ssyncset.done $0x0  }
0x52: {  	s30 =	sadd.s32 s31, s15;
	[sflag:s17] =	ssyncadd.s32 $0xFFFFFF80  }
0x53: {  	[tilespmem:s21], [sflag:$0x5] =	stream.linear.gather [hbm4b:s30+s3], $0x80, $0x38;
	[tilespmem:$0x1E900] =	vst v63  }
0x54: {  	_ =	swait.ge [sflag:s17], $0x80  }
0x55: {  	[sflag:s17] =	ssyncset.done $0x0  }
0x56: {  	[sflag:s17] =	ssyncadd.s32 $0xFFFFFF80  }
0x57: {  	_ =	swait.ge [sflag:s22], $0x4000  }
0x58: {  	[sflag:s22] =	ssyncset.done $0x0  }
0x59: {  	[sflag:s22] =	ssyncadd.s32 $0xFFFFC000  }
0x5a: {  	[spmem:s2] =	stream.indirect.scatter.add.f32 [tilespmem:s16], [sflag:$0x3], $0x80, s20, s18, $0xb8;
	[tilespmem:$0x1E900] =	vst v63  }
0x5b: {  	_ =	swait.ge [sflag:s23], $0x4000  }
0x5c: {  	[sflag:s23] =	ssyncset.done $0x0  }
0x5d: {  	[sflag:s23] =	ssyncadd.s32 $0xFFFFC000  }
0x5e: {  	[spmem:s2] =	stream.indirect.scatter.add.f32 [tilespmem:s19], [sflag:$0x4], $0x80, s21, s18, $0xb8;
	[tilespmem:$0x1E900] =	vst v63  }
.Ltmp0:
0x5f: {  	_ =	swait.ge [sflag:s24], $0x4000;
	(pc) =	sbr.rel @p0 .LBB2_2-.Ltmp0, $4  }
0x60: {  	[sflag:s24] =	ssyncset.done $0x0  }
0x61: {  	[sflag:s24] =	ssyncadd.s32 $0xFFFFC000  }
0x62: {  	_ =	swait.ge [sflag:s25], $0x4000  }
0x63: {  	[sflag:s25] =	ssyncset.done $0x0  }
0x64: {  	[sflag:s25] =	ssyncadd.s32 $0xFFFFC000;
	s26 =	sadd.s32 $0x1, s26  }
0x65: {  	s28 =	sshll.u32 s0, $0x6;
	s29 =	sshrl.u32 s6, $0x3;
	p0 =	sne.s32 s26, s9  }
.Ltmp1:
0x66: {  	[bflag:$0x0] =	sbarrier.arrive $0xFFFF;
	s28 =	sor.u32 $0x1C05, s28;
	(pc) =	sbr.rel @p0 .LBB2_1-.Ltmp1, $4  }
0x67: {  	[hbm:s8], [sflag:s28] =	dma.local [spmem:s29], $0x2800  }
0x68: {  	_ =	swait.ge [sflag:s17], $0x2800  }
0x69: {  	[sflag:s17] =	ssyncset.done $0x0  }
0x6a: {  	[sflag:s17] =	ssyncadd.s32 $0xFFFFD800  }
0x6b: {  	_ =	sfence.sel $0x180000  }
0x6c: {  	[bflag:$0x0] =	sbarrier.arrive $0xFFFF  }
0x6d: {  	p0 =	sne.s32 s0, $0x0;
	_ =	strace $0x9000004D  }
0x6e: {  	s0 =	sadd.s32 @!p0 $0x100000, s1;
	[bflag:$0x2] =	sbarrier.arrive $0xFFFF  }
0x6f: {  	[sflag:s0] =	ssyncadd.tile.s32 @!p0 $0x1;
	_ =	shalt  }
.Lfunc_end2:
_tile_overlayer_lowered:
.L_overlay_start_2:
0x70: {  	(tag) =	ssettag $0x2  }
0x71: {  	s0 =	rddreg [dreg:$0x0];
	s2 =	stileid.u32  }
0x72: {  	s1 =	rddreg [dreg:$0x1];
	p0 =	sne.s32 s2, $0x0  }
0x73: {  	s3 =	rddreg [dreg:$0x2];
	[bflag:$0x3] =	sbarrier.arrive $0xFFFF;
	s2 =	simm.s32 @!p0 $0x1C05  }
0x74: {  	[timem:s3], [sflag:s2] =	dma.local @!p0 [hbm:s0], s1  }
0x75: {  	s0 =	simm.s32 @!p0 $0x5  }
0x76: {  	_ =	swait.ge @!p0 [sflag:s0], s1  }
0x77: {  	s1 =	ssub.s32 @!p0 $0x0, s1;
	[sflag:s0] =	ssyncset.done @!p0 $0x0  }
0x78: {  	[sflag:s0] =	ssyncadd.s32 @!p0 s1  }
0x79: {  	[bflag:$0x3] =	sbarrier.arrive $0xFFFF  }
0x7a: {  	_ =	shalt  }

// kernel: kernel.22.cloned.1.call-start
scs
__scs_entry_jumppad:
0x0: {  	(pc) =	sbr.rel $0x88, $3  }
0x1: {  	(tag) =	ssettag $0x0;
	lr =	simm.s32 $0x1  }
0x2: {  	[smem:$0x3F9A] =	sst lr;
	_ =	strace $0xD0000000  }
0x3: {  	_ = 	snop  }
0x4: {  	_ = 	snop  }
0x5: {  	_ = 	snop  }
0x6: {  	_ = 	snop  }
0x7: {  	_ = 	snop  }
__scs_overlays_trampoline_lowered:
0x8: {  	[smem:$0x3FA9] =	sst s0  }
0x9: {  	[smem:$0x3FAA] =	sst s1  }
0xa: {  	[smem:$0x3FAB] =	sst s2  }
0xb: {  	[smem:$0x3FAC] =	sst s3  }
0xc: {  	[smem:$0x3FAD] =	sst s4  }
0xd: {  	[smem:$0x3FAE] =	sst s5  }
0xe: {  	[smem:$0x3FAF] =	sst s6  }
0xf: {  	[smem:$0x3FB0] =	sst s7  }
0x10: {  	[smem:$0x3FB1] =	sst s8  }
0x11: {  	[smem:$0x3FB2] =	sst s9;
	s0 =	simm.s32 @!p0 $0x0  }
0x12: {  	s1 =	sld [smem:$0x3F98];
	s0 =	simm.s32 @p0 $0x1  }
0x13: {  	[smem:$0x3FB3] =	sst s0;
	s0 =	simm.s32 @!p1 $0x0  }
0x14: {  	s2 =	sld [smem:$0x3F97];
	s0 =	simm.s32 @p1 $0x1  }
0x15: {  	[smem:$0x3FB4] =	sst s0;
	s0 =	simm.s32 @!p2 $0x0  }
0x16: {  	s3 =	sld [smem:$0x3FDB];
	s0 =	simm.s32 @p2 $0x1  }
0x17: {  	s4 =	simm.s32 $0x1BF5;
	[smem:$0x3FB6] =	sst s0  }
0x18: {  	s0 =	sld [smem:$0x3F99];
	_ =	swait.ge [sflag:s4], $0x0  }
0x19: {  	s7 =	sld [smem:$0x3F9A]  }
0x1a: {  	s8 =	sadd.s32 $0xFFFFE003, lr  }
0x1b: {  	s9 =	sadd.s32 $0xFFFFFEF7, lr;
	s5 =	simm.s32 $0xFFFFFFFF;
	p2 =	slt.u32 s8, $0xFFFFF086  }
0x1c: {  	p1 =	slt.u32 s9, $0xF7A;
	s5 =	simm.s32 @!p2 $0x0  }
0x1d: {  	s5 =	simm.s32 @p1 $0x1;
	p0 =	seq.s32 s7, s2  }
0x1e: {  	s7 =	smul.u32 @!p0 $0xF7A, s2;
	p2 =	seq.s32 @!p0 s5, $0x0  }
0x1f: {  	s9 =	smul.u32 $0xF7A, s1;
	s8 =	simm.s32 @!p0 $0x1BF5;
	p2 =	por !p2, p0  }
0x20: {  	[sflag:s8] =	ssyncset.s32 @!p0 $0xFFFFF086;
	s6 =	sadd.s32 @!p0 s3, s7;
	s7 =	simm.s32 @!p0 $0x108  }
0x21: {  	s3 =	sadd.s32 s3, s9;
	s6 =	sadd.s32 @!p0 $0x88, s6;
	s7 =	simm.s32 @p2 $0x1082  }
0x22: {  	[simem:s7], [sflag:s8] =	dma.local @!p0 [hbm:s6], $0xF7A  }
0x23: {  	s9 =	sor.u32 $0xD0000000, s2;
	s6 =	simm.s32 $0x108;
	_ =	swait.ge @!p0 [sflag:s8], $0x0  }
0x24: {  	s3 =	sadd.s32 $0x88, s3;
	s6 =	simm.s32 @!p1 $0x1082;
	[sflag:s4] =	ssyncset.s32 $0xFFFFF086  }
0x25: {  	[simem:s6], [sflag:s4] =	dma.local [hbm:s3], $0xF7A  }
0x26: {  	[smem:$0x3F9A] =	sst s1;
	(tag) =	ssettag s2;
	_ =	strace s9  }
0x27: {  	s1 =	sld [smem:$0x3FAA]  }
0x28: {  	s2 =	sld [smem:$0x3FAB]  }
0x29: {  	s4 =	sld [smem:$0x3FAD]  }
0x2a: {  	p0 =	seq.s32 s5, $0x0;
	s5 =	sld [smem:$0x3FAE]  }
0x2b: {  	s6 =	sld [smem:$0x3FAF]  }
0x2c: {  	s7 =	sld [smem:$0x3FB0]  }
0x2d: {  	s3 =	simm.s32 $0x108;
	s8 =	sld [smem:$0x3FB1]  }
0x2e: {  	s3 =	simm.s32 @!p0 $0x1082;
	s9 =	sld [smem:$0x3FB2]  }
0x2f: {  	lr =	sadd.s32 s0, s3;
	s0 =	sld [smem:$0x3FA9]  }
0x30: {  	s3 =	sld [smem:$0x3FAC]  }
0x31: {  	[smem:$0x3FB5] =	sst s10  }
0x32: {  	s10 =	sld [smem:$0x3FB3];
	_ =	sdelay $0x3  }
0x33: {  	p0 =	seq.s32 s10, $0x1;
	s10 =	sld [smem:$0x3FB5];
	_ =	sdelay $0x3  }
0x34: {  	[smem:$0x3FB5] =	sst s10  }
0x35: {  	s10 =	sld [smem:$0x3FB4];
	_ =	sdelay $0x3  }
0x36: {  	p1 =	seq.s32 s10, $0x1;
	s10 =	sld [smem:$0x3FB5];
	_ =	sdelay $0x3  }
0x37: {  	[smem:$0x3FB5] =	sst s10  }
0x38: {  	s10 =	sld [smem:$0x3FB6]  }
0x39: {  	_ = 	snop;
	(pc) =	sbr.ind lr, $3  }
0x3a: {  	_ = 	snop  }
0x3b: {  	_ = 	snop  }
0x3c: {  	p2 =	seq.s32 s10, $0x1;
	s10 =	sld [smem:$0x3FB5]  }
0x3d: {  	_ =	shalt  }
0x3e: {  	_ =	shalt  }
0x3f: {  	_ =	shalt  }
0x40: {  	_ =	shalt  }
0x41: {  	_ =	shalt  }
0x42: {  	_ =	shalt  }
0x43: {  	_ =	shalt  }
0x44: {  	_ =	shalt  }
0x45: {  	_ =	shalt  }
0x46: {  	_ =	shalt  }
0x47: {  	_ =	shalt  }
0x48: {  	_ =	shalt  }
0x49: {  	_ =	shalt  }
0x4a: {  	_ =	shalt  }
0x4b: {  	_ =	shalt  }
0x4c: {  	_ =	shalt  }
0x4d: {  	_ =	shalt  }
0x4e: {  	_ =	shalt  }
0x4f: {  	_ =	shalt  }
0x50: {  	_ =	shalt  }
0x51: {  	_ =	shalt  }
0x52: {  	_ =	shalt  }
0x53: {  	_ =	shalt  }
0x54: {  	_ =	shalt  }
0x55: {  	_ =	shalt  }
0x56: {  	_ =	shalt  }
0x57: {  	_ =	shalt  }
0x58: {  	_ =	shalt  }
0x59: {  	_ =	shalt  }
0x5a: {  	_ =	shalt  }
0x5b: {  	_ =	shalt  }
0x5c: {  	_ =	shalt  }
0x5d: {  	_ =	shalt  }
0x5e: {  	_ =	shalt  }
0x5f: {  	_ =	shalt  }
0x60: {  	_ =	shalt  }
0x61: {  	_ =	shalt  }
0x62: {  	_ =	shalt  }
0x63: {  	_ =	shalt  }
0x64: {  	_ =	shalt  }
0x65: {  	_ =	shalt  }
0x66: {  	_ =	shalt  }
0x67: {  	_ =	shalt  }
0x68: {  	_ =	shalt  }
0x69: {  	_ =	shalt  }
0x6a: {  	_ =	shalt  }
0x6b: {  	_ =	shalt  }
0x6c: {  	_ =	shalt  }
0x6d: {  	_ =	shalt  }
0x6e: {  	_ =	shalt  }
0x6f: {  	_ =	shalt  }
0x70: {  	_ =	shalt  }
0x71: {  	_ =	shalt  }
0x72: {  	_ =	shalt  }
0x73: {  	_ =	shalt  }
0x74: {  	_ =	shalt  }
0x75: {  	_ =	shalt  }
0x76: {  	_ =	shalt  }
0x77: {  	_ =	shalt  }
0x78: {  	_ =	shalt  }
0x79: {  	_ =	shalt  }
0x7a: {  	_ =	shalt  }
0x7b: {  	_ =	shalt  }
0x7c: {  	_ =	shalt  }
0x7d: {  	_ =	shalt  }
0x7e: {  	_ =	shalt  }
0x7f: {  	_ =	shalt  }
0x80: {  	_ =	shalt  }
0x81: {  	_ =	shalt  }
0x82: {  	_ =	shalt  }
0x83: {  	_ =	shalt  }
0x84: {  	_ =	shalt  }
0x85: {  	_ =	shalt  }
0x86: {  	_ =	shalt  }
0x87: {  	_ =	shalt  }
.Lfunc_end0:
.L_simem_size_0:
called_computation.3_lowered:
.L_overlay_start_0:
0x88: {  	s2 =	sld [smem:$0x3FD9]  }
0x89: {  	s3 =	sld [smem:$0x3FFE];
	_ =	sdelay $0x1  }
0x8a: {  	s1 =	srdreg.scid  }
0x8b: {  	s0 =	sand.u32 $0x1, s1  }
0x8c: {  	s16 =	sshll.u32 s0, $0xA;
	s2 =	sadd.s32 s3, s2  }
0x8d: {  	s2 =	sadd.s32 s2, s16  }
0x8e: {  	[smem:$0x3FC1] =	sst s2  }
0x8f: {  	_ = 	snop  }
0x90: {  	(tm) =	ssettm $0x1  }
0x91: {  	s17 =	sld [smem:$0x3FFB];
	_ =	sdelay $0x3  }
0x92: {  	_ =	strace s17  }
0x93: {  	s2 =	sld [smem:$0x3FFC];
	_ =	sdelay $0x3  }
0x94: {  	_ =	strace s2  }
0x95: {  	s2 =	sld [smem:$0x3FFD];
	_ =	sdelay $0x3  }
0x96: {  	_ =	strace s2  }
0x97: {  	_ =	strace $0x8FFFFFFF  }
0x98: {  	s18 =	sld [smem:$0x3FDB];
	_ =	sdelay $0x1  }
0x99: {  	s19 =	simm.s32 $_scs_section_size  }
0x9a: {  	s4 =	simm.s32 $_size__tile_overlayer_lowered;
	s5 =	simm.s32 $_tile_overlayer_lowered  }
0x9b: {  	s22 =	simm.s32 $0x1BFF;
	s21 =	sshll.u32 s5, $0x1;
	s2 =	sadd.s32 s19, s18  }
0x9c: {  	s6 =	simm.s32 $0x0;
	s20 =	sshll.u32 s4, $0x1;
	s4 =	sadd.s32 s21, s2  }
0x9d: {  	[timem:s6], [sflag:s22] =	dma.local [hbm:s4], s20  }
0x9e: {  	_ =	swait.ge [sflag:s22], s20  }
0x9f: {  	s3 =	ssub.s32 $0x0, s20;
	[sflag:s22] =	ssyncset.done $0x0  }
0xa0: {  	[sflag:s22] =	ssyncadd.s32 s3;
	_ =	sdelay $0x1  }
0xa1: {  	s23 =	simm.s32 $0x1B8B  }
0xa2: {  	_ =	swait.ge [sflag:s23], $0x1  }
0xa3: {  	[sflag:s23] =	ssyncset.done $0x0  }
0xa4: {  	s25 =	simm.s32 $0x1B8E;
	s24 =	sld [smem:$0x3FFE];
	[sflag:s23] =	ssyncadd.s32 $0xFFFFFFFF  }
0xa5: {  	s26 =	simm.s32 $execute0_lowered;
	[smem:$0x3FD2] =	sst s25  }
0xa6: {  	s4 =	sshll.u32 s26, $0x1;
	_ =	strace $0x8000004F;
	[dreg:$0x1] =	wrdreg $0xFFFFFFFF  }
0xa7: {  	s28 =	simm.s32 $_size_execute0_lowered;
	s2 =	sadd.s32 s2, s4;
	[dreg:$0x0] =	wrdreg $0x0  }
0xa8: {  	s4 =	sshll.u32 s28, $0x1;
	[dreg:$0x2] =	wrdreg s2  }
0xa9: {  	[dreg:$0x3] =	wrdreg s4  }
0xaa: {  	[dreg:$0x4] =	wrdreg $0xC0  }
0xab: {  	_ =	task [dreg:s6], $0x5FFFF  }
0xac: {  	[dreg:$0x1] =	wrdreg $0xFFFFFFFF  }
0xad: {  	[dreg:$0x0] =	wrdreg $0x60  }
0xae: {  	[dreg:$0x2] =	wrdreg s24  }
0xaf: {  	[dreg:$0x3] =	wrdreg $0xA9000  }
0xb0: {  	[dreg:$0x4] =	wrdreg $0x9  }
0xb1: {  	_ =	task.clear_ibuf [dreg:s6], $0x5FFFF;
	_ =	strace $0x9000004F  }
0xb2: {  	s29 =	simm.s32 $0x9;
	_ =	strace $0x80000051  }
0xb3: {  	_ =	swait.ge [sflag:s29], $0x1  }
0xb4: {  	[sflag:s29] =	ssyncadd.s32 $0xFFFFFFFF  }
0xb5: {  	_ =	strace $0x90000051  }
0xb6: {  	_ =	sfence  }
0xb7: {  	s30 =	sld [smem:$0x0];
	_ =	sdelay $0x2  }
0xb8: {  	s31 =	sshll.u32 s1, $0xD;
	s1 =	sshrl.u32 s1, $0x2  }
0xb9: {  	s3 =	sand.u32 $0x4000, s31;
	s1 =	sadd.s32 s1, s30  }
0xba: {  	s0 =	sor.u32 s3, s0;
	s1 =	sshll.u32 s1, $0x11  }
0xbb: {  	s0 =	sor.u32 s1, s0  }
0xbc: {  	s0 =	sadd.s32 $0x8F2B, s0  }
0xbd: {  	[sflag:s0] =	ssyncadd.remote.s32 $0x1  }
0xbe: {  	_ =	sfence.sel $0xFFFF  }
0xbf: {  	[dreg:$0x0] =	wrdreg $0xFFFFFFFF;
	(pc) =	sbr.abs _section_cstart, $3  }
0xc0: {  	[dreg:$0x1] =	wrdreg $0xFFFFFFFF  }
0xc1: {  	_ =	task.clear_ibuf [dreg:s6], $0x2FFFF;
	_ =	strace $0x9FFFFFFF  }
0xc2: {  	(tm) =	ssettm $0x7FFFFFFF  }
0xc3: {  	_ =	shalt  }
tec
execute0_lowered:
.L_overlay_start_1:
0x0: {  	(tag) =	ssettag $0x1  }
0x1: {  	s1 =	srdreg.scid  }
0x2: {  	s0 =	stileid.u32;
	s6 =	rddreg [dreg:$0x0]  }
0x3: {  	s2 =	rddreg [dreg:$0x1];
	s3 =	simm.s32 $0x0;
	s17 =	simm.s32 $0x5  }
0x4: {  	s18 =	simm.s32 $0x80;
	s19 =	simm.s32 $0x6900;
	s20 =	simm.s32 $0x2800  }
0x5: {  	s21 =	simm.s32 $0x2880;
	s22 =	simm.s32 $0x1;
	s8 =	smul.u32 $0x14000, s0  }
0x6: {  	s23 =	simm.s32 $0x2;
	s24 =	simm.s32 $0x3;
	s10 =	smul.u32 $0x50000, s0  }
0x7: {  	s25 =	simm.s32 $0x4;
	s7 =	sand.u32 $0x1, s1;
	s12 =	smul.u32 $0x5000, s0  }
0x8: {  	s26 =	simm.s32 $0x0;
	s30 =	sshll.u32 s0, $0x1;
	s5 =	smul.u32 $0x140000, s7  }
0x9: {  	[smem:$0x7FF] =	sst s3;
	s1 =	sor.u32 s7, s30;
	s13 =	smul.u32 $0x2800, s7  }
0xa: {  	s15 =	sadd.s32 $0x17E00, s6;
	s31 =	ssub.s32 $0x2, s7;
	s4 =	smul.u32 $0x2800, s1  }
0xb: {  	s1 =	rddreg [dreg:$0x2];
	_ =	strace $0x80000050;
	s11 =	sshrl.u32 s31, $0x1  }
0xc: {  	s10 =	sshrl.u32 s10, $0x2;
	s5 =	sadd.s32 s8, s5;
	s11 =	ssub.s32 s31, s11  }
0xd: {  	s13 =	sadd.s32 s13, s12;
	s9 =	sshrl.u32 s4, $0x3;
	s4 =	sadd.s32 $0x26E00, s6  }
0xe: {  	s8 =	sshrl.u32 s5, $0x3;
	s5 =	sadd.s32 $0x24E00, s6;
	s14 =	sshrl.u32 s13, $0x3  }
0xf: {  	s16 =	sor.u32 $0x80, s13;
	s9 =	sadd.s32 s9, s6;
	s8 =	sadd.s32 s8, s6  }
0x10: {  	s6 =	sadd.s32 s10, s2;
	s14 =	sadd.s32 s14, s15;
	s16 =	sshrl.u32 s16, $0x3  }
0x11: {  	s7 =	sadd.s32 $0xDE00, s9;
	s8 =	sadd.s32 $0x9EE00, s8;
	s9 =	smax.u32 s11, $0x1  }
0x12: {  	s10 =	sadd.s32 $0x4000, s6;
	s11 =	sadd.s32 $0x8000, s6;
	s12 =	sadd.s32 $0xC000, s6  }
0x13: {  	s13 =	sadd.s32 $0x10000, s6;
	s15 =	sadd.s32 s16, s15;
	s16 =	simm.s32 $0x2900  }
.LBB2_1:
0x14: {  	[tilespmem:s16], [sflag:$0x5] =	stream.linear.gather [hbm4b:s5+s3], $0x4000, $0x38;
	[tilespmem:$0x1E900] =	vst v63  }
0x15: {  	_ =	swait.ge [sflag:s17], $0x4000  }
0x16: {  	[sflag:s17] =	ssyncset.done $0x0  }
0x17: {  	[sflag:s17] =	ssyncadd.s32 $0xFFFFC000  }
0x18: {  	[spmem:s6] =	stream.linear.scatter [tilespmem:s16], [sflag:$0x5], $0x4000, $0x38;
	[tilespmem:$0x1E900] =	vst v63  }
0x19: {  	_ =	swait.ge [sflag:s17], $0x4000  }
0x1a: {  	[sflag:s17] =	ssyncset.done $0x0  }
0x1b: {  	[sflag:s17] =	ssyncadd.s32 $0xFFFFC000  }
0x1c: {  	[spmem:s10] =	stream.linear.scatter [tilespmem:s16], [sflag:$0x5], $0x4000, $0x38;
	[tilespmem:$0x1E900] =	vst v63  }
0x1d: {  	_ =	swait.ge [sflag:s17], $0x4000  }
0x1e: {  	[sflag:s17] =	ssyncset.done $0x0  }
0x1f: {  	[sflag:s17] =	ssyncadd.s32 $0xFFFFC000  }
0x20: {  	[spmem:s11] =	stream.linear.scatter [tilespmem:s16], [sflag:$0x5], $0x4000, $0x38;
	[tilespmem:$0x1E900] =	vst v63  }
0x21: {  	_ =	swait.ge [sflag:s17], $0x4000  }
0x22: {  	[sflag:s17] =	ssyncset.done $0x0  }
0x23: {  	[sflag:s17] =	ssyncadd.s32 $0xFFFFC000  }
0x24: {  	[spmem:s12] =	stream.linear.scatter [tilespmem:s16], [sflag:$0x5], $0x4000, $0x38;
	[tilespmem:$0x1E900] =	vst v63  }
0x25: {  	_ =	swait.ge [sflag:s17], $0x4000  }
0x26: {  	[sflag:s17] =	ssyncset.done $0x0  }
0x27: {  	[sflag:s17] =	ssyncadd.s32 $0xFFFFC000  }
0x28: {  	[spmem:s13] =	stream.linear.scatter [tilespmem:s16], [sflag:$0x5], $0x4000, $0x38;
	[tilespmem:$0x1E900] =	vst v63  }
0x29: {  	_ =	swait.ge [sflag:s17], $0x4000  }
0x2a: {  	[sflag:s17] =	ssyncset.done $0x0  }
0x2b: {  	[sflag:s17] =	ssyncadd.s32 $0xFFFFC000  }
0x2c: {  	[tilespmem:s3], [sflag:$0x5] =	stream.linear.gather [hbm4b:s7+s3], $0x2800, $0x38;
	[tilespmem:$0x1E900] =	vst v63  }
0x2d: {  	_ =	swait.ge [sflag:s17], $0x2800  }
0x2e: {  	[sflag:s17] =	ssyncset.done $0x0  }
0x2f: {  	[sflag:s17] =	ssyncadd.s32 $0xFFFFD800  }
0x30: {  	[bflag:$0x0] =	sbarrier.arrive $0xFFFF  }
0x31: {  	[tilespmem:s16], [sflag:$0x1] =	stream.indirect.gather [hbm4b:s4+s18], $0x80, s3, s18, $0xb8;
	[tilespmem:$0x1E900] =	vst v63  }
0x32: {  	s28 =	simm.s32 $0x80  }
0x33: {  	[tilespmem:s19], [sflag:$0x2] =	stream.indirect.gather [hbm4b:s4+s18], $0x80, s28, s18, $0xb8;
	[tilespmem:$0x1E900] =	vst v63  }
0x34: {  	s28 =	sadd.s32 $0x0, s14  }
0x35: {  	[tilespmem:s20], [sflag:$0x5] =	stream.linear.gather [hbm4b:s28+s3], $0x80, $0x38;
	[tilespmem:$0x1E900] =	vst v63  }
0x36: {  	_ =	swait.ge [sflag:s17], $0x80  }
0x37: {  	[sflag:s17] =	ssyncset.done $0x0  }
0x38: {  	s28 =	sadd.s32 $0x0, s15;
	[sflag:s17] =	ssyncadd.s32 $0xFFFFFF80  }
0x39: {  	[tilespmem:s21], [sflag:$0x5] =	stream.linear.gather [hbm4b:s28+s3], $0x80, $0x38;
	[tilespmem:$0x1E900] =	vst v63  }
0x3a: {  	_ =	swait.ge [sflag:s17], $0x80  }
0x3b: {  	[sflag:s17] =	ssyncset.done $0x0  }
0x3c: {  	[sflag:s17] =	ssyncadd.s32 $0xFFFFFF80  }
0x3d: {  	_ =	swait.ge [sflag:s22], $0x4000  }
0x3e: {  	[sflag:s22] =	ssyncset.done $0x0  }
0x3f: {  	[sflag:s22] =	ssyncadd.s32 $0xFFFFC000  }
0x40: {  	[spmem:s2] =	stream.indirect.scatter.add.f32 [tilespmem:s16], [sflag:$0x3], $0x80, s20, s18, $0xb8;
	[tilespmem:$0x1E900] =	vst v63  }
0x41: {  	_ =	swait.ge [sflag:s23], $0x4000  }
0x42: {  	[sflag:s23] =	ssyncset.done $0x0  }
0x43: {  	[sflag:s23] =	ssyncadd.s32 $0xFFFFC000  }
0x44: {  	[spmem:s2] =	stream.indirect.scatter.add.f32 [tilespmem:s19], [sflag:$0x4], $0x80, s21, s18, $0xb8;
	[tilespmem:$0x1E900] =	vst v63  }
0x45: {  	_ =	swait.ge [sflag:s24], $0x4000  }
0x46: {  	[sflag:s24] =	ssyncset.done $0x0  }
0x47: {  	[sflag:s24] =	ssyncadd.s32 $0xFFFFC000  }
0x48: {  	_ =	swait.ge [sflag:s25], $0x4000  }
0x49: {  	s29 =	simm.s32 $0x0;
	s28 =	simm.s32 $0x20;
	[sflag:s25] =	ssyncset.done $0x0  }
.LBB2_2:
0x4a: {  	p0 =	sne.s32 s28, $0x4E0;
	[sflag:s25] =	ssyncadd.s32 $0xFFFFC000;
	s29 =	sadd.s32 $0x100, s29  }
0x4b: {  	[tilespmem:s16], [sflag:$0x1] =	stream.indirect.gather [hbm4b:s4+s18], $0x80, s29, s18, $0xb8;
	[tilespmem:$0x1E900] =	vst v63  }
0x4c: {  	s31 =	smov.u32 s28;
	s28 =	sadd.s32 $0x20, s28;
	s30 =	sadd.s32 $0x80, s29  }
0x4d: {  	[tilespmem:s19], [sflag:$0x2] =	stream.indirect.gather [hbm4b:s4+s18], $0x80, s30, s18, $0xb8;
	[tilespmem:$0x1E900] =	vst v63  }
0x4e: {  	s30 =	sadd.s32 s31, s14  }
0x4f: {  	[tilespmem:s20], [sflag:$0x5] =	stream.linear.gather [hbm4b:s30+s3], $0x80, $0x38;
	[tilespmem:$0x1E900] =	vst v63  }
0x50: {  	_ =	swait.ge [sflag:s17], $0x80  }
0x51: {  	[sflag:s17] =	ssyncset.done $0x0  }
0x52: {  	s30 =	sadd.s32 s31, s15;
	[sflag:s17] =	ssyncadd.s32 $0xFFFFFF80  }
0x53: {  	[tilespmem:s21], [sflag:$0x5] =	stream.linear.gather [hbm4b:s30+s3], $0x80, $0x38;
	[tilespmem:$0x1E900] =	vst v63  }
0x54: {  	_ =	swait.ge [sflag:s17], $0x80  }
0x55: {  	[sflag:s17] =	ssyncset.done $0x0  }
0x56: {  	[sflag:s17] =	ssyncadd.s32 $0xFFFFFF80  }
0x57: {  	_ =	swait.ge [sflag:s22], $0x4000  }
0x58: {  	[sflag:s22] =	ssyncset.done $0x0  }
0x59: {  	[sflag:s22] =	ssyncadd.s32 $0xFFFFC000  }
0x5a: {  	[spmem:s2] =	stream.indirect.scatter.add.f32 [tilespmem:s16], [sflag:$0x3], $0x80, s20, s18, $0xb8;
	[tilespmem:$0x1E900] =	vst v63  }
0x5b: {  	_ =	swait.ge [sflag:s23], $0x4000  }
0x5c: {  	[sflag:s23] =	ssyncset.done $0x0  }
0x5d: {  	[sflag:s23] =	ssyncadd.s32 $0xFFFFC000  }
0x5e: {  	[spmem:s2] =	stream.indirect.scatter.add.f32 [tilespmem:s19], [sflag:$0x4], $0x80, s21, s18, $0xb8;
	[tilespmem:$0x1E900] =	vst v63  }
.Ltmp0:
0x5f: {  	_ =	swait.ge [sflag:s24], $0x4000;
	(pc) =	sbr.rel @p0 .LBB2_2-.Ltmp0, $4  }
0x60: {  	[sflag:s24] =	ssyncset.done $0x0  }
0x61: {  	[sflag:s24] =	ssyncadd.s32 $0xFFFFC000  }
0x62: {  	_ =	swait.ge [sflag:s25], $0x4000  }
0x63: {  	[sflag:s25] =	ssyncset.done $0x0  }
0x64: {  	[sflag:s25] =	ssyncadd.s32 $0xFFFFC000;
	s26 =	sadd.s32 $0x1, s26  }
0x65: {  	s28 =	sshll.u32 s0, $0x6;
	s29 =	sshrl.u32 s6, $0x3;
	p0 =	sne.s32 s26, s9  }
.Ltmp1:
0x66: {  	[bflag:$0x0] =	sbarrier.arrive $0xFFFF;
	s28 =	sor.u32 $0x1C05, s28;
	(pc) =	sbr.rel @p0 .LBB2_1-.Ltmp1, $4  }
0x67: {  	[hbm:s8], [sflag:s28] =	dma.local [spmem:s29], $0x2800  }
0x68: {  	_ =	swait.ge [sflag:s17], $0x2800  }
0x69: {  	[sflag:s17] =	ssyncset.done $0x0  }
0x6a: {  	[sflag:s17] =	ssyncadd.s32 $0xFFFFD800  }
0x6b: {  	_ =	sfence.sel $0x180000  }
0x6c: {  	[bflag:$0x0] =	sbarrier.arrive $0xFFFF  }
0x6d: {  	p0 =	sne.s32 s0, $0x0;
	_ =	strace $0x90000050  }
0x6e: {  	s0 =	sadd.s32 @!p0 $0x100000, s1;
	[bflag:$0x2] =	sbarrier.arrive $0xFFFF  }
0x6f: {  	[sflag:s0] =	ssyncadd.tile.s32 @!p0 $0x1;
	_ =	shalt  }
.Lfunc_end2:
_tile_overlayer_lowered:
.L_overlay_start_2:
0x70: {  	(tag) =	ssettag $0x2  }
0x71: {  	s0 =	rddreg [dreg:$0x0];
	s2 =	stileid.u32  }
0x72: {  	s1 =	rddreg [dreg:$0x1];
	p0 =	sne.s32 s2, $0x0  }
0x73: {  	s3 =	rddreg [dreg:$0x2];
	[bflag:$0x3] =	sbarrier.arrive $0xFFFF;
	s2 =	simm.s32 @!p0 $0x1C05  }
0x74: {  	[timem:s3], [sflag:s2] =	dma.local @!p0 [hbm:s0], s1  }
0x75: {  	s0 =	simm.s32 @!p0 $0x5  }
0x76: {  	_ =	swait.ge @!p0 [sflag:s0], s1  }
0x77: {  	s1 =	ssub.s32 @!p0 $0x0, s1;
	[sflag:s0] =	ssyncset.done @!p0 $0x0  }
0x78: {  	[sflag:s0] =	ssyncadd.s32 @!p0 s1  }
0x79: {  	[bflag:$0x3] =	sbarrier.arrive $0xFFFF  }
0x7a: {  	_ =	shalt  }

// kernel: kernel.25.cloned.1.call-start
scs
__scs_entry_jumppad:
0x0: {  	(pc) =	sbr.rel $0x88, $3  }
0x1: {  	(tag) =	ssettag $0x0;
	lr =	simm.s32 $0x1  }
0x2: {  	[smem:$0x3F9A] =	sst lr;
	_ =	strace $0xD0000000  }
0x3: {  	_ = 	snop  }
0x4: {  	_ = 	snop  }
0x5: {  	_ = 	snop  }
0x6: {  	_ = 	snop  }
0x7: {  	_ = 	snop  }
__scs_overlays_trampoline_lowered:
0x8: {  	[smem:$0x3FA9] =	sst s0  }
0x9: {  	[smem:$0x3FAA] =	sst s1  }
0xa: {  	[smem:$0x3FAB] =	sst s2  }
0xb: {  	[smem:$0x3FAC] =	sst s3  }
0xc: {  	[smem:$0x3FAD] =	sst s4  }
0xd: {  	[smem:$0x3FAE] =	sst s5  }
0xe: {  	[smem:$0x3FAF] =	sst s6  }
0xf: {  	[smem:$0x3FB0] =	sst s7  }
0x10: {  	[smem:$0x3FB1] =	sst s8  }
0x11: {  	[smem:$0x3FB2] =	sst s9;
	s0 =	simm.s32 @!p0 $0x0  }
0x12: {  	s1 =	sld [smem:$0x3F98];
	s0 =	simm.s32 @p0 $0x1  }
0x13: {  	[smem:$0x3FB3] =	sst s0;
	s0 =	simm.s32 @!p1 $0x0  }
0x14: {  	s2 =	sld [smem:$0x3F97];
	s0 =	simm.s32 @p1 $0x1  }
0x15: {  	[smem:$0x3FB4] =	sst s0;
	s0 =	simm.s32 @!p2 $0x0  }
0x16: {  	s3 =	sld [smem:$0x3FDB];
	s0 =	simm.s32 @p2 $0x1  }
0x17: {  	s4 =	simm.s32 $0x1BF5;
	[smem:$0x3FB6] =	sst s0  }
0x18: {  	s0 =	sld [smem:$0x3F99];
	_ =	swait.ge [sflag:s4], $0x0  }
0x19: {  	s7 =	sld [smem:$0x3F9A]  }
0x1a: {  	s8 =	sadd.s32 $0xFFFFE003, lr  }
0x1b: {  	s9 =	sadd.s32 $0xFFFFFEF7, lr;
	s5 =	simm.s32 $0xFFFFFFFF;
	p2 =	slt.u32 s8, $0xFFFFF086  }
0x1c: {  	p1 =	slt.u32 s9, $0xF7A;
	s5 =	simm.s32 @!p2 $0x0  }
0x1d: {  	s5 =	simm.s32 @p1 $0x1;
	p0 =	seq.s32 s7, s2  }
0x1e: {  	s7 =	smul.u32 @!p0 $0xF7A, s2;
	p2 =	seq.s32 @!p0 s5, $0x0  }
0x1f: {  	s9 =	smul.u32 $0xF7A, s1;
	s8 =	simm.s32 @!p0 $0x1BF5;
	p2 =	por !p2, p0  }
0x20: {  	[sflag:s8] =	ssyncset.s32 @!p0 $0xFFFFF086;
	s6 =	sadd.s32 @!p0 s3, s7;
	s7 =	simm.s32 @!p0 $0x108  }
0x21: {  	s3 =	sadd.s32 s3, s9;
	s6 =	sadd.s32 @!p0 $0x88, s6;
	s7 =	simm.s32 @p2 $0x1082  }
0x22: {  	[simem:s7], [sflag:s8] =	dma.local @!p0 [hbm:s6], $0xF7A  }
0x23: {  	s9 =	sor.u32 $0xD0000000, s2;
	s6 =	simm.s32 $0x108;
	_ =	swait.ge @!p0 [sflag:s8], $0x0  }
0x24: {  	s3 =	sadd.s32 $0x88, s3;
	s6 =	simm.s32 @!p1 $0x1082;
	[sflag:s4] =	ssyncset.s32 $0xFFFFF086  }
0x25: {  	[simem:s6], [sflag:s4] =	dma.local [hbm:s3], $0xF7A  }
0x26: {  	[smem:$0x3F9A] =	sst s1;
	(tag) =	ssettag s2;
	_ =	strace s9  }
0x27: {  	s1 =	sld [smem:$0x3FAA]  }
0x28: {  	s2 =	sld [smem:$0x3FAB]  }
0x29: {  	s4 =	sld [smem:$0x3FAD]  }
0x2a: {  	p0 =	seq.s32 s5, $0x0;
	s5 =	sld [smem:$0x3FAE]  }
0x2b: {  	s6 =	sld [smem:$0x3FAF]  }
0x2c: {  	s7 =	sld [smem:$0x3FB0]  }
0x2d: {  	s3 =	simm.s32 $0x108;
	s8 =	sld [smem:$0x3FB1]  }
0x2e: {  	s3 =	simm.s32 @!p0 $0x1082;
	s9 =	sld [smem:$0x3FB2]  }
0x2f: {  	lr =	sadd.s32 s0, s3;
	s0 =	sld [smem:$0x3FA9]  }
0x30: {  	s3 =	sld [smem:$0x3FAC]  }
0x31: {  	[smem:$0x3FB5] =	sst s10  }
0x32: {  	s10 =	sld [smem:$0x3FB3];
	_ =	sdelay $0x3  }
0x33: {  	p0 =	seq.s32 s10, $0x1;
	s10 =	sld [smem:$0x3FB5];
	_ =	sdelay $0x3  }
0x34: {  	[smem:$0x3FB5] =	sst s10  }
0x35: {  	s10 =	sld [smem:$0x3FB4];
	_ =	sdelay $0x3  }
0x36: {  	p1 =	seq.s32 s10, $0x1;
	s10 =	sld [smem:$0x3FB5];
	_ =	sdelay $0x3  }
0x37: {  	[smem:$0x3FB5] =	sst s10  }
0x38: {  	s10 =	sld [smem:$0x3FB6]  }
0x39: {  	_ = 	snop;
	(pc) =	sbr.ind lr, $3  }
0x3a: {  	_ = 	snop  }
0x3b: {  	_ = 	snop  }
0x3c: {  	p2 =	seq.s32 s10, $0x1;
	s10 =	sld [smem:$0x3FB5]  }
0x3d: {  	_ =	shalt  }
0x3e: {  	_ =	shalt  }
0x3f: {  	_ =	shalt  }
0x40: {  	_ =	shalt  }
0x41: {  	_ =	shalt  }
0x42: {  	_ =	shalt  }
0x43: {  	_ =	shalt  }
0x44: {  	_ =	shalt  }
0x45: {  	_ =	shalt  }
0x46: {  	_ =	shalt  }
0x47: {  	_ =	shalt  }
0x48: {  	_ =	shalt  }
0x49: {  	_ =	shalt  }
0x4a: {  	_ =	shalt  }
0x4b: {  	_ =	shalt  }
0x4c: {  	_ =	shalt  }
0x4d: {  	_ =	shalt  }
0x4e: {  	_ =	shalt  }
0x4f: {  	_ =	shalt  }
0x50: {  	_ =	shalt  }
0x51: {  	_ =	shalt  }
0x52: {  	_ =	shalt  }
0x53: {  	_ =	shalt  }
0x54: {  	_ =	shalt  }
0x55: {  	_ =	shalt  }
0x56: {  	_ =	shalt  }
0x57: {  	_ =	shalt  }
0x58: {  	_ =	shalt  }
0x59: {  	_ =	shalt  }
0x5a: {  	_ =	shalt  }
0x5b: {  	_ =	shalt  }
0x5c: {  	_ =	shalt  }
0x5d: {  	_ =	shalt  }
0x5e: {  	_ =	shalt  }
0x5f: {  	_ =	shalt  }
0x60: {  	_ =	shalt  }
0x61: {  	_ =	shalt  }
0x62: {  	_ =	shalt  }
0x63: {  	_ =	shalt  }
0x64: {  	_ =	shalt  }
0x65: {  	_ =	shalt  }
0x66: {  	_ =	shalt  }
0x67: {  	_ =	shalt  }
0x68: {  	_ =	shalt  }
0x69: {  	_ =	shalt  }
0x6a: {  	_ =	shalt  }
0x6b: {  	_ =	shalt  }
0x6c: {  	_ =	shalt  }
0x6d: {  	_ =	shalt  }
0x6e: {  	_ =	shalt  }
0x6f: {  	_ =	shalt  }
0x70: {  	_ =	shalt  }
0x71: {  	_ =	shalt  }
0x72: {  	_ =	shalt  }
0x73: {  	_ =	shalt  }
0x74: {  	_ =	shalt  }
0x75: {  	_ =	shalt  }
0x76: {  	_ =	shalt  }
0x77: {  	_ =	shalt  }
0x78: {  	_ =	shalt  }
0x79: {  	_ =	shalt  }
0x7a: {  	_ =	shalt  }
0x7b: {  	_ =	shalt  }
0x7c: {  	_ =	shalt  }
0x7d: {  	_ =	shalt  }
0x7e: {  	_ =	shalt  }
0x7f: {  	_ =	shalt  }
0x80: {  	_ =	shalt  }
0x81: {  	_ =	shalt  }
0x82: {  	_ =	shalt  }
0x83: {  	_ =	shalt  }
0x84: {  	_ =	shalt  }
0x85: {  	_ =	shalt  }
0x86: {  	_ =	shalt  }
0x87: {  	_ =	shalt  }
.Lfunc_end0:
.L_simem_size_0:
called_computation.4_lowered:
.L_overlay_start_0:
0x88: {  	s2 =	sld [smem:$0x3FD9]  }
0x89: {  	s3 =	sld [smem:$0x3FFE];
	_ =	sdelay $0x1  }
0x8a: {  	s1 =	srdreg.scid  }
0x8b: {  	s0 =	sand.u32 $0x1, s1  }
0x8c: {  	s16 =	sshll.u32 s0, $0xA;
	s2 =	sadd.s32 s3, s2  }
0x8d: {  	s2 =	sadd.s32 s2, s16  }
0x8e: {  	[smem:$0x3FC1] =	sst s2  }
0x8f: {  	_ = 	snop  }
0x90: {  	(tm) =	ssettm $0x1  }
0x91: {  	s17 =	sld [smem:$0x3FFB];
	_ =	sdelay $0x3  }
0x92: {  	_ =	strace s17  }
0x93: {  	s2 =	sld [smem:$0x3FFC];
	_ =	sdelay $0x3  }
0x94: {  	_ =	strace s2  }
0x95: {  	s2 =	sld [smem:$0x3FFD];
	_ =	sdelay $0x3  }
0x96: {  	_ =	strace s2  }
0x97: {  	_ =	strace $0x8FFFFFFF  }
0x98: {  	s18 =	sld [smem:$0x3FDB];
	_ =	sdelay $0x1  }
0x99: {  	s19 =	simm.s32 $_scs_section_size  }
0x9a: {  	s4 =	simm.s32 $_size__tile_overlayer_lowered;
	s5 =	simm.s32 $_tile_overlayer_lowered  }
0x9b: {  	s22 =	simm.s32 $0x1BFF;
	s21 =	sshll.u32 s5, $0x1;
	s2 =	sadd.s32 s19, s18  }
0x9c: {  	s6 =	simm.s32 $0x0;
	s20 =	sshll.u32 s4, $0x1;
	s4 =	sadd.s32 s21, s2  }
0x9d: {  	[timem:s6], [sflag:s22] =	dma.local [hbm:s4], s20  }
0x9e: {  	_ =	swait.ge [sflag:s22], s20  }
0x9f: {  	s3 =	ssub.s32 $0x0, s20;
	[sflag:s22] =	ssyncset.done $0x0  }
0xa0: {  	[sflag:s22] =	ssyncadd.s32 s3;
	_ =	sdelay $0x1  }
0xa1: {  	s23 =	simm.s32 $0x1B8B  }
0xa2: {  	_ =	swait.ge [sflag:s23], $0x1  }
0xa3: {  	[sflag:s23] =	ssyncset.done $0x0  }
0xa4: {  	s25 =	simm.s32 $0x1B8E;
	s24 =	sld [smem:$0x3FFE];
	[sflag:s23] =	ssyncadd.s32 $0xFFFFFFFF  }
0xa5: {  	s26 =	simm.s32 $execute0_lowered;
	[smem:$0x3FD2] =	sst s25  }
0xa6: {  	s4 =	sshll.u32 s26, $0x1;
	_ =	strace $0x80000052;
	[dreg:$0x1] =	wrdreg $0xFFFFFFFF  }
0xa7: {  	s28 =	simm.s32 $_size_execute0_lowered;
	s2 =	sadd.s32 s2, s4;
	[dreg:$0x0] =	wrdreg $0x0  }
0xa8: {  	s4 =	sshll.u32 s28, $0x1;
	[dreg:$0x2] =	wrdreg s2  }
0xa9: {  	[dreg:$0x3] =	wrdreg s4  }
0xaa: {  	[dreg:$0x4] =	wrdreg $0xC0  }
0xab: {  	_ =	task [dreg:s6], $0x5FFFF  }
0xac: {  	[dreg:$0x1] =	wrdreg $0xFFFFFFFF  }
0xad: {  	[dreg:$0x0] =	wrdreg $0x60  }
0xae: {  	[dreg:$0x2] =	wrdreg s24  }
0xaf: {  	[dreg:$0x3] =	wrdreg $0xA9000  }
0xb0: {  	[dreg:$0x4] =	wrdreg $0x9  }
0xb1: {  	_ =	task.clear_ibuf [dreg:s6], $0x5FFFF;
	_ =	strace $0x90000052  }
0xb2: {  	s29 =	simm.s32 $0x9;
	_ =	strace $0x80000054  }
0xb3: {  	_ =	swait.ge [sflag:s29], $0x1  }
0xb4: {  	[sflag:s29] =	ssyncadd.s32 $0xFFFFFFFF  }
0xb5: {  	_ =	strace $0x90000054  }
0xb6: {  	_ =	sfence  }
0xb7: {  	s30 =	sld [smem:$0x0];
	_ =	sdelay $0x2  }
0xb8: {  	s31 =	sshll.u32 s1, $0xD;
	s1 =	sshrl.u32 s1, $0x2  }
0xb9: {  	s3 =	sand.u32 $0x4000, s31;
	s1 =	sadd.s32 s1, s30  }
0xba: {  	s0 =	sor.u32 s3, s0;
	s1 =	sshll.u32 s1, $0x11  }
0xbb: {  	s0 =	sor.u32 s1, s0  }
0xbc: {  	s0 =	sadd.s32 $0x8F2B, s0  }
0xbd: {  	[sflag:s0] =	ssyncadd.remote.s32 $0x1  }
0xbe: {  	_ =	sfence.sel $0xFFFF  }
0xbf: {  	[dreg:$0x0] =	wrdreg $0xFFFFFFFF;
	(pc) =	sbr.abs _section_cstart, $3  }
0xc0: {  	[dreg:$0x1] =	wrdreg $0xFFFFFFFF  }
0xc1: {  	_ =	task.clear_ibuf [dreg:s6], $0x2FFFF;
	_ =	strace $0x9FFFFFFF  }
0xc2: {  	(tm) =	ssettm $0x7FFFFFFF  }
0xc3: {  	_ =	shalt  }
tec
execute0_lowered:
.L_overlay_start_1:
0x0: {  	(tag) =	ssettag $0x1  }
0x1: {  	s1 =	srdreg.scid  }
0x2: {  	s0 =	stileid.u32;
	s6 =	rddreg [dreg:$0x0]  }
0x3: {  	s2 =	rddreg [dreg:$0x1];
	s3 =	simm.s32 $0x0;
	s17 =	simm.s32 $0x5  }
0x4: {  	s18 =	simm.s32 $0x80;
	s19 =	simm.s32 $0x6900;
	s20 =	simm.s32 $0x2800  }
0x5: {  	s21 =	simm.s32 $0x2880;
	s22 =	simm.s32 $0x1;
	s8 =	smul.u32 $0x14000, s0  }
0x6: {  	s23 =	simm.s32 $0x2;
	s24 =	simm.s32 $0x3;
	s10 =	smul.u32 $0x50000, s0  }
0x7: {  	s25 =	simm.s32 $0x4;
	s7 =	sand.u32 $0x1, s1;
	s12 =	smul.u32 $0x5000, s0  }
0x8: {  	s26 =	simm.s32 $0x0;
	s30 =	sshll.u32 s0, $0x1;
	s5 =	smul.u32 $0x140000, s7  }
0x9: {  	[smem:$0x7FF] =	sst s3;
	s1 =	sor.u32 s7, s30;
	s13 =	smul.u32 $0x2800, s7  }
0xa: {  	s15 =	sadd.s32 $0x17E00, s6;
	s31 =	ssub.s32 $0x2, s7;
	s4 =	smul.u32 $0x2800, s1  }
0xb: {  	s1 =	rddreg [dreg:$0x2];
	_ =	strace $0x80000053;
	s11 =	sshrl.u32 s31, $0x1  }
0xc: {  	s10 =	sshrl.u32 s10, $0x2;
	s5 =	sadd.s32 s8, s5;
	s11 =	ssub.s32 s31, s11  }
0xd: {  	s13 =	sadd.s32 s13, s12;
	s9 =	sshrl.u32 s4, $0x3;
	s4 =	sadd.s32 $0x26E00, s6  }
0xe: {  	s8 =	sshrl.u32 s5, $0x3;
	s5 =	sadd.s32 $0x25E00, s6;
	s14 =	sshrl.u32 s13, $0x3  }
0xf: {  	s16 =	sor.u32 $0x80, s13;
	s9 =	sadd.s32 s9, s6;
	s8 =	sadd.s32 s8, s6  }
0x10: {  	s6 =	sadd.s32 s10, s2;
	s14 =	sadd.s32 s14, s15;
	s16 =	sshrl.u32 s16, $0x3  }
0x11: {  	s7 =	sadd.s32 $0xDE00, s9;
	s8 =	sadd.s32 $0x9EE00, s8;
	s9 =	smax.u32 s11, $0x1  }
0x12: {  	s10 =	sadd.s32 $0x4000, s6;
	s11 =	sadd.s32 $0x8000, s6;
	s12 =	sadd.s32 $0xC000, s6  }
0x13: {  	s13 =	sadd.s32 $0x10000, s6;
	s15 =	sadd.s32 s16, s15;
	s16 =	simm.s32 $0x2900  }
.LBB2_1:
0x14: {  	[tilespmem:s16], [sflag:$0x5] =	stream.linear.gather [hbm4b:s5+s3], $0x4000, $0x38;
	[tilespmem:$0x1E900] =	vst v63  }
0x15: {  	_ =	swait.ge [sflag:s17], $0x4000  }
0x16: {  	[sflag:s17] =	ssyncset.done $0x0  }
0x17: {  	[sflag:s17] =	ssyncadd.s32 $0xFFFFC000  }
0x18: {  	[spmem:s6] =	stream.linear.scatter [tilespmem:s16], [sflag:$0x5], $0x4000, $0x38;
	[tilespmem:$0x1E900] =	vst v63  }
0x19: {  	_ =	swait.ge [sflag:s17], $0x4000  }
0x1a: {  	[sflag:s17] =	ssyncset.done $0x0  }
0x1b: {  	[sflag:s17] =	ssyncadd.s32 $0xFFFFC000  }
0x1c: {  	[spmem:s10] =	stream.linear.scatter [tilespmem:s16], [sflag:$0x5], $0x4000, $0x38;
	[tilespmem:$0x1E900] =	vst v63  }
0x1d: {  	_ =	swait.ge [sflag:s17], $0x4000  }
0x1e: {  	[sflag:s17] =	ssyncset.done $0x0  }
0x1f: {  	[sflag:s17] =	ssyncadd.s32 $0xFFFFC000  }
0x20: {  	[spmem:s11] =	stream.linear.scatter [tilespmem:s16], [sflag:$0x5], $0x4000, $0x38;
	[tilespmem:$0x1E900] =	vst v63  }
0x21: {  	_ =	swait.ge [sflag:s17], $0x4000  }
0x22: {  	[sflag:s17] =	ssyncset.done $0x0  }
0x23: {  	[sflag:s17] =	ssyncadd.s32 $0xFFFFC000  }
0x24: {  	[spmem:s12] =	stream.linear.scatter [tilespmem:s16], [sflag:$0x5], $0x4000, $0x38;
	[tilespmem:$0x1E900] =	vst v63  }
0x25: {  	_ =	swait.ge [sflag:s17], $0x4000  }
0x26: {  	[sflag:s17] =	ssyncset.done $0x0  }
0x27: {  	[sflag:s17] =	ssyncadd.s32 $0xFFFFC000  }
0x28: {  	[spmem:s13] =	stream.linear.scatter [tilespmem:s16], [sflag:$0x5], $0x4000, $0x38;
	[tilespmem:$0x1E900] =	vst v63  }
0x29: {  	_ =	swait.ge [sflag:s17], $0x4000  }
0x2a: {  	[sflag:s17] =	ssyncset.done $0x0  }
0x2b: {  	[sflag:s17] =	ssyncadd.s32 $0xFFFFC000  }
0x2c: {  	[tilespmem:s3], [sflag:$0x5] =	stream.linear.gather [hbm4b:s7+s3], $0x2800, $0x38;
	[tilespmem:$0x1E900] =	vst v63  }
0x2d: {  	_ =	swait.ge [sflag:s17], $0x2800  }
0x2e: {  	[sflag:s17] =	ssyncset.done $0x0  }
0x2f: {  	[sflag:s17] =	ssyncadd.s32 $0xFFFFD800  }
0x30: {  	[bflag:$0x0] =	sbarrier.arrive $0xFFFF  }
0x31: {  	[tilespmem:s16], [sflag:$0x1] =	stream.indirect.gather [hbm4b:s4+s18], $0x80, s3, s18, $0xb8;
	[tilespmem:$0x1E900] =	vst v63  }
0x32: {  	s28 =	simm.s32 $0x80  }
0x33: {  	[tilespmem:s19], [sflag:$0x2] =	stream.indirect.gather [hbm4b:s4+s18], $0x80, s28, s18, $0xb8;
	[tilespmem:$0x1E900] =	vst v63  }
0x34: {  	s28 =	sadd.s32 $0x0, s14  }
0x35: {  	[tilespmem:s20], [sflag:$0x5] =	stream.linear.gather [hbm4b:s28+s3], $0x80, $0x38;
	[tilespmem:$0x1E900] =	vst v63  }
0x36: {  	_ =	swait.ge [sflag:s17], $0x80  }
0x37: {  	[sflag:s17] =	ssyncset.done $0x0  }
0x38: {  	s28 =	sadd.s32 $0x0, s15;
	[sflag:s17] =	ssyncadd.s32 $0xFFFFFF80  }
0x39: {  	[tilespmem:s21], [sflag:$0x5] =	stream.linear.gather [hbm4b:s28+s3], $0x80, $0x38;
	[tilespmem:$0x1E900] =	vst v63  }
0x3a: {  	_ =	swait.ge [sflag:s17], $0x80  }
0x3b: {  	[sflag:s17] =	ssyncset.done $0x0  }
0x3c: {  	[sflag:s17] =	ssyncadd.s32 $0xFFFFFF80  }
0x3d: {  	_ =	swait.ge [sflag:s22], $0x4000  }
0x3e: {  	[sflag:s22] =	ssyncset.done $0x0  }
0x3f: {  	[sflag:s22] =	ssyncadd.s32 $0xFFFFC000  }
0x40: {  	[spmem:s2] =	stream.indirect.scatter.add.f32 [tilespmem:s16], [sflag:$0x3], $0x80, s20, s18, $0xb8;
	[tilespmem:$0x1E900] =	vst v63  }
0x41: {  	_ =	swait.ge [sflag:s23], $0x4000  }
0x42: {  	[sflag:s23] =	ssyncset.done $0x0  }
0x43: {  	[sflag:s23] =	ssyncadd.s32 $0xFFFFC000  }
0x44: {  	[spmem:s2] =	stream.indirect.scatter.add.f32 [tilespmem:s19], [sflag:$0x4], $0x80, s21, s18, $0xb8;
	[tilespmem:$0x1E900] =	vst v63  }
0x45: {  	_ =	swait.ge [sflag:s24], $0x4000  }
0x46: {  	[sflag:s24] =	ssyncset.done $0x0  }
0x47: {  	[sflag:s24] =	ssyncadd.s32 $0xFFFFC000  }
0x48: {  	_ =	swait.ge [sflag:s25], $0x4000  }
0x49: {  	s29 =	simm.s32 $0x0;
	s28 =	simm.s32 $0x20;
	[sflag:s25] =	ssyncset.done $0x0  }
.LBB2_2:
0x4a: {  	p0 =	sne.s32 s28, $0x4E0;
	[sflag:s25] =	ssyncadd.s32 $0xFFFFC000;
	s29 =	sadd.s32 $0x100, s29  }
0x4b: {  	[tilespmem:s16], [sflag:$0x1] =	stream.indirect.gather [hbm4b:s4+s18], $0x80, s29, s18, $0xb8;
	[tilespmem:$0x1E900] =	vst v63  }
0x4c: {  	s31 =	smov.u32 s28;
	s28 =	sadd.s32 $0x20, s28;
	s30 =	sadd.s32 $0x80, s29  }
0x4d: {  	[tilespmem:s19], [sflag:$0x2] =	stream.indirect.gather [hbm4b:s4+s18], $0x80, s30, s18, $0xb8;
	[tilespmem:$0x1E900] =	vst v63  }
0x4e: {  	s30 =	sadd.s32 s31, s14  }
0x4f: {  	[tilespmem:s20], [sflag:$0x5] =	stream.linear.gather [hbm4b:s30+s3], $0x80, $0x38;
	[tilespmem:$0x1E900] =	vst v63  }
0x50: {  	_ =	swait.ge [sflag:s17], $0x80  }
0x51: {  	[sflag:s17] =	ssyncset.done $0x0  }
0x52: {  	s30 =	sadd.s32 s31, s15;
	[sflag:s17] =	ssyncadd.s32 $0xFFFFFF80  }
0x53: {  	[tilespmem:s21], [sflag:$0x5] =	stream.linear.gather [hbm4b:s30+s3], $0x80, $0x38;
	[tilespmem:$0x1E900] =	vst v63  }
0x54: {  	_ =	swait.ge [sflag:s17], $0x80  }
0x55: {  	[sflag:s17] =	ssyncset.done $0x0  }
0x56: {  	[sflag:s17] =	ssyncadd.s32 $0xFFFFFF80  }
0x57: {  	_ =	swait.ge [sflag:s22], $0x4000  }
0x58: {  	[sflag:s22] =	ssyncset.done $0x0  }
0x59: {  	[sflag:s22] =	ssyncadd.s32 $0xFFFFC000  }
0x5a: {  	[spmem:s2] =	stream.indirect.scatter.add.f32 [tilespmem:s16], [sflag:$0x3], $0x80, s20, s18, $0xb8;
	[tilespmem:$0x1E900] =	vst v63  }
0x5b: {  	_ =	swait.ge [sflag:s23], $0x4000  }
0x5c: {  	[sflag:s23] =	ssyncset.done $0x0  }
0x5d: {  	[sflag:s23] =	ssyncadd.s32 $0xFFFFC000  }
0x5e: {  	[spmem:s2] =	stream.indirect.scatter.add.f32 [tilespmem:s19], [sflag:$0x4], $0x80, s21, s18, $0xb8;
	[tilespmem:$0x1E900] =	vst v63  }
.Ltmp0:
0x5f: {  	_ =	swait.ge [sflag:s24], $0x4000;
	(pc) =	sbr.rel @p0 .LBB2_2-.Ltmp0, $4  }
0x60: {  	[sflag:s24] =	ssyncset.done $0x0  }
0x61: {  	[sflag:s24] =	ssyncadd.s32 $0xFFFFC000  }
0x62: {  	_ =	swait.ge [sflag:s25], $0x4000  }
0x63: {  	[sflag:s25] =	ssyncset.done $0x0  }
0x64: {  	[sflag:s25] =	ssyncadd.s32 $0xFFFFC000;
	s26 =	sadd.s32 $0x1, s26  }
0x65: {  	s28 =	sshll.u32 s0, $0x6;
	s29 =	sshrl.u32 s6, $0x3;
	p0 =	sne.s32 s26, s9  }
.Ltmp1:
0x66: {  	[bflag:$0x0] =	sbarrier.arrive $0xFFFF;
	s28 =	sor.u32 $0x1C05, s28;
	(pc) =	sbr.rel @p0 .LBB2_1-.Ltmp1, $4  }
0x67: {  	[hbm:s8], [sflag:s28] =	dma.local [spmem:s29], $0x2800  }
0x68: {  	_ =	swait.ge [sflag:s17], $0x2800  }
0x69: {  	[sflag:s17] =	ssyncset.done $0x0  }
0x6a: {  	[sflag:s17] =	ssyncadd.s32 $0xFFFFD800  }
0x6b: {  	_ =	sfence.sel $0x180000  }
0x6c: {  	[bflag:$0x0] =	sbarrier.arrive $0xFFFF  }
0x6d: {  	p0 =	sne.s32 s0, $0x0;
	_ =	strace $0x90000053  }
0x6e: {  	s0 =	sadd.s32 @!p0 $0x100000, s1;
	[bflag:$0x2] =	sbarrier.arrive $0xFFFF  }
0x6f: {  	[sflag:s0] =	ssyncadd.tile.s32 @!p0 $0x1;
	_ =	shalt  }
.Lfunc_end2:
_tile_overlayer_lowered:
.L_overlay_start_2:
0x70: {  	(tag) =	ssettag $0x2  }
0x71: {  	s0 =	rddreg [dreg:$0x0];
	s2 =	stileid.u32  }
0x72: {  	s1 =	rddreg [dreg:$0x1];
	p0 =	sne.s32 s2, $0x0  }
0x73: {  	s3 =	rddreg [dreg:$0x2];
	[bflag:$0x3] =	sbarrier.arrive $0xFFFF;
	s2 =	simm.s32 @!p0 $0x1C05  }
0x74: {  	[timem:s3], [sflag:s2] =	dma.local @!p0 [hbm:s0], s1  }
0x75: {  	s0 =	simm.s32 @!p0 $0x5  }
0x76: {  	_ =	swait.ge @!p0 [sflag:s0], s1  }
0x77: {  	s1 =	ssub.s32 @!p0 $0x0, s1;
	[sflag:s0] =	ssyncset.done @!p0 $0x0  }
0x78: {  	[sflag:s0] =	ssyncadd.s32 @!p0 s1  }
0x79: {  	[bflag:$0x3] =	sbarrier.arrive $0xFFFF  }
0x7a: {  	_ =	shalt  }

</sc_bundles>
